<compile_context>
chip_gen: v7x
topology: tpu7x:2x2x1
jax: 0.10.2.dev20260603
libtpu: 0.0.44.dev20260713+nightly
codegen_flags: <defaults>
</compile_context>

<pallas_src>
import functools

import jax
import jax.numpy as jnp
from jax import lax
from jax.experimental import pallas as pl
from jax.experimental.pallas import tpu as pltpu
from jax.experimental.pallas import tpu_sc as plsc

N = 10000
D = 128
E = 320000
NTILES = 32
CHUNK = 128
CPG = 8
GA = 10
GB = 10
CH_A = GA * CPG
CH_B = GB * CPG
EPG = CPG * CHUNK
TOT_CHUNKS = 16 * (CH_A + CH_B)
TOT_GROUPS = TOT_CHUNKS // CPG
EPAD = TOT_CHUNKS * CHUNK
NPAD = 10112
NROWS = 79
NSP = 10112
BLK = 2000


def _prep_body(x_ref, w_ref, b_ref, wa_ref, ba_ref, feat_ref, a_ref):
    feat = jnp.dot(x_ref[...], w_ref[...],
                   preferred_element_type=jnp.float32) + b_ref[...]
    feat_ref[...] = feat
    a_ref[...] = jnp.dot(feat, wa_ref[...],
                         preferred_element_type=jnp.float32) + ba_ref[...]


def _prep(features, W, b2d, wa, ba):
    return pl.pallas_call(
        _prep_body,
        grid=(N // BLK,),
        in_specs=[
            pl.BlockSpec((BLK, D), lambda i: (i, 0)),
            pl.BlockSpec((D, D), lambda i: (0, 0)),
            pl.BlockSpec((1, D), lambda i: (0, 0)),
            pl.BlockSpec((D, 2), lambda i: (0, 0)),
            pl.BlockSpec((1, 2), lambda i: (0, 0)),
        ],
        out_specs=[
            pl.BlockSpec((BLK, D), lambda i: (i, 0)),
            pl.BlockSpec((BLK, 2), lambda i: (i, 0)),
        ],
        out_shape=[
            jax.ShapeDtypeStruct((N, D), jnp.float32),
            jax.ShapeDtypeStruct((N, 2), jnp.float32),
        ],
    )(features, W, b2d, wa, ba)


def _ex_body(src_hbm, dst_hbm, a1_hbm, a2_hbm, ex_out, denom_out,
             a1_v, a2_v, src_v, dst_v, ex_v, den_v):
    cid = lax.axis_index("c")
    sid = lax.axis_index("s")
    start_chunk = jnp.where(cid == 0, sid * CH_A, 16 * CH_A + sid * CH_B)
    start_group = start_chunk // CPG
    ngrp = jnp.where(cid == 0, GA, GB)

    pltpu.sync_copy(a1_hbm, a1_v)
    pltpu.sync_copy(a2_hbm, a2_v)

    def zden(i, carry):
        for c in range(8):
            den_v[i, pl.ds(c * 16, 16)] = jnp.zeros((16,), jnp.float32)
        return carry
    lax.fori_loop(0, NROWS, zden, 0)

    def group_body(gi, carry):
        pltpu.sync_copy(src_hbm.at[pl.ds(start_chunk + gi * CPG, CPG)], src_v)
        pltpu.sync_copy(dst_hbm.at[pl.ds(start_chunk + gi * CPG, CPG)], dst_v)

        def vec_body(j, c2):
            for u in range(4):
                jj = 4 * j + u
                r = lax.div(jj, CHUNK // 16)
                o = lax.rem(jj, CHUNK // 16) * 16
                sv = src_v[r, pl.ds(o, 16)]
                dn = dst_v[r, pl.ds(o, 16)]
                v = plsc.load_gather(a1_v, [sv]) + plsc.load_gather(a2_v, [dn])
                v = jnp.where(v >= 0.0, v, 0.01 * v)
                e = jnp.exp(v)
                ex_v[pl.ds(jj * 16, 16)] = e
                plsc.addupdate_scatter(
                    den_v,
                    [lax.shift_right_logical(sv, 7), lax.bitwise_and(sv, 127)],
                    e)
            return c2
        lax.fori_loop(0, EPG // 64, vec_body, 0)

        pltpu.sync_copy(ex_v, ex_out.at[start_group + gi])
        return carry
    lax.fori_loop(0, ngrp, group_body, 0)

    pltpu.sync_copy(den_v, denom_out.at[cid * 16 + sid])


_ex_call = functools.partial(
    pl.kernel,
    mesh=plsc.VectorSubcoreMesh(core_axis_name="c", subcore_axis_name="s"),
    compiler_params=pltpu.CompilerParams(needs_layout_passes=False),
    out_type=[
        jax.ShapeDtypeStruct((TOT_GROUPS, EPG), jnp.float32),
        jax.ShapeDtypeStruct((NTILES, NROWS, 128), jnp.float32),
    ],
    scratch_types=[
        pltpu.VMEM((NPAD,), jnp.float32),
        pltpu.VMEM((NPAD,), jnp.float32),
        pltpu.VMEM((CPG, CHUNK), jnp.int32),
        pltpu.VMEM((CPG, CHUNK), jnp.int32),
        pltpu.VMEM((EPG,), jnp.float32),
        pltpu.VMEM((NROWS, 128), jnp.float32),
    ],
)(_ex_body)


def _msg_body(src_hbm, dst_hbm, ex_hbm, feat_hbm, numer_out,
              src_v, dst_v, ex_v, row_a, row_b,
              numer_sh, gsem_a, gsem_b):
    cid = lax.axis_index("c")
    sid = lax.axis_index("s")
    start_chunk = jnp.where(cid == 0, sid * CH_A, 16 * CH_A + sid * CH_B)
    start_group = start_chunk // CPG
    ngrp = jnp.where(cid == 0, GA, GB)
    rows = (row_a, row_b)
    gsems = (gsem_a, gsem_b)

    def zrow(i, carry):
        for c in range(8):
            row_a[i, pl.ds(c * 16, 16)] = jnp.zeros((16,), jnp.float32)
        return carry
    lax.fori_loop(0, CHUNK, zrow, 0)
    rpt = NSP // 16
    base = sid * rpt
    for k in range(rpt // CHUNK):
        pltpu.sync_copy(row_a, numer_sh.at[pl.ds(base + k * CHUNK, CHUNK)])
    rem = rpt - (rpt // CHUNK) * CHUNK
    if rem:
        pltpu.sync_copy(row_a.at[pl.ds(0, rem)],
                        numer_sh.at[pl.ds(base + (rpt // CHUNK) * CHUNK,
                                          rem)])
    plsc.subcore_barrier()

    def _gather(b, g):
        return pltpu.make_async_copy(
            feat_hbm.at[dst_v.at[g]], rows[b], gsems[b])

    def group_body(gi, carry):
        pltpu.sync_copy(src_hbm.at[pl.ds(start_chunk + gi * CPG, CPG)], src_v)
        pltpu.sync_copy(dst_hbm.at[pl.ds(start_chunk + gi * CPG, CPG)], dst_v)
        pltpu.sync_copy(ex_hbm.at[start_group + gi], ex_v)
        _gather(0, 0).start()

        def chunk_body(p, c1):
            for b in range(2):
                g = 2 * p + b
                _gather(b, g).wait()
                if b == 0:
                    _gather(1, g + 1).start()
                else:
                    @pl.when(p < CPG // 2 - 1)
                    def _():
                        _gather(0, g + 1).start()

                rv = rows[b]

                @plsc.parallel_loop(0, CHUNK, 1, unroll=4)
                def _(j):
                    ev = plsc.load_gather(
                        ex_v,
                        [jnp.broadcast_to(g * CHUNK + j, (16,)
                                          ).astype(jnp.int32)])
                    for c in range(D // 16):
                        rv[j, pl.ds(c * 16, 16)] = (
                            rv[j, pl.ds(c * 16, 16)] * ev)

                pltpu.sync_copy(rv, numer_sh.at[src_v.at[g]], add=True)
            return c1
        lax.fori_loop(0, CPG // 2, chunk_body, 0)
        return carry
    lax.fori_loop(0, ngrp, group_body, 0)

    plsc.subcore_barrier()
    pltpu.sync_copy(numer_sh.at[pl.ds(sid * rpt, rpt)],
                    numer_out.at[cid, pl.ds(sid * rpt, rpt)])


_msg_call = functools.partial(
    pl.kernel,
    mesh=plsc.VectorSubcoreMesh(core_axis_name="c", subcore_axis_name="s"),
    compiler_params=pltpu.CompilerParams(needs_layout_passes=False),
    out_type=jax.ShapeDtypeStruct((2, NSP, D), jnp.float32),
    scratch_types=[
        pltpu.VMEM((CPG, CHUNK), jnp.int32),
        pltpu.VMEM((CPG, CHUNK), jnp.int32),
        pltpu.VMEM((EPG,), jnp.float32),
        pltpu.VMEM((CHUNK, D), jnp.float32),
        pltpu.VMEM((CHUNK, D), jnp.float32),
        pltpu.VMEM_SHARED((NSP, D), jnp.float32),
        pltpu.SemaphoreType.DMA,
        pltpu.SemaphoreType.DMA,
    ],
)(_msg_body)


def _finish_body(n_ref, d_ref, o_ref, dsum_ref):
    i = pl.program_id(0)

    @pl.when(i == 0)
    def _():
        dsum_ref[...] = jnp.sum(d_ref[...], axis=0).reshape(-1, 1)

    nsum = n_ref[0] + n_ref[1]
    d = dsum_ref[pl.ds(i * BLK, BLK), 0]
    d = jnp.where(d == 0.0, 1.0, d)
    o_ref[...] = nsum / d[:, None]


def _finish(numer, denom):
    return pl.pallas_call(
        _finish_body,
        grid=(N // BLK,),
        in_specs=[
            pl.BlockSpec((2, BLK, D), lambda i: (0, i, 0)),
            pl.BlockSpec((NTILES, NROWS * 128), lambda i: (0, 0)),
        ],
        out_specs=pl.BlockSpec((BLK, D), lambda i: (i, 0)),
        out_shape=jax.ShapeDtypeStruct((N, D), jnp.float32),
        scratch_shapes=[pltpu.VMEM((NROWS * 128, 1), jnp.float32)],
    )(numer, denom)


def kernel(features, edge_index, W, b, w_a1, b_a1, w_a2, b_a2):
    src = edge_index[0].astype(jnp.int32)
    dst = edge_index[1].astype(jnp.int32)
    npe = EPAD - E
    pad_ids = jnp.arange(npe, dtype=jnp.int32)
    src_p = jnp.concatenate(
        [src, N + pad_ids % (NPAD - N)]).reshape(TOT_CHUNKS, CHUNK)
    dst_p = jnp.concatenate(
        [dst, pad_ids * 79 % N]).reshape(TOT_CHUNKS, CHUNK)
    wa = jnp.stack([w_a1, w_a2], axis=1)
    ba = jnp.stack([b_a1, b_a2]).reshape(1, 2)
    feat, a = _prep(features, W, b.reshape(1, D), wa, ba)
    a_pad = jnp.pad(a, ((0, NPAD - N), (0, 0)), constant_values=-1e30)
    a1 = a_pad[:, 0]
    a2 = a_pad[:, 1]
    ex, denom = _ex_call(src_p, dst_p, a1, a2)
    numer = _msg_call(src_p, dst_p, ex, feat)
    return _finish(numer, denom.reshape(NTILES, NROWS * 128))

# --- scband reference (transcript-rebuilt; emitter-appended) ---
"""Pipeline reference for scband-satlayer-68143951118413 (READ-ONLY COPY).

The authoritative reference and input builder live on the scoring server;
editing this copy changes nothing except your own understanding.
"""

import jax, jax.numpy as jnp
import numpy as np

N = 10000
E = 320000
D_IN = 128
D_OUT = 128

def setup_inputs(seed: int = 0) -> dict:
    key = jax.random.key(seed)
    k1, k2, k3, k4, k5, k6, k7, k8 = jax.random.split(key, 8)
    features = jax.random.normal(k1, (N, D_IN), dtype=jnp.float32)
    edge_index = jax.random.randint(k2, (2, E), 0, N, dtype=jnp.int64)
    W = jax.random.normal(k3, (D_IN, D_OUT), dtype=jnp.float32) * (1.0 / np.sqrt(D_IN))
    b = jax.random.normal(k4, (D_OUT,), dtype=jnp.float32) * 0.01
    w_a1 = jax.random.normal(k5, (D_OUT,), dtype=jnp.float32) * (1.0 / np.sqrt(D_OUT))
    b_a1 = jax.random.normal(k6, (), dtype=jnp.float32) * 0.01
    w_a2 = jax.random.normal(k7, (D_OUT,), dtype=jnp.float32) * (1.0 / np.sqrt(D_OUT))
    b_a2 = jax.random.normal(k8, (), dtype=jnp.float32) * 0.01
    return {"features": features, "edge_index": edge_index, "W": W, "b": b,
            "w_a1": w_a1, "b_a1": b_a1, "w_a2": w_a2, "b_a2": b_a2}


def reference(features, edge_index, W, b, w_a1, b_a1, w_a2, b_a2):
    n = features.shape[0]
    # features = self.layer(features)
    feat = features @ W + b                      # [N, D_OUT]
    # a_1 / a_2 attention scalars per node
    a1 = feat @ w_a1 + b_a1                      # [N]
    a2 = feat @ w_a2 + b_a2                      # [N]
    src = edge_index[0]
    dst = edge_index[1]
    # v[k] = a1[src_k] + a2[dst_k], then LeakyReLU (slope 0.01)
    v = a1[src] + a2[dst]                        # [E]
    v = jnp.where(v >= 0, v, 0.01 * v)
    # sparse softmax over dim=1 (per src row)
    seg_max = jax.ops.segment_max(v, src, num_segments=n)
    seg_max = jnp.where(jnp.isfinite(seg_max), seg_max, 0.0)
    ex = jnp.exp(v - seg_max[src])
    denom = jax.ops.segment_sum(ex, src, num_segments=n)
    att = ex / denom[src]                        # [E]
    # attr_sparse values = attention * features[dst]; sum over dim=1 -> segment sum over src
    msg = att[:, None] * feat[dst]               # [E, D_OUT]
    out = jax.ops.segment_sum(msg, src, num_segments=n)  # [N, D_OUT]
    return out

if __name__ == "__main__":
    import jax
    _d = setup_inputs()
    print(jax.jit(kernel)(*tuple(_d.values())))

</pallas_src>

<mosaic_0001>
#map = affine_map<(d0, d1) -> (0, 0)>
#map1 = affine_map<(d0, d1) -> (0, 0, 0)>
module attributes {stable_mosaic.version = 14 : i64} {
  func.func @_msg_body(%arg0: i32, %arg1: i32, %arg2: memref<2560x128xi32, #tpu.memory_space<hbm>>, %arg3: memref<2560x128xi32, #tpu.memory_space<hbm>>, %arg4: memref<320x1024xf32, #tpu.memory_space<hbm>>, %arg5: memref<10000x128xf32, #tpu.memory_space<hbm>>, %arg6: memref<2x10112x128xf32, #tpu.memory_space<hbm>>, %arg7: memref<8x128xi32, #tpu.memory_space<vmem>>, %arg8: memref<8x128xi32, #tpu.memory_space<vmem>>, %arg9: memref<1024xf32, #tpu.memory_space<vmem>>, %arg10: memref<128x128xf32, #tpu.memory_space<vmem>>, %arg11: memref<128x128xf32, #tpu.memory_space<vmem>>, %arg12: memref<10112x128xf32, #tpu.memory_space<vmem_shared>>, %arg13: memref<!tpu.dma_semaphore, #tpu.memory_space<semaphore_mem>>, %arg14: memref<!tpu.dma_semaphore, #tpu.memory_space<semaphore_mem>>) attributes {dimension_semantics = [#tpu.dimension_semantics<core_parallel>, #tpu.dimension_semantics<subcore_parallel>], iteration_bounds = array<i64: 2, 16>, scalar_prefetch = 0 : i64, scratch_operands = 8 : i64, tpu.core_type = #tpu.core_type<sc_vector_subcore>, window_params = [{transform_indices = #map}, {transform_indices = #map}, {transform_indices = #map}, {transform_indices = #map}, {transform_indices = #map1}]} {
    %eq3A = arith.constant 0 : i32
    %eq3A_0 = arith.cmpi eq, %arg0, %eq3A : i32
    %mul3A = arith.constant 80 : i32
    %mul3A_1 = arith.muli %arg1, %mul3A : i32
    %mul3A_2 = arith.constant 80 : i32
    %mul3A_3 = arith.muli %arg1, %mul3A_2 : i32
    %add3A = arith.constant 1280 : i32
    %add3A_4 = arith.addi %add3A, %mul3A_3 : i32
    %select_n3A = arith.select %eq3A_0, %mul3A_1, %add3A_4 : i32
    %jit3A = arith.constant 8 : i32
    %div3A = arith.divsi %select_n3A, %jit3A : i32
    %sign3A = arith.constant 0 : i32
    %sign3A_5 = arith.cmpi sgt, %select_n3A, %sign3A : i32
    %sign3A_6 = arith.extui %sign3A_5 : i1 to i32
    %sign3A_7 = arith.constant 0 : i32
    %sign3A_8 = arith.cmpi slt, %select_n3A, %sign3A_7 : i32
    %sign3A_9 = arith.extui %sign3A_8 : i1 to i32
    %sign3A_10 = arith.subi %sign3A_6, %sign3A_9 : i32
    %sign3A_11 = arith.constant 0 : i32
    %sign3A_12 = arith.cmpi sgt, %jit3A, %sign3A_11 : i32
    %sign3A_13 = arith.extui %sign3A_12 : i1 to i32
    %sign3A_14 = arith.constant 0 : i32
    %sign3A_15 = arith.cmpi slt, %jit3A, %sign3A_14 : i32
    %sign3A_16 = arith.extui %sign3A_15 : i1 to i32
    %sign3A_17 = arith.subi %sign3A_13, %sign3A_16 : i32
    %ne3A = arith.cmpi ne, %sign3A_10, %sign3A_17 : i32
    %rem3A = arith.remsi %select_n3A, %jit3A : i32
    %ne3A_18 = arith.constant 0 : i32
    %ne3A_19 = arith.cmpi ne, %rem3A, %ne3A_18 : i32
    %and3A = arith.andi %ne3A, %ne3A_19 : i1
    %sub3A = arith.constant 1 : i32
    %sub3A_20 = arith.subi %div3A, %sub3A : i32
    %select_n3A_21 = arith.select %and3A, %sub3A_20, %div3A : i32
    %eq3A_22 = arith.constant 0 : i32
    %eq3A_23 = arith.cmpi eq, %arg0, %eq3A_22 : i32
    %jit3A_24 = arith.constant 10 : i32
    %jit3A_25 = arith.constant 10 : i32
    %select_n3A_26 = arith.select %eq3A_23, %jit3A_24, %jit3A_25 : i32
    %scan3A = arith.constant 0 : i32
    %scan3A_27 = arith.constant 0 : i32
    %scan3A_28 = arith.constant 128 : i32
    %scan3A_29 = arith.addi %scan3A_27, %scan3A_28 : i32
    %scan3A_30 = arith.constant 1 : i32
    scf.for %scan3A_58 = %scan3A_27 to %scan3A_29 step %scan3A_30  : i32 {
      %broadcast_in_dim3A = arith.constant 0.000000e+00 : f32
      %broadcast_in_dim3A_59 = vector.broadcast %broadcast_in_dim3A : f32 to vector<16xf32>
      %swap3A = arith.index_cast %scan3A_58 : i32 to index
      %swap3A_60 = arith.constant 0 : index
      %swap3A_61 = tpu.vector_load %arg10[%swap3A, %swap3A_60] {strides = array<i32>} : memref<128x128xf32, #tpu.memory_space<vmem>>, vector<16xf32>,
      tpu.vector_store %arg10[%swap3A, %swap3A_60], %broadcast_in_dim3A_59 {strides = array<i32>} : memref<128x128xf32, #tpu.memory_space<vmem>>, vector<16xf32>,
      %broadcast_in_dim3A_62 = arith.constant 0.000000e+00 : f32
      %broadcast_in_dim3A_63 = vector.broadcast %broadcast_in_dim3A_62 : f32 to vector<16xf32>
      %swap3A_64 = arith.index_cast %scan3A_58 : i32 to index
      %swap3A_65 = arith.constant 16 : index
      %swap3A_66 = tpu.vector_load %arg10[%swap3A_64, %swap3A_65] {strides = array<i32>} : memref<128x128xf32, #tpu.memory_space<vmem>>, vector<16xf32>,
      tpu.vector_store %arg10[%swap3A_64, %swap3A_65], %broadcast_in_dim3A_63 {strides = array<i32>} : memref<128x128xf32, #tpu.memory_space<vmem>>, vector<16xf32>,
      %broadcast_in_dim3A_67 = arith.constant 0.000000e+00 : f32
      %broadcast_in_dim3A_68 = vector.broadcast %broadcast_in_dim3A_67 : f32 to vector<16xf32>
      %swap3A_69 = arith.index_cast %scan3A_58 : i32 to index
      %swap3A_70 = arith.constant 32 : index
      %swap3A_71 = tpu.vector_load %arg10[%swap3A_69, %swap3A_70] {strides = array<i32>} : memref<128x128xf32, #tpu.memory_space<vmem>>, vector<16xf32>,
      tpu.vector_store %arg10[%swap3A_69, %swap3A_70], %broadcast_in_dim3A_68 {strides = array<i32>} : memref<128x128xf32, #tpu.memory_space<vmem>>, vector<16xf32>,
      %broadcast_in_dim3A_72 = arith.constant 0.000000e+00 : f32
      %broadcast_in_dim3A_73 = vector.broadcast %broadcast_in_dim3A_72 : f32 to vector<16xf32>
      %swap3A_74 = arith.index_cast %scan3A_58 : i32 to index
      %swap3A_75 = arith.constant 48 : index
      %swap3A_76 = tpu.vector_load %arg10[%swap3A_74, %swap3A_75] {strides = array<i32>} : memref<128x128xf32, #tpu.memory_space<vmem>>, vector<16xf32>,
      tpu.vector_store %arg10[%swap3A_74, %swap3A_75], %broadcast_in_dim3A_73 {strides = array<i32>} : memref<128x128xf32, #tpu.memory_space<vmem>>, vector<16xf32>,
      %broadcast_in_dim3A_77 = arith.constant 0.000000e+00 : f32
      %broadcast_in_dim3A_78 = vector.broadcast %broadcast_in_dim3A_77 : f32 to vector<16xf32>
      %swap3A_79 = arith.index_cast %scan3A_58 : i32 to index
      %swap3A_80 = arith.constant 64 : index
      %swap3A_81 = tpu.vector_load %arg10[%swap3A_79, %swap3A_80] {strides = array<i32>} : memref<128x128xf32, #tpu.memory_space<vmem>>, vector<16xf32>,
      tpu.vector_store %arg10[%swap3A_79, %swap3A_80], %broadcast_in_dim3A_78 {strides = array<i32>} : memref<128x128xf32, #tpu.memory_space<vmem>>, vector<16xf32>,
      %broadcast_in_dim3A_82 = arith.constant 0.000000e+00 : f32
      %broadcast_in_dim3A_83 = vector.broadcast %broadcast_in_dim3A_82 : f32 to vector<16xf32>
      %swap3A_84 = arith.index_cast %scan3A_58 : i32 to index
      %swap3A_85 = arith.constant 80 : index
      %swap3A_86 = tpu.vector_load %arg10[%swap3A_84, %swap3A_85] {strides = array<i32>} : memref<128x128xf32, #tpu.memory_space<vmem>>, vector<16xf32>,
      tpu.vector_store %arg10[%swap3A_84, %swap3A_85], %broadcast_in_dim3A_83 {strides = array<i32>} : memref<128x128xf32, #tpu.memory_space<vmem>>, vector<16xf32>,
      %broadcast_in_dim3A_87 = arith.constant 0.000000e+00 : f32
      %broadcast_in_dim3A_88 = vector.broadcast %broadcast_in_dim3A_87 : f32 to vector<16xf32>
      %swap3A_89 = arith.index_cast %scan3A_58 : i32 to index
      %swap3A_90 = arith.constant 96 : index
      %swap3A_91 = tpu.vector_load %arg10[%swap3A_89, %swap3A_90] {strides = array<i32>} : memref<128x128xf32, #tpu.memory_space<vmem>>, vector<16xf32>,
      tpu.vector_store %arg10[%swap3A_89, %swap3A_90], %broadcast_in_dim3A_88 {strides = array<i32>} : memref<128x128xf32, #tpu.memory_space<vmem>>, vector<16xf32>,
      %broadcast_in_dim3A_92 = arith.constant 0.000000e+00 : f32
      %broadcast_in_dim3A_93 = vector.broadcast %broadcast_in_dim3A_92 : f32 to vector<16xf32>
      %swap3A_94 = arith.index_cast %scan3A_58 : i32 to index
      %swap3A_95 = arith.constant 112 : index
      %swap3A_96 = tpu.vector_load %arg10[%swap3A_94, %swap3A_95] {strides = array<i32>} : memref<128x128xf32, #tpu.memory_space<vmem>>, vector<16xf32>,
      tpu.vector_store %arg10[%swap3A_94, %swap3A_95], %broadcast_in_dim3A_93 {strides = array<i32>} : memref<128x128xf32, #tpu.memory_space<vmem>>, vector<16xf32>,
    }
    %scan3A_31 = arith.constant 128 : i32
    %mul3A_32 = arith.constant 632 : i32
    %mul3A_33 = arith.muli %arg1, %mul3A_32 : i32
    %add3A_34 = arith.constant 0 : i32
    %add3A_35 = arith.addi %mul3A_33, %add3A_34 : i32
    "tpu.region"() ({
      %run_scoped3A = tpu.sem_alloc : memref<!tpu.dma_semaphore, #tpu.memory_space<semaphore_mem>>
      %dma_start3A = arith.constant 0 : i32
      %dma_start3A_58 = tpu.memref_slice %arg12[%add3A_35, %dma_start3A] : memref<10112x128xf32, #tpu.memory_space<vmem_shared>> -> memref<128x128xf32, #tpu.memory_space<vmem_shared>>
      %dma_start3A_59 = arith.constant 0 : i32
      %dma_start3A_60 = tpu.memref_slice %arg12[%add3A_35, %dma_start3A_59] : memref<10112x128xf32, #tpu.memory_space<vmem_shared>> -> memref<128x128xf32, #tpu.memory_space<vmem_shared>>
      tpu.enqueue_dma source(%arg10 : memref<128x128xf32, #tpu.memory_space<vmem>>) target(%dma_start3A_60 : memref<128x128xf32, #tpu.memory_space<vmem_shared>>) target_semaphore(%run_scoped3A : memref<!tpu.dma_semaphore, #tpu.memory_space<semaphore_mem>>)
      %dma_wait3A = arith.constant 0 : i32
      %dma_wait3A_61 = tpu.memref_slice %arg12[%add3A_35, %dma_wait3A] : memref<10112x128xf32, #tpu.memory_space<vmem_shared>> -> memref<128x128xf32, #tpu.memory_space<vmem_shared>>
      %dma_wait3A_62 = arith.constant 0 : i32
      %dma_wait3A_63 = tpu.memref_slice %arg12[%add3A_35, %dma_wait3A_62] : memref<10112x128xf32, #tpu.memory_space<vmem_shared>> -> memref<128x128xf32, #tpu.memory_space<vmem_shared>>
      tpu.wait_dma2 semaphore(%run_scoped3A : memref<!tpu.dma_semaphore, #tpu.memory_space<semaphore_mem>>) src(%arg10 : memref<128x128xf32, #tpu.memory_space<vmem>>) dst(%dma_wait3A_63 : memref<128x128xf32, #tpu.memory_space<vmem_shared>>)
      tpu.yield
    }) : () -> ()
    %add3A_36 = arith.constant 128 : i32
    %add3A_37 = arith.addi %mul3A_33, %add3A_36 : i32
    "tpu.region"() ({
      %run_scoped3A = tpu.sem_alloc : memref<!tpu.dma_semaphore, #tpu.memory_space<semaphore_mem>>
      %dma_start3A = arith.constant 0 : i32
      %dma_start3A_58 = tpu.memref_slice %arg12[%add3A_37, %dma_start3A] : memref<10112x128xf32, #tpu.memory_space<vmem_shared>> -> memref<128x128xf32, #tpu.memory_space<vmem_shared>>
      %dma_start3A_59 = arith.constant 0 : i32
      %dma_start3A_60 = tpu.memref_slice %arg12[%add3A_37, %dma_start3A_59] : memref<10112x128xf32, #tpu.memory_space<vmem_shared>> -> memref<128x128xf32, #tpu.memory_space<vmem_shared>>
      tpu.enqueue_dma source(%arg10 : memref<128x128xf32, #tpu.memory_space<vmem>>) target(%dma_start3A_60 : memref<128x128xf32, #tpu.memory_space<vmem_shared>>) target_semaphore(%run_scoped3A : memref<!tpu.dma_semaphore, #tpu.memory_space<semaphore_mem>>)
      %dma_wait3A = arith.constant 0 : i32
      %dma_wait3A_61 = tpu.memref_slice %arg12[%add3A_37, %dma_wait3A] : memref<10112x128xf32, #tpu.memory_space<vmem_shared>> -> memref<128x128xf32, #tpu.memory_space<vmem_shared>>
      %dma_wait3A_62 = arith.constant 0 : i32
      %dma_wait3A_63 = tpu.memref_slice %arg12[%add3A_37, %dma_wait3A_62] : memref<10112x128xf32, #tpu.memory_space<vmem_shared>> -> memref<128x128xf32, #tpu.memory_space<vmem_shared>>
      tpu.wait_dma2 semaphore(%run_scoped3A : memref<!tpu.dma_semaphore, #tpu.memory_space<semaphore_mem>>) src(%arg10 : memref<128x128xf32, #tpu.memory_space<vmem>>) dst(%dma_wait3A_63 : memref<128x128xf32, #tpu.memory_space<vmem_shared>>)
      tpu.yield
    }) : () -> ()
    %add3A_38 = arith.constant 256 : i32
    %add3A_39 = arith.addi %mul3A_33, %add3A_38 : i32
    "tpu.region"() ({
      %run_scoped3A = tpu.sem_alloc : memref<!tpu.dma_semaphore, #tpu.memory_space<semaphore_mem>>
      %dma_start3A = arith.constant 0 : i32
      %dma_start3A_58 = tpu.memref_slice %arg12[%add3A_39, %dma_start3A] : memref<10112x128xf32, #tpu.memory_space<vmem_shared>> -> memref<128x128xf32, #tpu.memory_space<vmem_shared>>
      %dma_start3A_59 = arith.constant 0 : i32
      %dma_start3A_60 = tpu.memref_slice %arg12[%add3A_39, %dma_start3A_59] : memref<10112x128xf32, #tpu.memory_space<vmem_shared>> -> memref<128x128xf32, #tpu.memory_space<vmem_shared>>
      tpu.enqueue_dma source(%arg10 : memref<128x128xf32, #tpu.memory_space<vmem>>) target(%dma_start3A_60 : memref<128x128xf32, #tpu.memory_space<vmem_shared>>) target_semaphore(%run_scoped3A : memref<!tpu.dma_semaphore, #tpu.memory_space<semaphore_mem>>)
      %dma_wait3A = arith.constant 0 : i32
      %dma_wait3A_61 = tpu.memref_slice %arg12[%add3A_39, %dma_wait3A] : memref<10112x128xf32, #tpu.memory_space<vmem_shared>> -> memref<128x128xf32, #tpu.memory_space<vmem_shared>>
      %dma_wait3A_62 = arith.constant 0 : i32
      %dma_wait3A_63 = tpu.memref_slice %arg12[%add3A_39, %dma_wait3A_62] : memref<10112x128xf32, #tpu.memory_space<vmem_shared>> -> memref<128x128xf32, #tpu.memory_space<vmem_shared>>
      tpu.wait_dma2 semaphore(%run_scoped3A : memref<!tpu.dma_semaphore, #tpu.memory_space<semaphore_mem>>) src(%arg10 : memref<128x128xf32, #tpu.memory_space<vmem>>) dst(%dma_wait3A_63 : memref<128x128xf32, #tpu.memory_space<vmem_shared>>)
      tpu.yield
    }) : () -> ()
    %add3A_40 = arith.constant 384 : i32
    %add3A_41 = arith.addi %mul3A_33, %add3A_40 : i32
    "tpu.region"() ({
      %run_scoped3A = tpu.sem_alloc : memref<!tpu.dma_semaphore, #tpu.memory_space<semaphore_mem>>
      %dma_start3A = arith.constant 0 : i32
      %dma_start3A_58 = tpu.memref_slice %arg12[%add3A_41, %dma_start3A] : memref<10112x128xf32, #tpu.memory_space<vmem_shared>> -> memref<128x128xf32, #tpu.memory_space<vmem_shared>>
      %dma_start3A_59 = arith.constant 0 : i32
      %dma_start3A_60 = tpu.memref_slice %arg12[%add3A_41, %dma_start3A_59] : memref<10112x128xf32, #tpu.memory_space<vmem_shared>> -> memref<128x128xf32, #tpu.memory_space<vmem_shared>>
      tpu.enqueue_dma source(%arg10 : memref<128x128xf32, #tpu.memory_space<vmem>>) target(%dma_start3A_60 : memref<128x128xf32, #tpu.memory_space<vmem_shared>>) target_semaphore(%run_scoped3A : memref<!tpu.dma_semaphore, #tpu.memory_space<semaphore_mem>>)
      %dma_wait3A = arith.constant 0 : i32
      %dma_wait3A_61 = tpu.memref_slice %arg12[%add3A_41, %dma_wait3A] : memref<10112x128xf32, #tpu.memory_space<vmem_shared>> -> memref<128x128xf32, #tpu.memory_space<vmem_shared>>
      %dma_wait3A_62 = arith.constant 0 : i32
      %dma_wait3A_63 = tpu.memref_slice %arg12[%add3A_41, %dma_wait3A_62] : memref<10112x128xf32, #tpu.memory_space<vmem_shared>> -> memref<128x128xf32, #tpu.memory_space<vmem_shared>>
      tpu.wait_dma2 semaphore(%run_scoped3A : memref<!tpu.dma_semaphore, #tpu.memory_space<semaphore_mem>>) src(%arg10 : memref<128x128xf32, #tpu.memory_space<vmem>>) dst(%dma_wait3A_63 : memref<128x128xf32, #tpu.memory_space<vmem_shared>>)
      tpu.yield
    }) : () -> ()
    %add3A_42 = arith.constant 512 : i32
    %add3A_43 = arith.addi %mul3A_33, %add3A_42 : i32
    "tpu.region"() ({
      %run_scoped3A = tpu.sem_alloc : memref<!tpu.dma_semaphore, #tpu.memory_space<semaphore_mem>>
      %dma_start3A = arith.constant 0 : i32
      %dma_start3A_58 = arith.constant 0 : i32
      %dma_start3A_59 = tpu.memref_slice %arg10[%dma_start3A, %dma_start3A_58] : memref<128x128xf32, #tpu.memory_space<vmem>> -> memref<120x128xf32, #tpu.memory_space<vmem>>
      %dma_start3A_60 = arith.constant 0 : i32
      %dma_start3A_61 = tpu.memref_slice %arg12[%add3A_43, %dma_start3A_60] : memref<10112x128xf32, #tpu.memory_space<vmem_shared>> -> memref<120x128xf32, #tpu.memory_space<vmem_shared>>
      %dma_start3A_62 = arith.constant 0 : i32
      %dma_start3A_63 = tpu.memref_slice %arg12[%add3A_43, %dma_start3A_62] : memref<10112x128xf32, #tpu.memory_space<vmem_shared>> -> memref<120x128xf32, #tpu.memory_space<vmem_shared>>
      %dma_start3A_64 = arith.constant 0 : i32
      %dma_start3A_65 = arith.constant 0 : i32
      %dma_start3A_66 = tpu.memref_slice %arg10[%dma_start3A_64, %dma_start3A_65] : memref<128x128xf32, #tpu.memory_space<vmem>> -> memref<120x128xf32, #tpu.memory_space<vmem>>
      tpu.enqueue_dma source(%dma_start3A_66 : memref<120x128xf32, #tpu.memory_space<vmem>>) target(%dma_start3A_63 : memref<120x128xf32, #tpu.memory_space<vmem_shared>>) target_semaphore(%run_scoped3A : memref<!tpu.dma_semaphore, #tpu.memory_space<semaphore_mem>>)
      %dma_wait3A = arith.constant 0 : i32
      %dma_wait3A_67 = arith.constant 0 : i32
      %dma_wait3A_68 = tpu.memref_slice %arg10[%dma_wait3A, %dma_wait3A_67] : memref<128x128xf32, #tpu.memory_space<vmem>> -> memref<120x128xf32, #tpu.memory_space<vmem>>
      %dma_wait3A_69 = arith.constant 0 : i32
      %dma_wait3A_70 = tpu.memref_slice %arg12[%add3A_43, %dma_wait3A_69] : memref<10112x128xf32, #tpu.memory_space<vmem_shared>> -> memref<120x128xf32, #tpu.memory_space<vmem_shared>>
      %dma_wait3A_71 = arith.constant 0 : i32
      %dma_wait3A_72 = tpu.memref_slice %arg12[%add3A_43, %dma_wait3A_71] : memref<10112x128xf32, #tpu.memory_space<vmem_shared>> -> memref<120x128xf32, #tpu.memory_space<vmem_shared>>
      %dma_wait3A_73 = arith.constant 0 : i32
      %dma_wait3A_74 = arith.constant 0 : i32
      %dma_wait3A_75 = tpu.memref_slice %arg10[%dma_wait3A_73, %dma_wait3A_74] : memref<128x128xf32, #tpu.memory_space<vmem>> -> memref<120x128xf32, #tpu.memory_space<vmem>>
      tpu.wait_dma2 semaphore(%run_scoped3A : memref<!tpu.dma_semaphore, #tpu.memory_space<semaphore_mem>>) src(%dma_wait3A_75 : memref<120x128xf32, #tpu.memory_space<vmem>>) dst(%dma_wait3A_72 : memref<120x128xf32, #tpu.memory_space<vmem_shared>>)
      tpu.yield
    }) : () -> ()
    %barrier3A = arith.constant 0 : index
    tpu.barrier barrier_id(%barrier3A)
    %while3A = arith.constant 0 : i32
    %while3A_44 = arith.constant 0 : i32
    %while3A_45 = arith.subi %select_n3A_26, %while3A_44 : i32
    %while3A_46 = arith.addi %while3A_44, %while3A_45 : i32
    %while3A_47 = arith.constant 1 : i32
    %while3A_48 = arith.divsi %while3A_45, %while3A_47 : i32
    %while3A_49 = arith.muli %while3A_48, %while3A_47 : i32
    %while3A_50 = arith.addi %while3A_44, %while3A_49 : i32
    %while3A_51 = arith.constant 1 : i32
    scf.for %while3A_58 = %while3A_44 to %while3A_50 step %while3A_51  : i32 {
      %mul3A_59 = arith.constant 8 : i32
      %mul3A_60 = arith.muli %while3A_58, %mul3A_59 : i32
      %add3A_61 = arith.addi %select_n3A, %mul3A_60 : i32
      "tpu.region"() ({
        %run_scoped3A = tpu.sem_alloc : memref<!tpu.dma_semaphore, #tpu.memory_space<semaphore_mem>>
        %dma_start3A_78 = arith.constant 0 : i32
        %dma_start3A_79 = tpu.memref_slice %arg2[%add3A_61, %dma_start3A_78] : memref<2560x128xi32, #tpu.memory_space<hbm>> -> memref<8x128xi32, #tpu.memory_space<hbm>>
        %dma_start3A_80 = arith.constant 0 : i32
        %dma_start3A_81 = tpu.memref_slice %arg2[%add3A_61, %dma_start3A_80] : memref<2560x128xi32, #tpu.memory_space<hbm>> -> memref<8x128xi32, #tpu.memory_space<hbm>>
        tpu.enqueue_dma source(%dma_start3A_81 : memref<8x128xi32, #tpu.memory_space<hbm>>) target(%arg7 : memref<8x128xi32, #tpu.memory_space<vmem>>) target_semaphore(%run_scoped3A : memref<!tpu.dma_semaphore, #tpu.memory_space<semaphore_mem>>)
        %dma_wait3A = arith.constant 0 : i32
        %dma_wait3A_82 = tpu.memref_slice %arg2[%add3A_61, %dma_wait3A] : memref<2560x128xi32, #tpu.memory_space<hbm>> -> memref<8x128xi32, #tpu.memory_space<hbm>>
        %dma_wait3A_83 = arith.constant 0 : i32
        %dma_wait3A_84 = tpu.memref_slice %arg2[%add3A_61, %dma_wait3A_83] : memref<2560x128xi32, #tpu.memory_space<hbm>> -> memref<8x128xi32, #tpu.memory_space<hbm>>
        tpu.wait_dma2 semaphore(%run_scoped3A : memref<!tpu.dma_semaphore, #tpu.memory_space<semaphore_mem>>) src(%dma_wait3A_84 : memref<8x128xi32, #tpu.memory_space<hbm>>) dst(%arg7 : memref<8x128xi32, #tpu.memory_space<vmem>>)
        tpu.yield
      }) : () -> ()
      %mul3A_62 = arith.constant 8 : i32
      %mul3A_63 = arith.muli %while3A_58, %mul3A_62 : i32
      %add3A_64 = arith.addi %select_n3A, %mul3A_63 : i32
      "tpu.region"() ({
        %run_scoped3A = tpu.sem_alloc : memref<!tpu.dma_semaphore, #tpu.memory_space<semaphore_mem>>
        %dma_start3A_78 = arith.constant 0 : i32
        %dma_start3A_79 = tpu.memref_slice %arg3[%add3A_64, %dma_start3A_78] : memref<2560x128xi32, #tpu.memory_space<hbm>> -> memref<8x128xi32, #tpu.memory_space<hbm>>
        %dma_start3A_80 = arith.constant 0 : i32
        %dma_start3A_81 = tpu.memref_slice %arg3[%add3A_64, %dma_start3A_80] : memref<2560x128xi32, #tpu.memory_space<hbm>> -> memref<8x128xi32, #tpu.memory_space<hbm>>
        tpu.enqueue_dma source(%dma_start3A_81 : memref<8x128xi32, #tpu.memory_space<hbm>>) target(%arg8 : memref<8x128xi32, #tpu.memory_space<vmem>>) target_semaphore(%run_scoped3A : memref<!tpu.dma_semaphore, #tpu.memory_space<semaphore_mem>>)
        %dma_wait3A = arith.constant 0 : i32
        %dma_wait3A_82 = tpu.memref_slice %arg3[%add3A_64, %dma_wait3A] : memref<2560x128xi32, #tpu.memory_space<hbm>> -> memref<8x128xi32, #tpu.memory_space<hbm>>
        %dma_wait3A_83 = arith.constant 0 : i32
        %dma_wait3A_84 = tpu.memref_slice %arg3[%add3A_64, %dma_wait3A_83] : memref<2560x128xi32, #tpu.memory_space<hbm>> -> memref<8x128xi32, #tpu.memory_space<hbm>>
        tpu.wait_dma2 semaphore(%run_scoped3A : memref<!tpu.dma_semaphore, #tpu.memory_space<semaphore_mem>>) src(%dma_wait3A_84 : memref<8x128xi32, #tpu.memory_space<hbm>>) dst(%arg8 : memref<8x128xi32, #tpu.memory_space<vmem>>)
        tpu.yield
      }) : () -> ()
      %add3A_65 = arith.addi %select_n3A_21, %while3A_58 : i32
      "tpu.region"() ({
        %run_scoped3A = tpu.sem_alloc : memref<!tpu.dma_semaphore, #tpu.memory_space<semaphore_mem>>
        %dma_start3A_78 = arith.constant 0 : i32
        %dma_start3A_79 = tpu.memref_slice %arg4[%add3A_65, %dma_start3A_78] : memref<320x1024xf32, #tpu.memory_space<hbm>> -> memref<1x1024xf32, #tpu.memory_space<hbm>>
        %dma_start3A_80 = tpu.memref_squeeze %dma_start3A_79 : memref<1x1024xf32, #tpu.memory_space<hbm>> -> memref<1024xf32, #tpu.memory_space<hbm>>
        %dma_start3A_81 = arith.constant 0 : i32
        %dma_start3A_82 = tpu.memref_slice %arg4[%add3A_65, %dma_start3A_81] : memref<320x1024xf32, #tpu.memory_space<hbm>> -> memref<1x1024xf32, #tpu.memory_space<hbm>>
        %dma_start3A_83 = tpu.memref_squeeze %dma_start3A_82 : memref<1x1024xf32, #tpu.memory_space<hbm>> -> memref<1024xf32, #tpu.memory_space<hbm>>
        tpu.enqueue_dma source(%dma_start3A_83 : memref<1024xf32, #tpu.memory_space<hbm>>) target(%arg9 : memref<1024xf32, #tpu.memory_space<vmem>>) target_semaphore(%run_scoped3A : memref<!tpu.dma_semaphore, #tpu.memory_space<semaphore_mem>>)
        %dma_wait3A = arith.constant 0 : i32
        %dma_wait3A_84 = tpu.memref_slice %arg4[%add3A_65, %dma_wait3A] : memref<320x1024xf32, #tpu.memory_space<hbm>> -> memref<1x1024xf32, #tpu.memory_space<hbm>>
        %dma_wait3A_85 = tpu.memref_squeeze %dma_wait3A_84 : memref<1x1024xf32, #tpu.memory_space<hbm>> -> memref<1024xf32, #tpu.memory_space<hbm>>
        %dma_wait3A_86 = arith.constant 0 : i32
        %dma_wait3A_87 = tpu.memref_slice %arg4[%add3A_65, %dma_wait3A_86] : memref<320x1024xf32, #tpu.memory_space<hbm>> -> memref<1x1024xf32, #tpu.memory_space<hbm>>
        %dma_wait3A_88 = tpu.memref_squeeze %dma_wait3A_87 : memref<1x1024xf32, #tpu.memory_space<hbm>> -> memref<1024xf32, #tpu.memory_space<hbm>>
        tpu.wait_dma2 semaphore(%run_scoped3A : memref<!tpu.dma_semaphore, #tpu.memory_space<semaphore_mem>>) src(%dma_wait3A_88 : memref<1024xf32, #tpu.memory_space<hbm>>) dst(%arg9 : memref<1024xf32, #tpu.memory_space<vmem>>)
        tpu.yield
      }) : () -> ()
      %dma_start3A = arith.constant 0 : i32
      %dma_start3A_66 = arith.constant 0 : i32
      %dma_start3A_67 = tpu.memref_slice %arg8[%dma_start3A, %dma_start3A_66] : memref<8x128xi32, #tpu.memory_space<vmem>> -> memref<1x128xi32, #tpu.memory_space<vmem>>
      %dma_start3A_68 = tpu.memref_squeeze %dma_start3A_67 : memref<1x128xi32, #tpu.memory_space<vmem>> -> memref<128xi32, #tpu.memory_space<vmem>>
      %dma_start3A_69 = arith.constant 0 : i32
      %dma_start3A_70 = arith.constant 0 : i32
      %dma_start3A_71 = tpu.memref_slice %arg5[%dma_start3A_69, %dma_start3A_70] : memref<10000x128xf32, #tpu.memory_space<hbm>> -> memref<10000x128xf32, #tpu.memory_space<hbm>>
      tpu.enqueue_indirect_dma source(%dma_start3A_71 : memref<10000x128xf32, #tpu.memory_space<hbm>>) target(%arg10 : memref<128x128xf32, #tpu.memory_space<vmem>>) offsets(%dma_start3A_68 : memref<128xi32, #tpu.memory_space<vmem>>) semaphore(%arg13 : memref<!tpu.dma_semaphore, #tpu.memory_space<semaphore_mem>>)
      %scan3A_72 = arith.constant 0 : i32
      %scan3A_73 = arith.constant 0 : i32
      %scan3A_74 = arith.constant 4 : i32
      %scan3A_75 = arith.addi %scan3A_73, %scan3A_74 : i32
      %scan3A_76 = arith.constant 1 : i32
      scf.for %scan3A_78 = %scan3A_73 to %scan3A_75 step %scan3A_76  : i32 {
        %mul3A_79 = arith.constant 2 : i32
        %mul3A_80 = arith.muli %mul3A_79, %scan3A_78 : i32
        %add3A_81 = arith.constant 0 : i32
        %add3A_82 = arith.addi %mul3A_80, %add3A_81 : i32
        %dma_wait3A = arith.constant 0 : i32
        %dma_wait3A_83 = tpu.memref_slice %arg8[%add3A_82, %dma_wait3A] : memref<8x128xi32, #tpu.memory_space<vmem>> -> memref<1x128xi32, #tpu.memory_space<vmem>>
        %dma_wait3A_84 = tpu.memref_squeeze %dma_wait3A_83 : memref<1x128xi32, #tpu.memory_space<vmem>> -> memref<128xi32, #tpu.memory_space<vmem>>
        %dma_wait3A_85 = arith.constant 0 : i32
        %dma_wait3A_86 = arith.constant 0 : i32
        %dma_wait3A_87 = tpu.memref_slice %arg5[%dma_wait3A_85, %dma_wait3A_86] : memref<10000x128xf32, #tpu.memory_space<hbm>> -> memref<10000x128xf32, #tpu.memory_space<hbm>>
        tpu.wait_indirect_dma semaphore(%arg13 : memref<!tpu.dma_semaphore, #tpu.memory_space<semaphore_mem>>) src(%dma_wait3A_87 : memref<10000x128xf32, #tpu.memory_space<hbm>>) dst(%arg10 : memref<128x128xf32, #tpu.memory_space<vmem>>)
        %add3A_88 = arith.constant 1 : i32
        %add3A_89 = arith.addi %add3A_82, %add3A_88 : i32
        %dma_start3A_90 = arith.constant 0 : i32
        %dma_start3A_91 = tpu.memref_slice %arg8[%add3A_89, %dma_start3A_90] : memref<8x128xi32, #tpu.memory_space<vmem>> -> memref<1x128xi32, #tpu.memory_space<vmem>>
        %dma_start3A_92 = tpu.memref_squeeze %dma_start3A_91 : memref<1x128xi32, #tpu.memory_space<vmem>> -> memref<128xi32, #tpu.memory_space<vmem>>
        %dma_start3A_93 = arith.constant 0 : i32
        %dma_start3A_94 = arith.constant 0 : i32
        %dma_start3A_95 = tpu.memref_slice %arg5[%dma_start3A_93, %dma_start3A_94] : memref<10000x128xf32, #tpu.memory_space<hbm>> -> memref<10000x128xf32, #tpu.memory_space<hbm>>
        tpu.enqueue_indirect_dma source(%dma_start3A_95 : memref<10000x128xf32, #tpu.memory_space<hbm>>) target(%arg11 : memref<128x128xf32, #tpu.memory_space<vmem>>) offsets(%dma_start3A_92 : memref<128xi32, #tpu.memory_space<vmem>>) semaphore(%arg14 : memref<!tpu.dma_semaphore, #tpu.memory_space<semaphore_mem>>)
        %parallel_loop3A = arith.constant 0 : i32
        %parallel_loop3A_96 = arith.constant 128 : i32
        %parallel_loop3A_97 = arith.constant 1 : i32
        scf.for %parallel_loop3A_113 = %parallel_loop3A to %parallel_loop3A_96 step %parallel_loop3A_97  : i32 {
          %parallel_loop3A_114 = arith.constant 128 : i32
          %parallel_loop3A_115 = arith.muli %add3A_82, %parallel_loop3A_114 : i32
          %parallel_loop3A_116 = arith.addi %parallel_loop3A_115, %parallel_loop3A_113 : i32
          %parallel_loop3A_117 = vector.broadcast %parallel_loop3A_116 : i32 to vector<16xi32>
          %parallel_loop3A_118 = tpu.vector_load_idx %arg9[%parallel_loop3A_117] : memref<1024xf32, #tpu.memory_space<vmem>>[vector<16xi32>], vector<16xf32>,
          %parallel_loop3A_119 = arith.index_cast %parallel_loop3A_113 : i32 to index
          %parallel_loop3A_120 = arith.constant 0 : index
          %parallel_loop3A_121 = tpu.vector_load %arg10[%parallel_loop3A_119, %parallel_loop3A_120] {strides = array<i32>} : memref<128x128xf32, #tpu.memory_space<vmem>>, vector<16xf32>,
          %parallel_loop3A_122 = arith.mulf %parallel_loop3A_121, %parallel_loop3A_118 : vector<16xf32>
          %parallel_loop3A_123 = arith.index_cast %parallel_loop3A_113 : i32 to index
          %parallel_loop3A_124 = arith.constant 0 : index
          %parallel_loop3A_125 = tpu.vector_load %arg10[%parallel_loop3A_123, %parallel_loop3A_124] {strides = array<i32>} : memref<128x128xf32, #tpu.memory_space<vmem>>, vector<16xf32>,
          tpu.vector_store %arg10[%parallel_loop3A_123, %parallel_loop3A_124], %parallel_loop3A_122 {strides = array<i32>} : memref<128x128xf32, #tpu.memory_space<vmem>>, vector<16xf32>,
          %parallel_loop3A_126 = arith.index_cast %parallel_loop3A_113 : i32 to index
          %parallel_loop3A_127 = arith.constant 16 : index
          %parallel_loop3A_128 = tpu.vector_load %arg10[%parallel_loop3A_126, %parallel_loop3A_127] {strides = array<i32>} : memref<128x128xf32, #tpu.memory_space<vmem>>, vector<16xf32>,
          %parallel_loop3A_129 = arith.mulf %parallel_loop3A_128, %parallel_loop3A_118 : vector<16xf32>
          %parallel_loop3A_130 = arith.index_cast %parallel_loop3A_113 : i32 to index
          %parallel_loop3A_131 = arith.constant 16 : index
          %parallel_loop3A_132 = tpu.vector_load %arg10[%parallel_loop3A_130, %parallel_loop3A_131] {strides = array<i32>} : memref<128x128xf32, #tpu.memory_space<vmem>>, vector<16xf32>,
          tpu.vector_store %arg10[%parallel_loop3A_130, %parallel_loop3A_131], %parallel_loop3A_129 {strides = array<i32>} : memref<128x128xf32, #tpu.memory_space<vmem>>, vector<16xf32>,
          %parallel_loop3A_133 = arith.index_cast %parallel_loop3A_113 : i32 to index
          %parallel_loop3A_134 = arith.constant 32 : index
          %parallel_loop3A_135 = tpu.vector_load %arg10[%parallel_loop3A_133, %parallel_loop3A_134] {strides = array<i32>} : memref<128x128xf32, #tpu.memory_space<vmem>>, vector<16xf32>,
          %parallel_loop3A_136 = arith.mulf %parallel_loop3A_135, %parallel_loop3A_118 : vector<16xf32>
          %parallel_loop3A_137 = arith.index_cast %parallel_loop3A_113 : i32 to index
          %parallel_loop3A_138 = arith.constant 32 : index
          %parallel_loop3A_139 = tpu.vector_load %arg10[%parallel_loop3A_137, %parallel_loop3A_138] {strides = array<i32>} : memref<128x128xf32, #tpu.memory_space<vmem>>, vector<16xf32>,
          tpu.vector_store %arg10[%parallel_loop3A_137, %parallel_loop3A_138], %parallel_loop3A_136 {strides = array<i32>} : memref<128x128xf32, #tpu.memory_space<vmem>>, vector<16xf32>,
          %parallel_loop3A_140 = arith.index_cast %parallel_loop3A_113 : i32 to index
          %parallel_loop3A_141 = arith.constant 48 : index
          %parallel_loop3A_142 = tpu.vector_load %arg10[%parallel_loop3A_140, %parallel_loop3A_141] {strides = array<i32>} : memref<128x128xf32, #tpu.memory_space<vmem>>, vector<16xf32>,
          %parallel_loop3A_143 = arith.mulf %parallel_loop3A_142, %parallel_loop3A_118 : vector<16xf32>
          %parallel_loop3A_144 = arith.index_cast %parallel_loop3A_113 : i32 to index
          %parallel_loop3A_145 = arith.constant 48 : index
          %parallel_loop3A_146 = tpu.vector_load %arg10[%parallel_loop3A_144, %parallel_loop3A_145] {strides = array<i32>} : memref<128x128xf32, #tpu.memory_space<vmem>>, vector<16xf32>,
          tpu.vector_store %arg10[%parallel_loop3A_144, %parallel_loop3A_145], %parallel_loop3A_143 {strides = array<i32>} : memref<128x128xf32, #tpu.memory_space<vmem>>, vector<16xf32>,
          %parallel_loop3A_147 = arith.index_cast %parallel_loop3A_113 : i32 to index
          %parallel_loop3A_148 = arith.constant 64 : index
          %parallel_loop3A_149 = tpu.vector_load %arg10[%parallel_loop3A_147, %parallel_loop3A_148] {strides = array<i32>} : memref<128x128xf32, #tpu.memory_space<vmem>>, vector<16xf32>,
          %parallel_loop3A_150 = arith.mulf %parallel_loop3A_149, %parallel_loop3A_118 : vector<16xf32>
          %parallel_loop3A_151 = arith.index_cast %parallel_loop3A_113 : i32 to index
          %parallel_loop3A_152 = arith.constant 64 : index
          %parallel_loop3A_153 = tpu.vector_load %arg10[%parallel_loop3A_151, %parallel_loop3A_152] {strides = array<i32>} : memref<128x128xf32, #tpu.memory_space<vmem>>, vector<16xf32>,
          tpu.vector_store %arg10[%parallel_loop3A_151, %parallel_loop3A_152], %parallel_loop3A_150 {strides = array<i32>} : memref<128x128xf32, #tpu.memory_space<vmem>>, vector<16xf32>,
          %parallel_loop3A_154 = arith.index_cast %parallel_loop3A_113 : i32 to index
          %parallel_loop3A_155 = arith.constant 80 : index
          %parallel_loop3A_156 = tpu.vector_load %arg10[%parallel_loop3A_154, %parallel_loop3A_155] {strides = array<i32>} : memref<128x128xf32, #tpu.memory_space<vmem>>, vector<16xf32>,
          %parallel_loop3A_157 = arith.mulf %parallel_loop3A_156, %parallel_loop3A_118 : vector<16xf32>
          %parallel_loop3A_158 = arith.index_cast %parallel_loop3A_113 : i32 to index
          %parallel_loop3A_159 = arith.constant 80 : index
          %parallel_loop3A_160 = tpu.vector_load %arg10[%parallel_loop3A_158, %parallel_loop3A_159] {strides = array<i32>} : memref<128x128xf32, #tpu.memory_space<vmem>>, vector<16xf32>,
          tpu.vector_store %arg10[%parallel_loop3A_158, %parallel_loop3A_159], %parallel_loop3A_157 {strides = array<i32>} : memref<128x128xf32, #tpu.memory_space<vmem>>, vector<16xf32>,
          %parallel_loop3A_161 = arith.index_cast %parallel_loop3A_113 : i32 to index
          %parallel_loop3A_162 = arith.constant 96 : index
          %parallel_loop3A_163 = tpu.vector_load %arg10[%parallel_loop3A_161, %parallel_loop3A_162] {strides = array<i32>} : memref<128x128xf32, #tpu.memory_space<vmem>>, vector<16xf32>,
          %parallel_loop3A_164 = arith.mulf %parallel_loop3A_163, %parallel_loop3A_118 : vector<16xf32>
          %parallel_loop3A_165 = arith.index_cast %parallel_loop3A_113 : i32 to index
          %parallel_loop3A_166 = arith.constant 96 : index
          %parallel_loop3A_167 = tpu.vector_load %arg10[%parallel_loop3A_165, %parallel_loop3A_166] {strides = array<i32>} : memref<128x128xf32, #tpu.memory_space<vmem>>, vector<16xf32>,
          tpu.vector_store %arg10[%parallel_loop3A_165, %parallel_loop3A_166], %parallel_loop3A_164 {strides = array<i32>} : memref<128x128xf32, #tpu.memory_space<vmem>>, vector<16xf32>,
          %parallel_loop3A_168 = arith.index_cast %parallel_loop3A_113 : i32 to index
          %parallel_loop3A_169 = arith.constant 112 : index
          %parallel_loop3A_170 = tpu.vector_load %arg10[%parallel_loop3A_168, %parallel_loop3A_169] {strides = array<i32>} : memref<128x128xf32, #tpu.memory_space<vmem>>, vector<16xf32>,
          %parallel_loop3A_171 = arith.mulf %parallel_loop3A_170, %parallel_loop3A_118 : vector<16xf32>
          %parallel_loop3A_172 = arith.index_cast %parallel_loop3A_113 : i32 to index
          %parallel_loop3A_173 = arith.constant 112 : index
          %parallel_loop3A_174 = tpu.vector_load %arg10[%parallel_loop3A_172, %parallel_loop3A_173] {strides = array<i32>} : memref<128x128xf32, #tpu.memory_space<vmem>>, vector<16xf32>,
          tpu.vector_store %arg10[%parallel_loop3A_172, %parallel_loop3A_173], %parallel_loop3A_171 {strides = array<i32>} : memref<128x128xf32, #tpu.memory_space<vmem>>, vector<16xf32>,
        } {sc.loop_unroll_factor = 4 : i64, sc.parallel_access}
        "tpu.region"() ({
          %run_scoped3A = tpu.sem_alloc : memref<!tpu.dma_semaphore, #tpu.memory_space<semaphore_mem>>
          %dma_start3A_113 = arith.constant 0 : i32
          %dma_start3A_114 = tpu.memref_slice %arg7[%add3A_82, %dma_start3A_113] : memref<8x128xi32, #tpu.memory_space<vmem>> -> memref<1x128xi32, #tpu.memory_space<vmem>>
          %dma_start3A_115 = tpu.memref_squeeze %dma_start3A_114 : memref<1x128xi32, #tpu.memory_space<vmem>> -> memref<128xi32, #tpu.memory_space<vmem>>
          %dma_start3A_116 = arith.constant 0 : i32
          %dma_start3A_117 = arith.constant 0 : i32
          %dma_start3A_118 = tpu.memref_slice %arg12[%dma_start3A_116, %dma_start3A_117] : memref<10112x128xf32, #tpu.memory_space<vmem_shared>> -> memref<10112x128xf32, #tpu.memory_space<vmem_shared>>
          tpu.enqueue_indirect_dma source(%arg10 : memref<128x128xf32, #tpu.memory_space<vmem>>) target(%dma_start3A_118 : memref<10112x128xf32, #tpu.memory_space<vmem_shared>>) offsets(%dma_start3A_115 : memref<128xi32, #tpu.memory_space<vmem>>) semaphore(%run_scoped3A : memref<!tpu.dma_semaphore, #tpu.memory_space<semaphore_mem>>) {add = true}
          %dma_wait3A_119 = arith.constant 0 : i32
          %dma_wait3A_120 = tpu.memref_slice %arg7[%add3A_82, %dma_wait3A_119] : memref<8x128xi32, #tpu.memory_space<vmem>> -> memref<1x128xi32, #tpu.memory_space<vmem>>
          %dma_wait3A_121 = tpu.memref_squeeze %dma_wait3A_120 : memref<1x128xi32, #tpu.memory_space<vmem>> -> memref<128xi32, #tpu.memory_space<vmem>>
          %dma_wait3A_122 = arith.constant 0 : i32
          %dma_wait3A_123 = arith.constant 0 : i32
          %dma_wait3A_124 = tpu.memref_slice %arg12[%dma_wait3A_122, %dma_wait3A_123] : memref<10112x128xf32, #tpu.memory_space<vmem_shared>> -> memref<10112x128xf32, #tpu.memory_space<vmem_shared>>
          tpu.wait_indirect_dma semaphore(%run_scoped3A : memref<!tpu.dma_semaphore, #tpu.memory_space<semaphore_mem>>) src(%arg10 : memref<128x128xf32, #tpu.memory_space<vmem>>) dst(%dma_wait3A_124 : memref<10112x128xf32, #tpu.memory_space<vmem_shared>>)
          tpu.yield
        }) : () -> ()
        %mul3A_98 = arith.constant 2 : i32
        %mul3A_99 = arith.muli %mul3A_98, %scan3A_78 : i32
        %add3A_100 = arith.constant 1 : i32
        %add3A_101 = arith.addi %mul3A_99, %add3A_100 : i32
        %dma_wait3A_102 = arith.constant 0 : i32
        %dma_wait3A_103 = tpu.memref_slice %arg8[%add3A_101, %dma_wait3A_102] : memref<8x128xi32, #tpu.memory_space<vmem>> -> memref<1x128xi32, #tpu.memory_space<vmem>>
        %dma_wait3A_104 = tpu.memref_squeeze %dma_wait3A_103 : memref<1x128xi32, #tpu.memory_space<vmem>> -> memref<128xi32, #tpu.memory_space<vmem>>
        %dma_wait3A_105 = arith.constant 0 : i32
        %dma_wait3A_106 = arith.constant 0 : i32
        %dma_wait3A_107 = tpu.memref_slice %arg5[%dma_wait3A_105, %dma_wait3A_106] : memref<10000x128xf32, #tpu.memory_space<hbm>> -> memref<10000x128xf32, #tpu.memory_space<hbm>>
        tpu.wait_indirect_dma semaphore(%arg14 : memref<!tpu.dma_semaphore, #tpu.memory_space<semaphore_mem>>) src(%dma_wait3A_107 : memref<10000x128xf32, #tpu.memory_space<hbm>>) dst(%arg11 : memref<128x128xf32, #tpu.memory_space<vmem>>)
        %lt3A = arith.constant 3 : i32
        %lt3A_108 = arith.cmpi slt, %scan3A_78, %lt3A : i32
        %convert_element_type3A = arith.extui %lt3A_108 : i1 to i32
        %cond3A = arith.constant 0 : i32
        %cond3A_109 = arith.cmpi ne, %convert_element_type3A, %cond3A : i32
        scf.if %cond3A_109 {
          %add3A_113 = arith.constant 1 : i32
          %add3A_114 = arith.addi %add3A_101, %add3A_113 : i32
          %dma_start3A_115 = arith.constant 0 : i32
          %dma_start3A_116 = tpu.memref_slice %arg8[%add3A_114, %dma_start3A_115] : memref<8x128xi32, #tpu.memory_space<vmem>> -> memref<1x128xi32, #tpu.memory_space<vmem>>
          %dma_start3A_117 = tpu.memref_squeeze %dma_start3A_116 : memref<1x128xi32, #tpu.memory_space<vmem>> -> memref<128xi32, #tpu.memory_space<vmem>>
          %dma_start3A_118 = arith.constant 0 : i32
          %dma_start3A_119 = arith.constant 0 : i32
          %dma_start3A_120 = tpu.memref_slice %arg5[%dma_start3A_118, %dma_start3A_119] : memref<10000x128xf32, #tpu.memory_space<hbm>> -> memref<10000x128xf32, #tpu.memory_space<hbm>>
          tpu.enqueue_indirect_dma source(%dma_start3A_120 : memref<10000x128xf32, #tpu.memory_space<hbm>>) target(%arg10 : memref<128x128xf32, #tpu.memory_space<vmem>>) offsets(%dma_start3A_117 : memref<128xi32, #tpu.memory_space<vmem>>) semaphore(%arg13 : memref<!tpu.dma_semaphore, #tpu.memory_space<semaphore_mem>>)
        } else {
        }
        %parallel_loop3A_110 = arith.constant 0 : i32
        %parallel_loop3A_111 = arith.constant 128 : i32
        %parallel_loop3A_112 = arith.constant 1 : i32
        scf.for %parallel_loop3A_113 = %parallel_loop3A_110 to %parallel_loop3A_111 step %parallel_loop3A_112  : i32 {
          %parallel_loop3A_114 = arith.constant 128 : i32
          %parallel_loop3A_115 = arith.muli %add3A_101, %parallel_loop3A_114 : i32
          %parallel_loop3A_116 = arith.addi %parallel_loop3A_115, %parallel_loop3A_113 : i32
          %parallel_loop3A_117 = vector.broadcast %parallel_loop3A_116 : i32 to vector<16xi32>
          %parallel_loop3A_118 = tpu.vector_load_idx %arg9[%parallel_loop3A_117] : memref<1024xf32, #tpu.memory_space<vmem>>[vector<16xi32>], vector<16xf32>,
          %parallel_loop3A_119 = arith.index_cast %parallel_loop3A_113 : i32 to index
          %parallel_loop3A_120 = arith.constant 0 : index
          %parallel_loop3A_121 = tpu.vector_load %arg11[%parallel_loop3A_119, %parallel_loop3A_120] {strides = array<i32>} : memref<128x128xf32, #tpu.memory_space<vmem>>, vector<16xf32>,
          %parallel_loop3A_122 = arith.mulf %parallel_loop3A_121, %parallel_loop3A_118 : vector<16xf32>
          %parallel_loop3A_123 = arith.index_cast %parallel_loop3A_113 : i32 to index
          %parallel_loop3A_124 = arith.constant 0 : index
          %parallel_loop3A_125 = tpu.vector_load %arg11[%parallel_loop3A_123, %parallel_loop3A_124] {strides = array<i32>} : memref<128x128xf32, #tpu.memory_space<vmem>>, vector<16xf32>,
          tpu.vector_store %arg11[%parallel_loop3A_123, %parallel_loop3A_124], %parallel_loop3A_122 {strides = array<i32>} : memref<128x128xf32, #tpu.memory_space<vmem>>, vector<16xf32>,
          %parallel_loop3A_126 = arith.index_cast %parallel_loop3A_113 : i32 to index
          %parallel_loop3A_127 = arith.constant 16 : index
          %parallel_loop3A_128 = tpu.vector_load %arg11[%parallel_loop3A_126, %parallel_loop3A_127] {strides = array<i32>} : memref<128x128xf32, #tpu.memory_space<vmem>>, vector<16xf32>,
          %parallel_loop3A_129 = arith.mulf %parallel_loop3A_128, %parallel_loop3A_118 : vector<16xf32>
          %parallel_loop3A_130 = arith.index_cast %parallel_loop3A_113 : i32 to index
          %parallel_loop3A_131 = arith.constant 16 : index
          %parallel_loop3A_132 = tpu.vector_load %arg11[%parallel_loop3A_130, %parallel_loop3A_131] {strides = array<i32>} : memref<128x128xf32, #tpu.memory_space<vmem>>, vector<16xf32>,
          tpu.vector_store %arg11[%parallel_loop3A_130, %parallel_loop3A_131], %parallel_loop3A_129 {strides = array<i32>} : memref<128x128xf32, #tpu.memory_space<vmem>>, vector<16xf32>,
          %parallel_loop3A_133 = arith.index_cast %parallel_loop3A_113 : i32 to index
          %parallel_loop3A_134 = arith.constant 32 : index
          %parallel_loop3A_135 = tpu.vector_load %arg11[%parallel_loop3A_133, %parallel_loop3A_134] {strides = array<i32>} : memref<128x128xf32, #tpu.memory_space<vmem>>, vector<16xf32>,
          %parallel_loop3A_136 = arith.mulf %parallel_loop3A_135, %parallel_loop3A_118 : vector<16xf32>
          %parallel_loop3A_137 = arith.index_cast %parallel_loop3A_113 : i32 to index
          %parallel_loop3A_138 = arith.constant 32 : index
          %parallel_loop3A_139 = tpu.vector_load %arg11[%parallel_loop3A_137, %parallel_loop3A_138] {strides = array<i32>} : memref<128x128xf32, #tpu.memory_space<vmem>>, vector<16xf32>,
          tpu.vector_store %arg11[%parallel_loop3A_137, %parallel_loop3A_138], %parallel_loop3A_136 {strides = array<i32>} : memref<128x128xf32, #tpu.memory_space<vmem>>, vector<16xf32>,
          %parallel_loop3A_140 = arith.index_cast %parallel_loop3A_113 : i32 to index
          %parallel_loop3A_141 = arith.constant 48 : index
          %parallel_loop3A_142 = tpu.vector_load %arg11[%parallel_loop3A_140, %parallel_loop3A_141] {strides = array<i32>} : memref<128x128xf32, #tpu.memory_space<vmem>>, vector<16xf32>,
          %parallel_loop3A_143 = arith.mulf %parallel_loop3A_142, %parallel_loop3A_118 : vector<16xf32>
          %parallel_loop3A_144 = arith.index_cast %parallel_loop3A_113 : i32 to index
          %parallel_loop3A_145 = arith.constant 48 : index
          %parallel_loop3A_146 = tpu.vector_load %arg11[%parallel_loop3A_144, %parallel_loop3A_145] {strides = array<i32>} : memref<128x128xf32, #tpu.memory_space<vmem>>, vector<16xf32>,
          tpu.vector_store %arg11[%parallel_loop3A_144, %parallel_loop3A_145], %parallel_loop3A_143 {strides = array<i32>} : memref<128x128xf32, #tpu.memory_space<vmem>>, vector<16xf32>,
          %parallel_loop3A_147 = arith.index_cast %parallel_loop3A_113 : i32 to index
          %parallel_loop3A_148 = arith.constant 64 : index
          %parallel_loop3A_149 = tpu.vector_load %arg11[%parallel_loop3A_147, %parallel_loop3A_148] {strides = array<i32>} : memref<128x128xf32, #tpu.memory_space<vmem>>, vector<16xf32>,
          %parallel_loop3A_150 = arith.mulf %parallel_loop3A_149, %parallel_loop3A_118 : vector<16xf32>
          %parallel_loop3A_151 = arith.index_cast %parallel_loop3A_113 : i32 to index
          %parallel_loop3A_152 = arith.constant 64 : index
          %parallel_loop3A_153 = tpu.vector_load %arg11[%parallel_loop3A_151, %parallel_loop3A_152] {strides = array<i32>} : memref<128x128xf32, #tpu.memory_space<vmem>>, vector<16xf32>,
          tpu.vector_store %arg11[%parallel_loop3A_151, %parallel_loop3A_152], %parallel_loop3A_150 {strides = array<i32>} : memref<128x128xf32, #tpu.memory_space<vmem>>, vector<16xf32>,
          %parallel_loop3A_154 = arith.index_cast %parallel_loop3A_113 : i32 to index
          %parallel_loop3A_155 = arith.constant 80 : index
          %parallel_loop3A_156 = tpu.vector_load %arg11[%parallel_loop3A_154, %parallel_loop3A_155] {strides = array<i32>} : memref<128x128xf32, #tpu.memory_space<vmem>>, vector<16xf32>,
          %parallel_loop3A_157 = arith.mulf %parallel_loop3A_156, %parallel_loop3A_118 : vector<16xf32>
          %parallel_loop3A_158 = arith.index_cast %parallel_loop3A_113 : i32 to index
          %parallel_loop3A_159 = arith.constant 80 : index
          %parallel_loop3A_160 = tpu.vector_load %arg11[%parallel_loop3A_158, %parallel_loop3A_159] {strides = array<i32>} : memref<128x128xf32, #tpu.memory_space<vmem>>, vector<16xf32>,
          tpu.vector_store %arg11[%parallel_loop3A_158, %parallel_loop3A_159], %parallel_loop3A_157 {strides = array<i32>} : memref<128x128xf32, #tpu.memory_space<vmem>>, vector<16xf32>,
          %parallel_loop3A_161 = arith.index_cast %parallel_loop3A_113 : i32 to index
          %parallel_loop3A_162 = arith.constant 96 : index
          %parallel_loop3A_163 = tpu.vector_load %arg11[%parallel_loop3A_161, %parallel_loop3A_162] {strides = array<i32>} : memref<128x128xf32, #tpu.memory_space<vmem>>, vector<16xf32>,
          %parallel_loop3A_164 = arith.mulf %parallel_loop3A_163, %parallel_loop3A_118 : vector<16xf32>
          %parallel_loop3A_165 = arith.index_cast %parallel_loop3A_113 : i32 to index
          %parallel_loop3A_166 = arith.constant 96 : index
          %parallel_loop3A_167 = tpu.vector_load %arg11[%parallel_loop3A_165, %parallel_loop3A_166] {strides = array<i32>} : memref<128x128xf32, #tpu.memory_space<vmem>>, vector<16xf32>,
          tpu.vector_store %arg11[%parallel_loop3A_165, %parallel_loop3A_166], %parallel_loop3A_164 {strides = array<i32>} : memref<128x128xf32, #tpu.memory_space<vmem>>, vector<16xf32>,
          %parallel_loop3A_168 = arith.index_cast %parallel_loop3A_113 : i32 to index
          %parallel_loop3A_169 = arith.constant 112 : index
          %parallel_loop3A_170 = tpu.vector_load %arg11[%parallel_loop3A_168, %parallel_loop3A_169] {strides = array<i32>} : memref<128x128xf32, #tpu.memory_space<vmem>>, vector<16xf32>,
          %parallel_loop3A_171 = arith.mulf %parallel_loop3A_170, %parallel_loop3A_118 : vector<16xf32>
          %parallel_loop3A_172 = arith.index_cast %parallel_loop3A_113 : i32 to index
          %parallel_loop3A_173 = arith.constant 112 : index
          %parallel_loop3A_174 = tpu.vector_load %arg11[%parallel_loop3A_172, %parallel_loop3A_173] {strides = array<i32>} : memref<128x128xf32, #tpu.memory_space<vmem>>, vector<16xf32>,
          tpu.vector_store %arg11[%parallel_loop3A_172, %parallel_loop3A_173], %parallel_loop3A_171 {strides = array<i32>} : memref<128x128xf32, #tpu.memory_space<vmem>>, vector<16xf32>,
        } {sc.loop_unroll_factor = 4 : i64, sc.parallel_access}
        "tpu.region"() ({
          %run_scoped3A = tpu.sem_alloc : memref<!tpu.dma_semaphore, #tpu.memory_space<semaphore_mem>>
          %dma_start3A_113 = arith.constant 0 : i32
          %dma_start3A_114 = tpu.memref_slice %arg7[%add3A_101, %dma_start3A_113] : memref<8x128xi32, #tpu.memory_space<vmem>> -> memref<1x128xi32, #tpu.memory_space<vmem>>
          %dma_start3A_115 = tpu.memref_squeeze %dma_start3A_114 : memref<1x128xi32, #tpu.memory_space<vmem>> -> memref<128xi32, #tpu.memory_space<vmem>>
          %dma_start3A_116 = arith.constant 0 : i32
          %dma_start3A_117 = arith.constant 0 : i32
          %dma_start3A_118 = tpu.memref_slice %arg12[%dma_start3A_116, %dma_start3A_117] : memref<10112x128xf32, #tpu.memory_space<vmem_shared>> -> memref<10112x128xf32, #tpu.memory_space<vmem_shared>>
          tpu.enqueue_indirect_dma source(%arg11 : memref<128x128xf32, #tpu.memory_space<vmem>>) target(%dma_start3A_118 : memref<10112x128xf32, #tpu.memory_space<vmem_shared>>) offsets(%dma_start3A_115 : memref<128xi32, #tpu.memory_space<vmem>>) semaphore(%run_scoped3A : memref<!tpu.dma_semaphore, #tpu.memory_space<semaphore_mem>>) {add = true}
          %dma_wait3A_119 = arith.constant 0 : i32
          %dma_wait3A_120 = tpu.memref_slice %arg7[%add3A_101, %dma_wait3A_119] : memref<8x128xi32, #tpu.memory_space<vmem>> -> memref<1x128xi32, #tpu.memory_space<vmem>>
          %dma_wait3A_121 = tpu.memref_squeeze %dma_wait3A_120 : memref<1x128xi32, #tpu.memory_space<vmem>> -> memref<128xi32, #tpu.memory_space<vmem>>
          %dma_wait3A_122 = arith.constant 0 : i32
          %dma_wait3A_123 = arith.constant 0 : i32
          %dma_wait3A_124 = tpu.memref_slice %arg12[%dma_wait3A_122, %dma_wait3A_123] : memref<10112x128xf32, #tpu.memory_space<vmem_shared>> -> memref<10112x128xf32, #tpu.memory_space<vmem_shared>>
          tpu.wait_indirect_dma semaphore(%run_scoped3A : memref<!tpu.dma_semaphore, #tpu.memory_space<semaphore_mem>>) src(%arg11 : memref<128x128xf32, #tpu.memory_space<vmem>>) dst(%dma_wait3A_124 : memref<10112x128xf32, #tpu.memory_space<vmem_shared>>)
          tpu.yield
        }) : () -> ()
      }
      %scan3A_77 = arith.constant 4 : i32
    }
    %while3A_52 = arith.constant 1 : i32
    scf.for %while3A_58 = %while3A_50 to %while3A_46 step %while3A_52  : i32 {
      %mul3A_59 = arith.constant 8 : i32
      %mul3A_60 = arith.muli %while3A_58, %mul3A_59 : i32
      %add3A_61 = arith.addi %select_n3A, %mul3A_60 : i32
      "tpu.region"() ({
        %run_scoped3A = tpu.sem_alloc : memref<!tpu.dma_semaphore, #tpu.memory_space<semaphore_mem>>
        %dma_start3A_78 = arith.constant 0 : i32
        %dma_start3A_79 = tpu.memref_slice %arg2[%add3A_61, %dma_start3A_78] : memref<2560x128xi32, #tpu.memory_space<hbm>> -> memref<8x128xi32, #tpu.memory_space<hbm>>
        %dma_start3A_80 = arith.constant 0 : i32
        %dma_start3A_81 = tpu.memref_slice %arg2[%add3A_61, %dma_start3A_80] : memref<2560x128xi32, #tpu.memory_space<hbm>> -> memref<8x128xi32, #tpu.memory_space<hbm>>
        tpu.enqueue_dma source(%dma_start3A_81 : memref<8x128xi32, #tpu.memory_space<hbm>>) target(%arg7 : memref<8x128xi32, #tpu.memory_space<vmem>>) target_semaphore(%run_scoped3A : memref<!tpu.dma_semaphore, #tpu.memory_space<semaphore_mem>>)
        %dma_wait3A = arith.constant 0 : i32
        %dma_wait3A_82 = tpu.memref_slice %arg2[%add3A_61, %dma_wait3A] : memref<2560x128xi32, #tpu.memory_space<hbm>> -> memref<8x128xi32, #tpu.memory_space<hbm>>
        %dma_wait3A_83 = arith.constant 0 : i32
        %dma_wait3A_84 = tpu.memref_slice %arg2[%add3A_61, %dma_wait3A_83] : memref<2560x128xi32, #tpu.memory_space<hbm>> -> memref<8x128xi32, #tpu.memory_space<hbm>>
        tpu.wait_dma2 semaphore(%run_scoped3A : memref<!tpu.dma_semaphore, #tpu.memory_space<semaphore_mem>>) src(%dma_wait3A_84 : memref<8x128xi32, #tpu.memory_space<hbm>>) dst(%arg7 : memref<8x128xi32, #tpu.memory_space<vmem>>)
        tpu.yield
      }) : () -> ()
      %mul3A_62 = arith.constant 8 : i32
      %mul3A_63 = arith.muli %while3A_58, %mul3A_62 : i32
      %add3A_64 = arith.addi %select_n3A, %mul3A_63 : i32
      "tpu.region"() ({
        %run_scoped3A = tpu.sem_alloc : memref<!tpu.dma_semaphore, #tpu.memory_space<semaphore_mem>>
        %dma_start3A_78 = arith.constant 0 : i32
        %dma_start3A_79 = tpu.memref_slice %arg3[%add3A_64, %dma_start3A_78] : memref<2560x128xi32, #tpu.memory_space<hbm>> -> memref<8x128xi32, #tpu.memory_space<hbm>>
        %dma_start3A_80 = arith.constant 0 : i32
        %dma_start3A_81 = tpu.memref_slice %arg3[%add3A_64, %dma_start3A_80] : memref<2560x128xi32, #tpu.memory_space<hbm>> -> memref<8x128xi32, #tpu.memory_space<hbm>>
        tpu.enqueue_dma source(%dma_start3A_81 : memref<8x128xi32, #tpu.memory_space<hbm>>) target(%arg8 : memref<8x128xi32, #tpu.memory_space<vmem>>) target_semaphore(%run_scoped3A : memref<!tpu.dma_semaphore, #tpu.memory_space<semaphore_mem>>)
        %dma_wait3A = arith.constant 0 : i32
        %dma_wait3A_82 = tpu.memref_slice %arg3[%add3A_64, %dma_wait3A] : memref<2560x128xi32, #tpu.memory_space<hbm>> -> memref<8x128xi32, #tpu.memory_space<hbm>>
        %dma_wait3A_83 = arith.constant 0 : i32
        %dma_wait3A_84 = tpu.memref_slice %arg3[%add3A_64, %dma_wait3A_83] : memref<2560x128xi32, #tpu.memory_space<hbm>> -> memref<8x128xi32, #tpu.memory_space<hbm>>
        tpu.wait_dma2 semaphore(%run_scoped3A : memref<!tpu.dma_semaphore, #tpu.memory_space<semaphore_mem>>) src(%dma_wait3A_84 : memref<8x128xi32, #tpu.memory_space<hbm>>) dst(%arg8 : memref<8x128xi32, #tpu.memory_space<vmem>>)
        tpu.yield
      }) : () -> ()
      %add3A_65 = arith.addi %select_n3A_21, %while3A_58 : i32
      "tpu.region"() ({
        %run_scoped3A = tpu.sem_alloc : memref<!tpu.dma_semaphore, #tpu.memory_space<semaphore_mem>>
        %dma_start3A_78 = arith.constant 0 : i32
        %dma_start3A_79 = tpu.memref_slice %arg4[%add3A_65, %dma_start3A_78] : memref<320x1024xf32, #tpu.memory_space<hbm>> -> memref<1x1024xf32, #tpu.memory_space<hbm>>
        %dma_start3A_80 = tpu.memref_squeeze %dma_start3A_79 : memref<1x1024xf32, #tpu.memory_space<hbm>> -> memref<1024xf32, #tpu.memory_space<hbm>>
        %dma_start3A_81 = arith.constant 0 : i32
        %dma_start3A_82 = tpu.memref_slice %arg4[%add3A_65, %dma_start3A_81] : memref<320x1024xf32, #tpu.memory_space<hbm>> -> memref<1x1024xf32, #tpu.memory_space<hbm>>
        %dma_start3A_83 = tpu.memref_squeeze %dma_start3A_82 : memref<1x1024xf32, #tpu.memory_space<hbm>> -> memref<1024xf32, #tpu.memory_space<hbm>>
        tpu.enqueue_dma source(%dma_start3A_83 : memref<1024xf32, #tpu.memory_space<hbm>>) target(%arg9 : memref<1024xf32, #tpu.memory_space<vmem>>) target_semaphore(%run_scoped3A : memref<!tpu.dma_semaphore, #tpu.memory_space<semaphore_mem>>)
        %dma_wait3A = arith.constant 0 : i32
        %dma_wait3A_84 = tpu.memref_slice %arg4[%add3A_65, %dma_wait3A] : memref<320x1024xf32, #tpu.memory_space<hbm>> -> memref<1x1024xf32, #tpu.memory_space<hbm>>
        %dma_wait3A_85 = tpu.memref_squeeze %dma_wait3A_84 : memref<1x1024xf32, #tpu.memory_space<hbm>> -> memref<1024xf32, #tpu.memory_space<hbm>>
        %dma_wait3A_86 = arith.constant 0 : i32
        %dma_wait3A_87 = tpu.memref_slice %arg4[%add3A_65, %dma_wait3A_86] : memref<320x1024xf32, #tpu.memory_space<hbm>> -> memref<1x1024xf32, #tpu.memory_space<hbm>>
        %dma_wait3A_88 = tpu.memref_squeeze %dma_wait3A_87 : memref<1x1024xf32, #tpu.memory_space<hbm>> -> memref<1024xf32, #tpu.memory_space<hbm>>
        tpu.wait_dma2 semaphore(%run_scoped3A : memref<!tpu.dma_semaphore, #tpu.memory_space<semaphore_mem>>) src(%dma_wait3A_88 : memref<1024xf32, #tpu.memory_space<hbm>>) dst(%arg9 : memref<1024xf32, #tpu.memory_space<vmem>>)
        tpu.yield
      }) : () -> ()
      %dma_start3A = arith.constant 0 : i32
      %dma_start3A_66 = arith.constant 0 : i32
      %dma_start3A_67 = tpu.memref_slice %arg8[%dma_start3A, %dma_start3A_66] : memref<8x128xi32, #tpu.memory_space<vmem>> -> memref<1x128xi32, #tpu.memory_space<vmem>>
      %dma_start3A_68 = tpu.memref_squeeze %dma_start3A_67 : memref<1x128xi32, #tpu.memory_space<vmem>> -> memref<128xi32, #tpu.memory_space<vmem>>
      %dma_start3A_69 = arith.constant 0 : i32
      %dma_start3A_70 = arith.constant 0 : i32
      %dma_start3A_71 = tpu.memref_slice %arg5[%dma_start3A_69, %dma_start3A_70] : memref<10000x128xf32, #tpu.memory_space<hbm>> -> memref<10000x128xf32, #tpu.memory_space<hbm>>
      tpu.enqueue_indirect_dma source(%dma_start3A_71 : memref<10000x128xf32, #tpu.memory_space<hbm>>) target(%arg10 : memref<128x128xf32, #tpu.memory_space<vmem>>) offsets(%dma_start3A_68 : memref<128xi32, #tpu.memory_space<vmem>>) semaphore(%arg13 : memref<!tpu.dma_semaphore, #tpu.memory_space<semaphore_mem>>)
      %scan3A_72 = arith.constant 0 : i32
      %scan3A_73 = arith.constant 0 : i32
      %scan3A_74 = arith.constant 4 : i32
      %scan3A_75 = arith.addi %scan3A_73, %scan3A_74 : i32
      %scan3A_76 = arith.constant 1 : i32
      scf.for %scan3A_78 = %scan3A_73 to %scan3A_75 step %scan3A_76  : i32 {
        %mul3A_79 = arith.constant 2 : i32
        %mul3A_80 = arith.muli %mul3A_79, %scan3A_78 : i32
        %add3A_81 = arith.constant 0 : i32
        %add3A_82 = arith.addi %mul3A_80, %add3A_81 : i32
        %dma_wait3A = arith.constant 0 : i32
        %dma_wait3A_83 = tpu.memref_slice %arg8[%add3A_82, %dma_wait3A] : memref<8x128xi32, #tpu.memory_space<vmem>> -> memref<1x128xi32, #tpu.memory_space<vmem>>
        %dma_wait3A_84 = tpu.memref_squeeze %dma_wait3A_83 : memref<1x128xi32, #tpu.memory_space<vmem>> -> memref<128xi32, #tpu.memory_space<vmem>>
        %dma_wait3A_85 = arith.constant 0 : i32
        %dma_wait3A_86 = arith.constant 0 : i32
        %dma_wait3A_87 = tpu.memref_slice %arg5[%dma_wait3A_85, %dma_wait3A_86] : memref<10000x128xf32, #tpu.memory_space<hbm>> -> memref<10000x128xf32, #tpu.memory_space<hbm>>
        tpu.wait_indirect_dma semaphore(%arg13 : memref<!tpu.dma_semaphore, #tpu.memory_space<semaphore_mem>>) src(%dma_wait3A_87 : memref<10000x128xf32, #tpu.memory_space<hbm>>) dst(%arg10 : memref<128x128xf32, #tpu.memory_space<vmem>>)
        %add3A_88 = arith.constant 1 : i32
        %add3A_89 = arith.addi %add3A_82, %add3A_88 : i32
        %dma_start3A_90 = arith.constant 0 : i32
        %dma_start3A_91 = tpu.memref_slice %arg8[%add3A_89, %dma_start3A_90] : memref<8x128xi32, #tpu.memory_space<vmem>> -> memref<1x128xi32, #tpu.memory_space<vmem>>
        %dma_start3A_92 = tpu.memref_squeeze %dma_start3A_91 : memref<1x128xi32, #tpu.memory_space<vmem>> -> memref<128xi32, #tpu.memory_space<vmem>>
        %dma_start3A_93 = arith.constant 0 : i32
        %dma_start3A_94 = arith.constant 0 : i32
        %dma_start3A_95 = tpu.memref_slice %arg5[%dma_start3A_93, %dma_start3A_94] : memref<10000x128xf32, #tpu.memory_space<hbm>> -> memref<10000x128xf32, #tpu.memory_space<hbm>>
        tpu.enqueue_indirect_dma source(%dma_start3A_95 : memref<10000x128xf32, #tpu.memory_space<hbm>>) target(%arg11 : memref<128x128xf32, #tpu.memory_space<vmem>>) offsets(%dma_start3A_92 : memref<128xi32, #tpu.memory_space<vmem>>) semaphore(%arg14 : memref<!tpu.dma_semaphore, #tpu.memory_space<semaphore_mem>>)
        %parallel_loop3A = arith.constant 0 : i32
        %parallel_loop3A_96 = arith.constant 128 : i32
        %parallel_loop3A_97 = arith.constant 1 : i32
        scf.for %parallel_loop3A_113 = %parallel_loop3A to %parallel_loop3A_96 step %parallel_loop3A_97  : i32 {
          %parallel_loop3A_114 = arith.constant 128 : i32
          %parallel_loop3A_115 = arith.muli %add3A_82, %parallel_loop3A_114 : i32
          %parallel_loop3A_116 = arith.addi %parallel_loop3A_115, %parallel_loop3A_113 : i32
          %parallel_loop3A_117 = vector.broadcast %parallel_loop3A_116 : i32 to vector<16xi32>
          %parallel_loop3A_118 = tpu.vector_load_idx %arg9[%parallel_loop3A_117] : memref<1024xf32, #tpu.memory_space<vmem>>[vector<16xi32>], vector<16xf32>,
          %parallel_loop3A_119 = arith.index_cast %parallel_loop3A_113 : i32 to index
          %parallel_loop3A_120 = arith.constant 0 : index
          %parallel_loop3A_121 = tpu.vector_load %arg10[%parallel_loop3A_119, %parallel_loop3A_120] {strides = array<i32>} : memref<128x128xf32, #tpu.memory_space<vmem>>, vector<16xf32>,
          %parallel_loop3A_122 = arith.mulf %parallel_loop3A_121, %parallel_loop3A_118 : vector<16xf32>
          %parallel_loop3A_123 = arith.index_cast %parallel_loop3A_113 : i32 to index
          %parallel_loop3A_124 = arith.constant 0 : index
          %parallel_loop3A_125 = tpu.vector_load %arg10[%parallel_loop3A_123, %parallel_loop3A_124] {strides = array<i32>} : memref<128x128xf32, #tpu.memory_space<vmem>>, vector<16xf32>,
          tpu.vector_store %arg10[%parallel_loop3A_123, %parallel_loop3A_124], %parallel_loop3A_122 {strides = array<i32>} : memref<128x128xf32, #tpu.memory_space<vmem>>, vector<16xf32>,
          %parallel_loop3A_126 = arith.index_cast %parallel_loop3A_113 : i32 to index
          %parallel_loop3A_127 = arith.constant 16 : index
          %parallel_loop3A_128 = tpu.vector_load %arg10[%parallel_loop3A_126, %parallel_loop3A_127] {strides = array<i32>} : memref<128x128xf32, #tpu.memory_space<vmem>>, vector<16xf32>,
          %parallel_loop3A_129 = arith.mulf %parallel_loop3A_128, %parallel_loop3A_118 : vector<16xf32>
          %parallel_loop3A_130 = arith.index_cast %parallel_loop3A_113 : i32 to index
          %parallel_loop3A_131 = arith.constant 16 : index
          %parallel_loop3A_132 = tpu.vector_load %arg10[%parallel_loop3A_130, %parallel_loop3A_131] {strides = array<i32>} : memref<128x128xf32, #tpu.memory_space<vmem>>, vector<16xf32>,
          tpu.vector_store %arg10[%parallel_loop3A_130, %parallel_loop3A_131], %parallel_loop3A_129 {strides = array<i32>} : memref<128x128xf32, #tpu.memory_space<vmem>>, vector<16xf32>,
          %parallel_loop3A_133 = arith.index_cast %parallel_loop3A_113 : i32 to index
          %parallel_loop3A_134 = arith.constant 32 : index
          %parallel_loop3A_135 = tpu.vector_load %arg10[%parallel_loop3A_133, %parallel_loop3A_134] {strides = array<i32>} : memref<128x128xf32, #tpu.memory_space<vmem>>, vector<16xf32>,
          %parallel_loop3A_136 = arith.mulf %parallel_loop3A_135, %parallel_loop3A_118 : vector<16xf32>
          %parallel_loop3A_137 = arith.index_cast %parallel_loop3A_113 : i32 to index
          %parallel_loop3A_138 = arith.constant 32 : index
          %parallel_loop3A_139 = tpu.vector_load %arg10[%parallel_loop3A_137, %parallel_loop3A_138] {strides = array<i32>} : memref<128x128xf32, #tpu.memory_space<vmem>>, vector<16xf32>,
          tpu.vector_store %arg10[%parallel_loop3A_137, %parallel_loop3A_138], %parallel_loop3A_136 {strides = array<i32>} : memref<128x128xf32, #tpu.memory_space<vmem>>, vector<16xf32>,
          %parallel_loop3A_140 = arith.index_cast %parallel_loop3A_113 : i32 to index
          %parallel_loop3A_141 = arith.constant 48 : index
          %parallel_loop3A_142 = tpu.vector_load %arg10[%parallel_loop3A_140, %parallel_loop3A_141] {strides = array<i32>} : memref<128x128xf32, #tpu.memory_space<vmem>>, vector<16xf32>,
          %parallel_loop3A_143 = arith.mulf %parallel_loop3A_142, %parallel_loop3A_118 : vector<16xf32>
          %parallel_loop3A_144 = arith.index_cast %parallel_loop3A_113 : i32 to index
          %parallel_loop3A_145 = arith.constant 48 : index
          %parallel_loop3A_146 = tpu.vector_load %arg10[%parallel_loop3A_144, %parallel_loop3A_145] {strides = array<i32>} : memref<128x128xf32, #tpu.memory_space<vmem>>, vector<16xf32>,
          tpu.vector_store %arg10[%parallel_loop3A_144, %parallel_loop3A_145], %parallel_loop3A_143 {strides = array<i32>} : memref<128x128xf32, #tpu.memory_space<vmem>>, vector<16xf32>,
          %parallel_loop3A_147 = arith.index_cast %parallel_loop3A_113 : i32 to index
          %parallel_loop3A_148 = arith.constant 64 : index
          %parallel_loop3A_149 = tpu.vector_load %arg10[%parallel_loop3A_147, %parallel_loop3A_148] {strides = array<i32>} : memref<128x128xf32, #tpu.memory_space<vmem>>, vector<16xf32>,
          %parallel_loop3A_150 = arith.mulf %parallel_loop3A_149, %parallel_loop3A_118 : vector<16xf32>
          %parallel_loop3A_151 = arith.index_cast %parallel_loop3A_113 : i32 to index
          %parallel_loop3A_152 = arith.constant 64 : index
          %parallel_loop3A_153 = tpu.vector_load %arg10[%parallel_loop3A_151, %parallel_loop3A_152] {strides = array<i32>} : memref<128x128xf32, #tpu.memory_space<vmem>>, vector<16xf32>,
          tpu.vector_store %arg10[%parallel_loop3A_151, %parallel_loop3A_152], %parallel_loop3A_150 {strides = array<i32>} : memref<128x128xf32, #tpu.memory_space<vmem>>, vector<16xf32>,
          %parallel_loop3A_154 = arith.index_cast %parallel_loop3A_113 : i32 to index
          %parallel_loop3A_155 = arith.constant 80 : index
          %parallel_loop3A_156 = tpu.vector_load %arg10[%parallel_loop3A_154, %parallel_loop3A_155] {strides = array<i32>} : memref<128x128xf32, #tpu.memory_space<vmem>>, vector<16xf32>,
          %parallel_loop3A_157 = arith.mulf %parallel_loop3A_156, %parallel_loop3A_118 : vector<16xf32>
          %parallel_loop3A_158 = arith.index_cast %parallel_loop3A_113 : i32 to index
          %parallel_loop3A_159 = arith.constant 80 : index
          %parallel_loop3A_160 = tpu.vector_load %arg10[%parallel_loop3A_158, %parallel_loop3A_159] {strides = array<i32>} : memref<128x128xf32, #tpu.memory_space<vmem>>, vector<16xf32>,
          tpu.vector_store %arg10[%parallel_loop3A_158, %parallel_loop3A_159], %parallel_loop3A_157 {strides = array<i32>} : memref<128x128xf32, #tpu.memory_space<vmem>>, vector<16xf32>,
          %parallel_loop3A_161 = arith.index_cast %parallel_loop3A_113 : i32 to index
          %parallel_loop3A_162 = arith.constant 96 : index
          %parallel_loop3A_163 = tpu.vector_load %arg10[%parallel_loop3A_161, %parallel_loop3A_162] {strides = array<i32>} : memref<128x128xf32, #tpu.memory_space<vmem>>, vector<16xf32>,
          %parallel_loop3A_164 = arith.mulf %parallel_loop3A_163, %parallel_loop3A_118 : vector<16xf32>
          %parallel_loop3A_165 = arith.index_cast %parallel_loop3A_113 : i32 to index
          %parallel_loop3A_166 = arith.constant 96 : index
          %parallel_loop3A_167 = tpu.vector_load %arg10[%parallel_loop3A_165, %parallel_loop3A_166] {strides = array<i32>} : memref<128x128xf32, #tpu.memory_space<vmem>>, vector<16xf32>,
          tpu.vector_store %arg10[%parallel_loop3A_165, %parallel_loop3A_166], %parallel_loop3A_164 {strides = array<i32>} : memref<128x128xf32, #tpu.memory_space<vmem>>, vector<16xf32>,
          %parallel_loop3A_168 = arith.index_cast %parallel_loop3A_113 : i32 to index
          %parallel_loop3A_169 = arith.constant 112 : index
          %parallel_loop3A_170 = tpu.vector_load %arg10[%parallel_loop3A_168, %parallel_loop3A_169] {strides = array<i32>} : memref<128x128xf32, #tpu.memory_space<vmem>>, vector<16xf32>,
          %parallel_loop3A_171 = arith.mulf %parallel_loop3A_170, %parallel_loop3A_118 : vector<16xf32>
          %parallel_loop3A_172 = arith.index_cast %parallel_loop3A_113 : i32 to index
          %parallel_loop3A_173 = arith.constant 112 : index
          %parallel_loop3A_174 = tpu.vector_load %arg10[%parallel_loop3A_172, %parallel_loop3A_173] {strides = array<i32>} : memref<128x128xf32, #tpu.memory_space<vmem>>, vector<16xf32>,
          tpu.vector_store %arg10[%parallel_loop3A_172, %parallel_loop3A_173], %parallel_loop3A_171 {strides = array<i32>} : memref<128x128xf32, #tpu.memory_space<vmem>>, vector<16xf32>,
        } {sc.loop_unroll_factor = 4 : i64, sc.parallel_access}
        "tpu.region"() ({
          %run_scoped3A = tpu.sem_alloc : memref<!tpu.dma_semaphore, #tpu.memory_space<semaphore_mem>>
          %dma_start3A_113 = arith.constant 0 : i32
          %dma_start3A_114 = tpu.memref_slice %arg7[%add3A_82, %dma_start3A_113] : memref<8x128xi32, #tpu.memory_space<vmem>> -> memref<1x128xi32, #tpu.memory_space<vmem>>
          %dma_start3A_115 = tpu.memref_squeeze %dma_start3A_114 : memref<1x128xi32, #tpu.memory_space<vmem>> -> memref<128xi32, #tpu.memory_space<vmem>>
          %dma_start3A_116 = arith.constant 0 : i32
          %dma_start3A_117 = arith.constant 0 : i32
          %dma_start3A_118 = tpu.memref_slice %arg12[%dma_start3A_116, %dma_start3A_117] : memref<10112x128xf32, #tpu.memory_space<vmem_shared>> -> memref<10112x128xf32, #tpu.memory_space<vmem_shared>>
          tpu.enqueue_indirect_dma source(%arg10 : memref<128x128xf32, #tpu.memory_space<vmem>>) target(%dma_start3A_118 : memref<10112x128xf32, #tpu.memory_space<vmem_shared>>) offsets(%dma_start3A_115 : memref<128xi32, #tpu.memory_space<vmem>>) semaphore(%run_scoped3A : memref<!tpu.dma_semaphore, #tpu.memory_space<semaphore_mem>>) {add = true}
          %dma_wait3A_119 = arith.constant 0 : i32
          %dma_wait3A_120 = tpu.memref_slice %arg7[%add3A_82, %dma_wait3A_119] : memref<8x128xi32, #tpu.memory_space<vmem>> -> memref<1x128xi32, #tpu.memory_space<vmem>>
          %dma_wait3A_121 = tpu.memref_squeeze %dma_wait3A_120 : memref<1x128xi32, #tpu.memory_space<vmem>> -> memref<128xi32, #tpu.memory_space<vmem>>
          %dma_wait3A_122 = arith.constant 0 : i32
          %dma_wait3A_123 = arith.constant 0 : i32
          %dma_wait3A_124 = tpu.memref_slice %arg12[%dma_wait3A_122, %dma_wait3A_123] : memref<10112x128xf32, #tpu.memory_space<vmem_shared>> -> memref<10112x128xf32, #tpu.memory_space<vmem_shared>>
          tpu.wait_indirect_dma semaphore(%run_scoped3A : memref<!tpu.dma_semaphore, #tpu.memory_space<semaphore_mem>>) src(%arg10 : memref<128x128xf32, #tpu.memory_space<vmem>>) dst(%dma_wait3A_124 : memref<10112x128xf32, #tpu.memory_space<vmem_shared>>)
          tpu.yield
        }) : () -> ()
        %mul3A_98 = arith.constant 2 : i32
        %mul3A_99 = arith.muli %mul3A_98, %scan3A_78 : i32
        %add3A_100 = arith.constant 1 : i32
        %add3A_101 = arith.addi %mul3A_99, %add3A_100 : i32
        %dma_wait3A_102 = arith.constant 0 : i32
        %dma_wait3A_103 = tpu.memref_slice %arg8[%add3A_101, %dma_wait3A_102] : memref<8x128xi32, #tpu.memory_space<vmem>> -> memref<1x128xi32, #tpu.memory_space<vmem>>
        %dma_wait3A_104 = tpu.memref_squeeze %dma_wait3A_103 : memref<1x128xi32, #tpu.memory_space<vmem>> -> memref<128xi32, #tpu.memory_space<vmem>>
        %dma_wait3A_105 = arith.constant 0 : i32
        %dma_wait3A_106 = arith.constant 0 : i32
        %dma_wait3A_107 = tpu.memref_slice %arg5[%dma_wait3A_105, %dma_wait3A_106] : memref<10000x128xf32, #tpu.memory_space<hbm>> -> memref<10000x128xf32, #tpu.memory_space<hbm>>
        tpu.wait_indirect_dma semaphore(%arg14 : memref<!tpu.dma_semaphore, #tpu.memory_space<semaphore_mem>>) src(%dma_wait3A_107 : memref<10000x128xf32, #tpu.memory_space<hbm>>) dst(%arg11 : memref<128x128xf32, #tpu.memory_space<vmem>>)
        %lt3A = arith.constant 3 : i32
        %lt3A_108 = arith.cmpi slt, %scan3A_78, %lt3A : i32
        %convert_element_type3A = arith.extui %lt3A_108 : i1 to i32
        %cond3A = arith.constant 0 : i32
        %cond3A_109 = arith.cmpi ne, %convert_element_type3A, %cond3A : i32
        scf.if %cond3A_109 {
          %add3A_113 = arith.constant 1 : i32
          %add3A_114 = arith.addi %add3A_101, %add3A_113 : i32
          %dma_start3A_115 = arith.constant 0 : i32
          %dma_start3A_116 = tpu.memref_slice %arg8[%add3A_114, %dma_start3A_115] : memref<8x128xi32, #tpu.memory_space<vmem>> -> memref<1x128xi32, #tpu.memory_space<vmem>>
          %dma_start3A_117 = tpu.memref_squeeze %dma_start3A_116 : memref<1x128xi32, #tpu.memory_space<vmem>> -> memref<128xi32, #tpu.memory_space<vmem>>
          %dma_start3A_118 = arith.constant 0 : i32
          %dma_start3A_119 = arith.constant 0 : i32
          %dma_start3A_120 = tpu.memref_slice %arg5[%dma_start3A_118, %dma_start3A_119] : memref<10000x128xf32, #tpu.memory_space<hbm>> -> memref<10000x128xf32, #tpu.memory_space<hbm>>
          tpu.enqueue_indirect_dma source(%dma_start3A_120 : memref<10000x128xf32, #tpu.memory_space<hbm>>) target(%arg10 : memref<128x128xf32, #tpu.memory_space<vmem>>) offsets(%dma_start3A_117 : memref<128xi32, #tpu.memory_space<vmem>>) semaphore(%arg13 : memref<!tpu.dma_semaphore, #tpu.memory_space<semaphore_mem>>)
        } else {
        }
        %parallel_loop3A_110 = arith.constant 0 : i32
        %parallel_loop3A_111 = arith.constant 128 : i32
        %parallel_loop3A_112 = arith.constant 1 : i32
        scf.for %parallel_loop3A_113 = %parallel_loop3A_110 to %parallel_loop3A_111 step %parallel_loop3A_112  : i32 {
          %parallel_loop3A_114 = arith.constant 128 : i32
          %parallel_loop3A_115 = arith.muli %add3A_101, %parallel_loop3A_114 : i32
          %parallel_loop3A_116 = arith.addi %parallel_loop3A_115, %parallel_loop3A_113 : i32
          %parallel_loop3A_117 = vector.broadcast %parallel_loop3A_116 : i32 to vector<16xi32>
          %parallel_loop3A_118 = tpu.vector_load_idx %arg9[%parallel_loop3A_117] : memref<1024xf32, #tpu.memory_space<vmem>>[vector<16xi32>], vector<16xf32>,
          %parallel_loop3A_119 = arith.index_cast %parallel_loop3A_113 : i32 to index
          %parallel_loop3A_120 = arith.constant 0 : index
          %parallel_loop3A_121 = tpu.vector_load %arg11[%parallel_loop3A_119, %parallel_loop3A_120] {strides = array<i32>} : memref<128x128xf32, #tpu.memory_space<vmem>>, vector<16xf32>,
          %parallel_loop3A_122 = arith.mulf %parallel_loop3A_121, %parallel_loop3A_118 : vector<16xf32>
          %parallel_loop3A_123 = arith.index_cast %parallel_loop3A_113 : i32 to index
          %parallel_loop3A_124 = arith.constant 0 : index
          %parallel_loop3A_125 = tpu.vector_load %arg11[%parallel_loop3A_123, %parallel_loop3A_124] {strides = array<i32>} : memref<128x128xf32, #tpu.memory_space<vmem>>, vector<16xf32>,
          tpu.vector_store %arg11[%parallel_loop3A_123, %parallel_loop3A_124], %parallel_loop3A_122 {strides = array<i32>} : memref<128x128xf32, #tpu.memory_space<vmem>>, vector<16xf32>,
          %parallel_loop3A_126 = arith.index_cast %parallel_loop3A_113 : i32 to index
          %parallel_loop3A_127 = arith.constant 16 : index
          %parallel_loop3A_128 = tpu.vector_load %arg11[%parallel_loop3A_126, %parallel_loop3A_127] {strides = array<i32>} : memref<128x128xf32, #tpu.memory_space<vmem>>, vector<16xf32>,
          %parallel_loop3A_129 = arith.mulf %parallel_loop3A_128, %parallel_loop3A_118 : vector<16xf32>
          %parallel_loop3A_130 = arith.index_cast %parallel_loop3A_113 : i32 to index
          %parallel_loop3A_131 = arith.constant 16 : index
          %parallel_loop3A_132 = tpu.vector_load %arg11[%parallel_loop3A_130, %parallel_loop3A_131] {strides = array<i32>} : memref<128x128xf32, #tpu.memory_space<vmem>>, vector<16xf32>,
          tpu.vector_store %arg11[%parallel_loop3A_130, %parallel_loop3A_131], %parallel_loop3A_129 {strides = array<i32>} : memref<128x128xf32, #tpu.memory_space<vmem>>, vector<16xf32>,
          %parallel_loop3A_133 = arith.index_cast %parallel_loop3A_113 : i32 to index
          %parallel_loop3A_134 = arith.constant 32 : index
          %parallel_loop3A_135 = tpu.vector_load %arg11[%parallel_loop3A_133, %parallel_loop3A_134] {strides = array<i32>} : memref<128x128xf32, #tpu.memory_space<vmem>>, vector<16xf32>,
          %parallel_loop3A_136 = arith.mulf %parallel_loop3A_135, %parallel_loop3A_118 : vector<16xf32>
          %parallel_loop3A_137 = arith.index_cast %parallel_loop3A_113 : i32 to index
          %parallel_loop3A_138 = arith.constant 32 : index
          %parallel_loop3A_139 = tpu.vector_load %arg11[%parallel_loop3A_137, %parallel_loop3A_138] {strides = array<i32>} : memref<128x128xf32, #tpu.memory_space<vmem>>, vector<16xf32>,
          tpu.vector_store %arg11[%parallel_loop3A_137, %parallel_loop3A_138], %parallel_loop3A_136 {strides = array<i32>} : memref<128x128xf32, #tpu.memory_space<vmem>>, vector<16xf32>,
          %parallel_loop3A_140 = arith.index_cast %parallel_loop3A_113 : i32 to index
          %parallel_loop3A_141 = arith.constant 48 : index
          %parallel_loop3A_142 = tpu.vector_load %arg11[%parallel_loop3A_140, %parallel_loop3A_141] {strides = array<i32>} : memref<128x128xf32, #tpu.memory_space<vmem>>, vector<16xf32>,
          %parallel_loop3A_143 = arith.mulf %parallel_loop3A_142, %parallel_loop3A_118 : vector<16xf32>
          %parallel_loop3A_144 = arith.index_cast %parallel_loop3A_113 : i32 to index
          %parallel_loop3A_145 = arith.constant 48 : index
          %parallel_loop3A_146 = tpu.vector_load %arg11[%parallel_loop3A_144, %parallel_loop3A_145] {strides = array<i32>} : memref<128x128xf32, #tpu.memory_space<vmem>>, vector<16xf32>,
          tpu.vector_store %arg11[%parallel_loop3A_144, %parallel_loop3A_145], %parallel_loop3A_143 {strides = array<i32>} : memref<128x128xf32, #tpu.memory_space<vmem>>, vector<16xf32>,
          %parallel_loop3A_147 = arith.index_cast %parallel_loop3A_113 : i32 to index
          %parallel_loop3A_148 = arith.constant 64 : index
          %parallel_loop3A_149 = tpu.vector_load %arg11[%parallel_loop3A_147, %parallel_loop3A_148] {strides = array<i32>} : memref<128x128xf32, #tpu.memory_space<vmem>>, vector<16xf32>,
          %parallel_loop3A_150 = arith.mulf %parallel_loop3A_149, %parallel_loop3A_118 : vector<16xf32>
          %parallel_loop3A_151 = arith.index_cast %parallel_loop3A_113 : i32 to index
          %parallel_loop3A_152 = arith.constant 64 : index
          %parallel_loop3A_153 = tpu.vector_load %arg11[%parallel_loop3A_151, %parallel_loop3A_152] {strides = array<i32>} : memref<128x128xf32, #tpu.memory_space<vmem>>, vector<16xf32>,
          tpu.vector_store %arg11[%parallel_loop3A_151, %parallel_loop3A_152], %parallel_loop3A_150 {strides = array<i32>} : memref<128x128xf32, #tpu.memory_space<vmem>>, vector<16xf32>,
          %parallel_loop3A_154 = arith.index_cast %parallel_loop3A_113 : i32 to index
          %parallel_loop3A_155 = arith.constant 80 : index
          %parallel_loop3A_156 = tpu.vector_load %arg11[%parallel_loop3A_154, %parallel_loop3A_155] {strides = array<i32>} : memref<128x128xf32, #tpu.memory_space<vmem>>, vector<16xf32>,
          %parallel_loop3A_157 = arith.mulf %parallel_loop3A_156, %parallel_loop3A_118 : vector<16xf32>
          %parallel_loop3A_158 = arith.index_cast %parallel_loop3A_113 : i32 to index
          %parallel_loop3A_159 = arith.constant 80 : index
          %parallel_loop3A_160 = tpu.vector_load %arg11[%parallel_loop3A_158, %parallel_loop3A_159] {strides = array<i32>} : memref<128x128xf32, #tpu.memory_space<vmem>>, vector<16xf32>,
          tpu.vector_store %arg11[%parallel_loop3A_158, %parallel_loop3A_159], %parallel_loop3A_157 {strides = array<i32>} : memref<128x128xf32, #tpu.memory_space<vmem>>, vector<16xf32>,
          %parallel_loop3A_161 = arith.index_cast %parallel_loop3A_113 : i32 to index
          %parallel_loop3A_162 = arith.constant 96 : index
          %parallel_loop3A_163 = tpu.vector_load %arg11[%parallel_loop3A_161, %parallel_loop3A_162] {strides = array<i32>} : memref<128x128xf32, #tpu.memory_space<vmem>>, vector<16xf32>,
          %parallel_loop3A_164 = arith.mulf %parallel_loop3A_163, %parallel_loop3A_118 : vector<16xf32>
          %parallel_loop3A_165 = arith.index_cast %parallel_loop3A_113 : i32 to index
          %parallel_loop3A_166 = arith.constant 96 : index
          %parallel_loop3A_167 = tpu.vector_load %arg11[%parallel_loop3A_165, %parallel_loop3A_166] {strides = array<i32>} : memref<128x128xf32, #tpu.memory_space<vmem>>, vector<16xf32>,
          tpu.vector_store %arg11[%parallel_loop3A_165, %parallel_loop3A_166], %parallel_loop3A_164 {strides = array<i32>} : memref<128x128xf32, #tpu.memory_space<vmem>>, vector<16xf32>,
          %parallel_loop3A_168 = arith.index_cast %parallel_loop3A_113 : i32 to index
          %parallel_loop3A_169 = arith.constant 112 : index
          %parallel_loop3A_170 = tpu.vector_load %arg11[%parallel_loop3A_168, %parallel_loop3A_169] {strides = array<i32>} : memref<128x128xf32, #tpu.memory_space<vmem>>, vector<16xf32>,
          %parallel_loop3A_171 = arith.mulf %parallel_loop3A_170, %parallel_loop3A_118 : vector<16xf32>
          %parallel_loop3A_172 = arith.index_cast %parallel_loop3A_113 : i32 to index
          %parallel_loop3A_173 = arith.constant 112 : index
          %parallel_loop3A_174 = tpu.vector_load %arg11[%parallel_loop3A_172, %parallel_loop3A_173] {strides = array<i32>} : memref<128x128xf32, #tpu.memory_space<vmem>>, vector<16xf32>,
          tpu.vector_store %arg11[%parallel_loop3A_172, %parallel_loop3A_173], %parallel_loop3A_171 {strides = array<i32>} : memref<128x128xf32, #tpu.memory_space<vmem>>, vector<16xf32>,
        } {sc.loop_unroll_factor = 4 : i64, sc.parallel_access}
        "tpu.region"() ({
          %run_scoped3A = tpu.sem_alloc : memref<!tpu.dma_semaphore, #tpu.memory_space<semaphore_mem>>
          %dma_start3A_113 = arith.constant 0 : i32
          %dma_start3A_114 = tpu.memref_slice %arg7[%add3A_101, %dma_start3A_113] : memref<8x128xi32, #tpu.memory_space<vmem>> -> memref<1x128xi32, #tpu.memory_space<vmem>>
          %dma_start3A_115 = tpu.memref_squeeze %dma_start3A_114 : memref<1x128xi32, #tpu.memory_space<vmem>> -> memref<128xi32, #tpu.memory_space<vmem>>
          %dma_start3A_116 = arith.constant 0 : i32
          %dma_start3A_117 = arith.constant 0 : i32
          %dma_start3A_118 = tpu.memref_slice %arg12[%dma_start3A_116, %dma_start3A_117] : memref<10112x128xf32, #tpu.memory_space<vmem_shared>> -> memref<10112x128xf32, #tpu.memory_space<vmem_shared>>
          tpu.enqueue_indirect_dma source(%arg11 : memref<128x128xf32, #tpu.memory_space<vmem>>) target(%dma_start3A_118 : memref<10112x128xf32, #tpu.memory_space<vmem_shared>>) offsets(%dma_start3A_115 : memref<128xi32, #tpu.memory_space<vmem>>) semaphore(%run_scoped3A : memref<!tpu.dma_semaphore, #tpu.memory_space<semaphore_mem>>) {add = true}
          %dma_wait3A_119 = arith.constant 0 : i32
          %dma_wait3A_120 = tpu.memref_slice %arg7[%add3A_101, %dma_wait3A_119] : memref<8x128xi32, #tpu.memory_space<vmem>> -> memref<1x128xi32, #tpu.memory_space<vmem>>
          %dma_wait3A_121 = tpu.memref_squeeze %dma_wait3A_120 : memref<1x128xi32, #tpu.memory_space<vmem>> -> memref<128xi32, #tpu.memory_space<vmem>>
          %dma_wait3A_122 = arith.constant 0 : i32
          %dma_wait3A_123 = arith.constant 0 : i32
          %dma_wait3A_124 = tpu.memref_slice %arg12[%dma_wait3A_122, %dma_wait3A_123] : memref<10112x128xf32, #tpu.memory_space<vmem_shared>> -> memref<10112x128xf32, #tpu.memory_space<vmem_shared>>
          tpu.wait_indirect_dma semaphore(%run_scoped3A : memref<!tpu.dma_semaphore, #tpu.memory_space<semaphore_mem>>) src(%arg11 : memref<128x128xf32, #tpu.memory_space<vmem>>) dst(%dma_wait3A_124 : memref<10112x128xf32, #tpu.memory_space<vmem_shared>>)
          tpu.yield
        }) : () -> ()
      }
      %scan3A_77 = arith.constant 4 : i32
    }
    %barrier3A_53 = arith.constant 0 : index
    tpu.barrier barrier_id(%barrier3A_53)
    %mul3A_54 = arith.constant 632 : i32
    %mul3A_55 = arith.muli %arg1, %mul3A_54 : i32
    %mul3A_56 = arith.constant 632 : i32
    %mul3A_57 = arith.muli %arg1, %mul3A_56 : i32
    "tpu.region"() ({
      %run_scoped3A = tpu.sem_alloc : memref<!tpu.dma_semaphore, #tpu.memory_space<semaphore_mem>>
      %dma_start3A = arith.constant 0 : i32
      %dma_start3A_58 = tpu.memref_slice %arg6[%arg0, %mul3A_57, %dma_start3A] : memref<2x10112x128xf32, #tpu.memory_space<hbm>> -> memref<1x632x128xf32, #tpu.memory_space<hbm>>
      %dma_start3A_59 = tpu.memref_squeeze %dma_start3A_58 : memref<1x632x128xf32, #tpu.memory_space<hbm>> -> memref<632x128xf32, #tpu.memory_space<hbm>>
      %dma_start3A_60 = arith.constant 0 : i32
      %dma_start3A_61 = tpu.memref_slice %arg12[%mul3A_55, %dma_start3A_60] : memref<10112x128xf32, #tpu.memory_space<vmem_shared>> -> memref<632x128xf32, #tpu.memory_space<vmem_shared>>
      tpu.enqueue_dma source(%dma_start3A_61 : memref<632x128xf32, #tpu.memory_space<vmem_shared>>) target(%dma_start3A_59 : memref<632x128xf32, #tpu.memory_space<hbm>>) target_semaphore(%run_scoped3A : memref<!tpu.dma_semaphore, #tpu.memory_space<semaphore_mem>>)
      %dma_wait3A = arith.constant 0 : i32
      %dma_wait3A_62 = tpu.memref_slice %arg6[%arg0, %mul3A_57, %dma_wait3A] : memref<2x10112x128xf32, #tpu.memory_space<hbm>> -> memref<1x632x128xf32, #tpu.memory_space<hbm>>
      %dma_wait3A_63 = tpu.memref_squeeze %dma_wait3A_62 : memref<1x632x128xf32, #tpu.memory_space<hbm>> -> memref<632x128xf32, #tpu.memory_space<hbm>>
      %dma_wait3A_64 = arith.constant 0 : i32
      %dma_wait3A_65 = tpu.memref_slice %arg12[%mul3A_55, %dma_wait3A_64] : memref<10112x128xf32, #tpu.memory_space<vmem_shared>> -> memref<632x128xf32, #tpu.memory_space<vmem_shared>>
      tpu.wait_dma2 semaphore(%run_scoped3A : memref<!tpu.dma_semaphore, #tpu.memory_space<semaphore_mem>>) src(%dma_wait3A_65 : memref<632x128xf32, #tpu.memory_space<vmem_shared>>) dst(%dma_wait3A_63 : memref<632x128xf32, #tpu.memory_space<hbm>>)
      tpu.yield
    }) : () -> ()
    return
  }
}

#map = affine_map<(d0, d1) -> (0, 0)>
#map1 = affine_map<(d0, d1) -> (0)>
#map2 = affine_map<(d0, d1) -> (0, 0, 0)>
module attributes {stable_mosaic.version = 14 : i64} {
  func.func @_ex_body(%arg0: i32, %arg1: i32, %arg2: memref<2560x128xi32, #tpu.memory_space<hbm>>, %arg3: memref<2560x128xi32, #tpu.memory_space<hbm>>, %arg4: memref<10112xf32, #tpu.memory_space<hbm>>, %arg5: memref<10112xf32, #tpu.memory_space<hbm>>, %arg6: memref<320x1024xf32, #tpu.memory_space<hbm>>, %arg7: memref<32x79x128xf32, #tpu.memory_space<hbm>>, %arg8: memref<10112xf32, #tpu.memory_space<vmem>>, %arg9: memref<10112xf32, #tpu.memory_space<vmem>>, %arg10: memref<8x128xi32, #tpu.memory_space<vmem>>, %arg11: memref<8x128xi32, #tpu.memory_space<vmem>>, %arg12: memref<1024xf32, #tpu.memory_space<vmem>>, %arg13: memref<79x128xf32, #tpu.memory_space<vmem>>) attributes {dimension_semantics = [#tpu.dimension_semantics<core_parallel>, #tpu.dimension_semantics<subcore_parallel>], iteration_bounds = array<i64: 2, 16>, scalar_prefetch = 0 : i64, scratch_operands = 6 : i64, tpu.core_type = #tpu.core_type<sc_vector_subcore>, window_params = [{transform_indices = #map}, {transform_indices = #map}, {transform_indices = #map1}, {transform_indices = #map1}, {transform_indices = #map}, {transform_indices = #map2}]} {
    %eq3A = arith.constant 0 : i32
    %eq3A_0 = arith.cmpi eq, %arg0, %eq3A : i32
    %mul3A = arith.constant 80 : i32
    %mul3A_1 = arith.muli %arg1, %mul3A : i32
    %mul3A_2 = arith.constant 80 : i32
    %mul3A_3 = arith.muli %arg1, %mul3A_2 : i32
    %add3A = arith.constant 1280 : i32
    %add3A_4 = arith.addi %add3A, %mul3A_3 : i32
    %select_n3A = arith.select %eq3A_0, %mul3A_1, %add3A_4 : i32
    %jit3A = arith.constant 8 : i32
    %div3A = arith.divsi %select_n3A, %jit3A : i32
    %sign3A = arith.constant 0 : i32
    %sign3A_5 = arith.cmpi sgt, %select_n3A, %sign3A : i32
    %sign3A_6 = arith.extui %sign3A_5 : i1 to i32
    %sign3A_7 = arith.constant 0 : i32
    %sign3A_8 = arith.cmpi slt, %select_n3A, %sign3A_7 : i32
    %sign3A_9 = arith.extui %sign3A_8 : i1 to i32
    %sign3A_10 = arith.subi %sign3A_6, %sign3A_9 : i32
    %sign3A_11 = arith.constant 0 : i32
    %sign3A_12 = arith.cmpi sgt, %jit3A, %sign3A_11 : i32
    %sign3A_13 = arith.extui %sign3A_12 : i1 to i32
    %sign3A_14 = arith.constant 0 : i32
    %sign3A_15 = arith.cmpi slt, %jit3A, %sign3A_14 : i32
    %sign3A_16 = arith.extui %sign3A_15 : i1 to i32
    %sign3A_17 = arith.subi %sign3A_13, %sign3A_16 : i32
    %ne3A = arith.cmpi ne, %sign3A_10, %sign3A_17 : i32
    %rem3A = arith.remsi %select_n3A, %jit3A : i32
    %ne3A_18 = arith.constant 0 : i32
    %ne3A_19 = arith.cmpi ne, %rem3A, %ne3A_18 : i32
    %and3A = arith.andi %ne3A, %ne3A_19 : i1
    %sub3A = arith.constant 1 : i32
    %sub3A_20 = arith.subi %div3A, %sub3A : i32
    %select_n3A_21 = arith.select %and3A, %sub3A_20, %div3A : i32
    %eq3A_22 = arith.constant 0 : i32
    %eq3A_23 = arith.cmpi eq, %arg0, %eq3A_22 : i32
    %jit3A_24 = arith.constant 10 : i32
    %jit3A_25 = arith.constant 10 : i32
    %select_n3A_26 = arith.select %eq3A_23, %jit3A_24, %jit3A_25 : i32
    "tpu.region"() ({
      %run_scoped3A = tpu.sem_alloc : memref<!tpu.dma_semaphore, #tpu.memory_space<semaphore_mem>>
      tpu.enqueue_dma source(%arg4 : memref<10112xf32, #tpu.memory_space<hbm>>) target(%arg8 : memref<10112xf32, #tpu.memory_space<vmem>>) target_semaphore(%run_scoped3A : memref<!tpu.dma_semaphore, #tpu.memory_space<semaphore_mem>>)
      tpu.wait_dma2 semaphore(%run_scoped3A : memref<!tpu.dma_semaphore, #tpu.memory_space<semaphore_mem>>) src(%arg4 : memref<10112xf32, #tpu.memory_space<hbm>>) dst(%arg8 : memref<10112xf32, #tpu.memory_space<vmem>>)
      tpu.yield
    }) : () -> ()
    "tpu.region"() ({
      %run_scoped3A = tpu.sem_alloc : memref<!tpu.dma_semaphore, #tpu.memory_space<semaphore_mem>>
      tpu.enqueue_dma source(%arg5 : memref<10112xf32, #tpu.memory_space<hbm>>) target(%arg9 : memref<10112xf32, #tpu.memory_space<vmem>>) target_semaphore(%run_scoped3A : memref<!tpu.dma_semaphore, #tpu.memory_space<semaphore_mem>>)
      tpu.wait_dma2 semaphore(%run_scoped3A : memref<!tpu.dma_semaphore, #tpu.memory_space<semaphore_mem>>) src(%arg5 : memref<10112xf32, #tpu.memory_space<hbm>>) dst(%arg9 : memref<10112xf32, #tpu.memory_space<vmem>>)
      tpu.yield
    }) : () -> ()
    %scan3A = arith.constant 0 : i32
    %scan3A_27 = arith.constant 0 : i32
    %scan3A_28 = arith.constant 79 : i32
    %scan3A_29 = arith.addi %scan3A_27, %scan3A_28 : i32
    %scan3A_30 = arith.constant 1 : i32
    scf.for %scan3A_44 = %scan3A_27 to %scan3A_29 step %scan3A_30  : i32 {
      %broadcast_in_dim3A = arith.constant 0.000000e+00 : f32
      %broadcast_in_dim3A_45 = vector.broadcast %broadcast_in_dim3A : f32 to vector<16xf32>
      %swap3A = arith.index_cast %scan3A_44 : i32 to index
      %swap3A_46 = arith.constant 0 : index
      %swap3A_47 = tpu.vector_load %arg13[%swap3A, %swap3A_46] {strides = array<i32>} : memref<79x128xf32, #tpu.memory_space<vmem>>, vector<16xf32>,
      tpu.vector_store %arg13[%swap3A, %swap3A_46], %broadcast_in_dim3A_45 {strides = array<i32>} : memref<79x128xf32, #tpu.memory_space<vmem>>, vector<16xf32>,
      %broadcast_in_dim3A_48 = arith.constant 0.000000e+00 : f32
      %broadcast_in_dim3A_49 = vector.broadcast %broadcast_in_dim3A_48 : f32 to vector<16xf32>
      %swap3A_50 = arith.index_cast %scan3A_44 : i32 to index
      %swap3A_51 = arith.constant 16 : index
      %swap3A_52 = tpu.vector_load %arg13[%swap3A_50, %swap3A_51] {strides = array<i32>} : memref<79x128xf32, #tpu.memory_space<vmem>>, vector<16xf32>,
      tpu.vector_store %arg13[%swap3A_50, %swap3A_51], %broadcast_in_dim3A_49 {strides = array<i32>} : memref<79x128xf32, #tpu.memory_space<vmem>>, vector<16xf32>,
      %broadcast_in_dim3A_53 = arith.constant 0.000000e+00 : f32
      %broadcast_in_dim3A_54 = vector.broadcast %broadcast_in_dim3A_53 : f32 to vector<16xf32>
      %swap3A_55 = arith.index_cast %scan3A_44 : i32 to index
      %swap3A_56 = arith.constant 32 : index
      %swap3A_57 = tpu.vector_load %arg13[%swap3A_55, %swap3A_56] {strides = array<i32>} : memref<79x128xf32, #tpu.memory_space<vmem>>, vector<16xf32>,
      tpu.vector_store %arg13[%swap3A_55, %swap3A_56], %broadcast_in_dim3A_54 {strides = array<i32>} : memref<79x128xf32, #tpu.memory_space<vmem>>, vector<16xf32>,
      %broadcast_in_dim3A_58 = arith.constant 0.000000e+00 : f32
      %broadcast_in_dim3A_59 = vector.broadcast %broadcast_in_dim3A_58 : f32 to vector<16xf32>
      %swap3A_60 = arith.index_cast %scan3A_44 : i32 to index
      %swap3A_61 = arith.constant 48 : index
      %swap3A_62 = tpu.vector_load %arg13[%swap3A_60, %swap3A_61] {strides = array<i32>} : memref<79x128xf32, #tpu.memory_space<vmem>>, vector<16xf32>,
      tpu.vector_store %arg13[%swap3A_60, %swap3A_61], %broadcast_in_dim3A_59 {strides = array<i32>} : memref<79x128xf32, #tpu.memory_space<vmem>>, vector<16xf32>,
      %broadcast_in_dim3A_63 = arith.constant 0.000000e+00 : f32
      %broadcast_in_dim3A_64 = vector.broadcast %broadcast_in_dim3A_63 : f32 to vector<16xf32>
      %swap3A_65 = arith.index_cast %scan3A_44 : i32 to index
      %swap3A_66 = arith.constant 64 : index
      %swap3A_67 = tpu.vector_load %arg13[%swap3A_65, %swap3A_66] {strides = array<i32>} : memref<79x128xf32, #tpu.memory_space<vmem>>, vector<16xf32>,
      tpu.vector_store %arg13[%swap3A_65, %swap3A_66], %broadcast_in_dim3A_64 {strides = array<i32>} : memref<79x128xf32, #tpu.memory_space<vmem>>, vector<16xf32>,
      %broadcast_in_dim3A_68 = arith.constant 0.000000e+00 : f32
      %broadcast_in_dim3A_69 = vector.broadcast %broadcast_in_dim3A_68 : f32 to vector<16xf32>
      %swap3A_70 = arith.index_cast %scan3A_44 : i32 to index
      %swap3A_71 = arith.constant 80 : index
      %swap3A_72 = tpu.vector_load %arg13[%swap3A_70, %swap3A_71] {strides = array<i32>} : memref<79x128xf32, #tpu.memory_space<vmem>>, vector<16xf32>,
      tpu.vector_store %arg13[%swap3A_70, %swap3A_71], %broadcast_in_dim3A_69 {strides = array<i32>} : memref<79x128xf32, #tpu.memory_space<vmem>>, vector<16xf32>,
      %broadcast_in_dim3A_73 = arith.constant 0.000000e+00 : f32
      %broadcast_in_dim3A_74 = vector.broadcast %broadcast_in_dim3A_73 : f32 to vector<16xf32>
      %swap3A_75 = arith.index_cast %scan3A_44 : i32 to index
      %swap3A_76 = arith.constant 96 : index
      %swap3A_77 = tpu.vector_load %arg13[%swap3A_75, %swap3A_76] {strides = array<i32>} : memref<79x128xf32, #tpu.memory_space<vmem>>, vector<16xf32>,
      tpu.vector_store %arg13[%swap3A_75, %swap3A_76], %broadcast_in_dim3A_74 {strides = array<i32>} : memref<79x128xf32, #tpu.memory_space<vmem>>, vector<16xf32>,
      %broadcast_in_dim3A_78 = arith.constant 0.000000e+00 : f32
      %broadcast_in_dim3A_79 = vector.broadcast %broadcast_in_dim3A_78 : f32 to vector<16xf32>
      %swap3A_80 = arith.index_cast %scan3A_44 : i32 to index
      %swap3A_81 = arith.constant 112 : index
      %swap3A_82 = tpu.vector_load %arg13[%swap3A_80, %swap3A_81] {strides = array<i32>} : memref<79x128xf32, #tpu.memory_space<vmem>>, vector<16xf32>,
      tpu.vector_store %arg13[%swap3A_80, %swap3A_81], %broadcast_in_dim3A_79 {strides = array<i32>} : memref<79x128xf32, #tpu.memory_space<vmem>>, vector<16xf32>,
    }
    %scan3A_31 = arith.constant 79 : i32
    %while3A = arith.constant 0 : i32
    %while3A_32 = arith.constant 0 : i32
    %while3A_33 = arith.subi %select_n3A_26, %while3A_32 : i32
    %while3A_34 = arith.addi %while3A_32, %while3A_33 : i32
    %while3A_35 = arith.constant 1 : i32
    %while3A_36 = arith.divsi %while3A_33, %while3A_35 : i32
    %while3A_37 = arith.muli %while3A_36, %while3A_35 : i32
    %while3A_38 = arith.addi %while3A_32, %while3A_37 : i32
    %while3A_39 = arith.constant 1 : i32
    scf.for %while3A_44 = %while3A_32 to %while3A_38 step %while3A_39  : i32 {
      %mul3A_45 = arith.constant 8 : i32
      %mul3A_46 = arith.muli %while3A_44, %mul3A_45 : i32
      %add3A_47 = arith.addi %select_n3A, %mul3A_46 : i32
      "tpu.region"() ({
        %run_scoped3A = tpu.sem_alloc : memref<!tpu.dma_semaphore, #tpu.memory_space<semaphore_mem>>
        %dma_start3A = arith.constant 0 : i32
        %dma_start3A_58 = tpu.memref_slice %arg2[%add3A_47, %dma_start3A] : memref<2560x128xi32, #tpu.memory_space<hbm>> -> memref<8x128xi32, #tpu.memory_space<hbm>>
        %dma_start3A_59 = arith.constant 0 : i32
        %dma_start3A_60 = tpu.memref_slice %arg2[%add3A_47, %dma_start3A_59] : memref<2560x128xi32, #tpu.memory_space<hbm>> -> memref<8x128xi32, #tpu.memory_space<hbm>>
        tpu.enqueue_dma source(%dma_start3A_60 : memref<8x128xi32, #tpu.memory_space<hbm>>) target(%arg10 : memref<8x128xi32, #tpu.memory_space<vmem>>) target_semaphore(%run_scoped3A : memref<!tpu.dma_semaphore, #tpu.memory_space<semaphore_mem>>)
        %dma_wait3A = arith.constant 0 : i32
        %dma_wait3A_61 = tpu.memref_slice %arg2[%add3A_47, %dma_wait3A] : memref<2560x128xi32, #tpu.memory_space<hbm>> -> memref<8x128xi32, #tpu.memory_space<hbm>>
        %dma_wait3A_62 = arith.constant 0 : i32
        %dma_wait3A_63 = tpu.memref_slice %arg2[%add3A_47, %dma_wait3A_62] : memref<2560x128xi32, #tpu.memory_space<hbm>> -> memref<8x128xi32, #tpu.memory_space<hbm>>
        tpu.wait_dma2 semaphore(%run_scoped3A : memref<!tpu.dma_semaphore, #tpu.memory_space<semaphore_mem>>) src(%dma_wait3A_63 : memref<8x128xi32, #tpu.memory_space<hbm>>) dst(%arg10 : memref<8x128xi32, #tpu.memory_space<vmem>>)
        tpu.yield
      }) : () -> ()
      %mul3A_48 = arith.constant 8 : i32
      %mul3A_49 = arith.muli %while3A_44, %mul3A_48 : i32
      %add3A_50 = arith.addi %select_n3A, %mul3A_49 : i32
      "tpu.region"() ({
        %run_scoped3A = tpu.sem_alloc : memref<!tpu.dma_semaphore, #tpu.memory_space<semaphore_mem>>
        %dma_start3A = arith.constant 0 : i32
        %dma_start3A_58 = tpu.memref_slice %arg3[%add3A_50, %dma_start3A] : memref<2560x128xi32, #tpu.memory_space<hbm>> -> memref<8x128xi32, #tpu.memory_space<hbm>>
        %dma_start3A_59 = arith.constant 0 : i32
        %dma_start3A_60 = tpu.memref_slice %arg3[%add3A_50, %dma_start3A_59] : memref<2560x128xi32, #tpu.memory_space<hbm>> -> memref<8x128xi32, #tpu.memory_space<hbm>>
        tpu.enqueue_dma source(%dma_start3A_60 : memref<8x128xi32, #tpu.memory_space<hbm>>) target(%arg11 : memref<8x128xi32, #tpu.memory_space<vmem>>) target_semaphore(%run_scoped3A : memref<!tpu.dma_semaphore, #tpu.memory_space<semaphore_mem>>)
        %dma_wait3A = arith.constant 0 : i32
        %dma_wait3A_61 = tpu.memref_slice %arg3[%add3A_50, %dma_wait3A] : memref<2560x128xi32, #tpu.memory_space<hbm>> -> memref<8x128xi32, #tpu.memory_space<hbm>>
        %dma_wait3A_62 = arith.constant 0 : i32
        %dma_wait3A_63 = tpu.memref_slice %arg3[%add3A_50, %dma_wait3A_62] : memref<2560x128xi32, #tpu.memory_space<hbm>> -> memref<8x128xi32, #tpu.memory_space<hbm>>
        tpu.wait_dma2 semaphore(%run_scoped3A : memref<!tpu.dma_semaphore, #tpu.memory_space<semaphore_mem>>) src(%dma_wait3A_63 : memref<8x128xi32, #tpu.memory_space<hbm>>) dst(%arg11 : memref<8x128xi32, #tpu.memory_space<vmem>>)
        tpu.yield
      }) : () -> ()
      %scan3A_51 = arith.constant 0 : i32
      %scan3A_52 = arith.constant 0 : i32
      %scan3A_53 = arith.constant 16 : i32
      %scan3A_54 = arith.addi %scan3A_52, %scan3A_53 : i32
      %scan3A_55 = arith.constant 1 : i32
      scf.for %scan3A_58 = %scan3A_52 to %scan3A_54 step %scan3A_55  : i32 {
        %mul3A_59 = arith.constant 4 : i32
        %mul3A_60 = arith.muli %mul3A_59, %scan3A_58 : i32
        %add3A_61 = arith.constant 0 : i32
        %add3A_62 = arith.addi %mul3A_60, %add3A_61 : i32
        %div3A_63 = arith.constant 8 : i32
        %div3A_64 = arith.divsi %add3A_62, %div3A_63 : i32
        %rem3A_65 = arith.constant 8 : i32
        %rem3A_66 = arith.remsi %add3A_62, %rem3A_65 : i32
        %mul3A_67 = arith.constant 16 : i32
        %mul3A_68 = arith.muli %rem3A_66, %mul3A_67 : i32
        %get3A = arith.index_cast %div3A_64 : i32 to index
        %get3A_69 = arith.index_cast %mul3A_68 : i32 to index
        %get3A_70 = tpu.vector_load %arg10[%get3A, %get3A_69] {strides = array<i32>} : memref<8x128xi32, #tpu.memory_space<vmem>>, vector<16xi32>,
        %get3A_71 = arith.index_cast %div3A_64 : i32 to index
        %get3A_72 = arith.index_cast %mul3A_68 : i32 to index
        %get3A_73 = tpu.vector_load %arg11[%get3A_71, %get3A_72] {strides = array<i32>} : memref<8x128xi32, #tpu.memory_space<vmem>>, vector<16xi32>,
        %gather3A = tpu.vector_load_idx %arg8[%get3A_70] : memref<10112xf32, #tpu.memory_space<vmem>>[vector<16xi32>], vector<16xf32>,
        %gather3A_74 = tpu.vector_load_idx %arg9[%get3A_73] : memref<10112xf32, #tpu.memory_space<vmem>>[vector<16xi32>], vector<16xf32>,
        %add3A_75 = arith.addf %gather3A, %gather3A_74 : vector<16xf32>
        %ge3A = arith.constant 0.000000e+00 : f32
        %ge3A_76 = vector.broadcast %ge3A : f32 to vector<16xf32>
        %ge3A_77 = arith.cmpf oge, %add3A_75, %ge3A_76 : vector<16xf32>
        %mul3A_78 = arith.constant 0.00999999977 : f32
        %mul3A_79 = vector.broadcast %mul3A_78 : f32 to vector<16xf32>
        %mul3A_80 = arith.mulf %mul3A_79, %add3A_75 : vector<16xf32>
        %select_n3A_81 = arith.select %ge3A_77, %add3A_75, %mul3A_80 : vector<16xi1>, vector<16xf32>
        %exp3A = math.exp %select_n3A_81 : vector<16xf32>
        %mul3A_82 = arith.constant 16 : i32
        %mul3A_83 = arith.muli %add3A_62, %mul3A_82 : i32
        %swap3A = arith.index_cast %mul3A_83 : i32 to index
        %swap3A_84 = tpu.vector_load %arg12[%swap3A] {strides = array<i32>} : memref<1024xf32, #tpu.memory_space<vmem>>, vector<16xf32>,
        tpu.vector_store %arg12[%swap3A], %exp3A {strides = array<i32>} : memref<1024xf32, #tpu.memory_space<vmem>>, vector<16xf32>,
        %shift_right_logical3A = arith.constant 7 : i32
        %shift_right_logical3A_85 = vector.broadcast %shift_right_logical3A : i32 to vector<16xi32>
        %shift_right_logical3A_86 = arith.shrui %get3A_70, %shift_right_logical3A_85 : vector<16xi32>
        %and3A_87 = arith.constant 127 : i32
        %and3A_88 = vector.broadcast %and3A_87 : i32 to vector<16xi32>
        %and3A_89 = arith.andi %get3A_70, %and3A_88 : vector<16xi32>
        tpu.vector_store_idx %arg13[%shift_right_logical3A_86, %and3A_89], %exp3A {add = true} : memref<79x128xf32, #tpu.memory_space<vmem>>[vector<16xi32>, vector<16xi32>], vector<16xf32>,
        %mul3A_90 = arith.constant 4 : i32
        %mul3A_91 = arith.muli %mul3A_90, %scan3A_58 : i32
        %add3A_92 = arith.constant 1 : i32
        %add3A_93 = arith.addi %mul3A_91, %add3A_92 : i32
        %div3A_94 = arith.constant 8 : i32
        %div3A_95 = arith.divsi %add3A_93, %div3A_94 : i32
        %rem3A_96 = arith.constant 8 : i32
        %rem3A_97 = arith.remsi %add3A_93, %rem3A_96 : i32
        %mul3A_98 = arith.constant 16 : i32
        %mul3A_99 = arith.muli %rem3A_97, %mul3A_98 : i32
        %get3A_100 = arith.index_cast %div3A_95 : i32 to index
        %get3A_101 = arith.index_cast %mul3A_99 : i32 to index
        %get3A_102 = tpu.vector_load %arg10[%get3A_100, %get3A_101] {strides = array<i32>} : memref<8x128xi32, #tpu.memory_space<vmem>>, vector<16xi32>,
        %get3A_103 = arith.index_cast %div3A_95 : i32 to index
        %get3A_104 = arith.index_cast %mul3A_99 : i32 to index
        %get3A_105 = tpu.vector_load %arg11[%get3A_103, %get3A_104] {strides = array<i32>} : memref<8x128xi32, #tpu.memory_space<vmem>>, vector<16xi32>,
        %gather3A_106 = tpu.vector_load_idx %arg8[%get3A_102] : memref<10112xf32, #tpu.memory_space<vmem>>[vector<16xi32>], vector<16xf32>,
        %gather3A_107 = tpu.vector_load_idx %arg9[%get3A_105] : memref<10112xf32, #tpu.memory_space<vmem>>[vector<16xi32>], vector<16xf32>,
        %add3A_108 = arith.addf %gather3A_106, %gather3A_107 : vector<16xf32>
        %ge3A_109 = arith.constant 0.000000e+00 : f32
        %ge3A_110 = vector.broadcast %ge3A_109 : f32 to vector<16xf32>
        %ge3A_111 = arith.cmpf oge, %add3A_108, %ge3A_110 : vector<16xf32>
        %mul3A_112 = arith.constant 0.00999999977 : f32
        %mul3A_113 = vector.broadcast %mul3A_112 : f32 to vector<16xf32>
        %mul3A_114 = arith.mulf %mul3A_113, %add3A_108 : vector<16xf32>
        %select_n3A_115 = arith.select %ge3A_111, %add3A_108, %mul3A_114 : vector<16xi1>, vector<16xf32>
        %exp3A_116 = math.exp %select_n3A_115 : vector<16xf32>
        %mul3A_117 = arith.constant 16 : i32
        %mul3A_118 = arith.muli %add3A_93, %mul3A_117 : i32
        %swap3A_119 = arith.index_cast %mul3A_118 : i32 to index
        %swap3A_120 = tpu.vector_load %arg12[%swap3A_119] {strides = array<i32>} : memref<1024xf32, #tpu.memory_space<vmem>>, vector<16xf32>,
        tpu.vector_store %arg12[%swap3A_119], %exp3A_116 {strides = array<i32>} : memref<1024xf32, #tpu.memory_space<vmem>>, vector<16xf32>,
        %shift_right_logical3A_121 = arith.constant 7 : i32
        %shift_right_logical3A_122 = vector.broadcast %shift_right_logical3A_121 : i32 to vector<16xi32>
        %shift_right_logical3A_123 = arith.shrui %get3A_102, %shift_right_logical3A_122 : vector<16xi32>
        %and3A_124 = arith.constant 127 : i32
        %and3A_125 = vector.broadcast %and3A_124 : i32 to vector<16xi32>
        %and3A_126 = arith.andi %get3A_102, %and3A_125 : vector<16xi32>
        tpu.vector_store_idx %arg13[%shift_right_logical3A_123, %and3A_126], %exp3A_116 {add = true} : memref<79x128xf32, #tpu.memory_space<vmem>>[vector<16xi32>, vector<16xi32>], vector<16xf32>,
        %mul3A_127 = arith.constant 4 : i32
        %mul3A_128 = arith.muli %mul3A_127, %scan3A_58 : i32
        %add3A_129 = arith.constant 2 : i32
        %add3A_130 = arith.addi %mul3A_128, %add3A_129 : i32
        %div3A_131 = arith.constant 8 : i32
        %div3A_132 = arith.divsi %add3A_130, %div3A_131 : i32
        %rem3A_133 = arith.constant 8 : i32
        %rem3A_134 = arith.remsi %add3A_130, %rem3A_133 : i32
        %mul3A_135 = arith.constant 16 : i32
        %mul3A_136 = arith.muli %rem3A_134, %mul3A_135 : i32
        %get3A_137 = arith.index_cast %div3A_132 : i32 to index
        %get3A_138 = arith.index_cast %mul3A_136 : i32 to index
        %get3A_139 = tpu.vector_load %arg10[%get3A_137, %get3A_138] {strides = array<i32>} : memref<8x128xi32, #tpu.memory_space<vmem>>, vector<16xi32>,
        %get3A_140 = arith.index_cast %div3A_132 : i32 to index
        %get3A_141 = arith.index_cast %mul3A_136 : i32 to index
        %get3A_142 = tpu.vector_load %arg11[%get3A_140, %get3A_141] {strides = array<i32>} : memref<8x128xi32, #tpu.memory_space<vmem>>, vector<16xi32>,
        %gather3A_143 = tpu.vector_load_idx %arg8[%get3A_139] : memref<10112xf32, #tpu.memory_space<vmem>>[vector<16xi32>], vector<16xf32>,
        %gather3A_144 = tpu.vector_load_idx %arg9[%get3A_142] : memref<10112xf32, #tpu.memory_space<vmem>>[vector<16xi32>], vector<16xf32>,
        %add3A_145 = arith.addf %gather3A_143, %gather3A_144 : vector<16xf32>
        %ge3A_146 = arith.constant 0.000000e+00 : f32
        %ge3A_147 = vector.broadcast %ge3A_146 : f32 to vector<16xf32>
        %ge3A_148 = arith.cmpf oge, %add3A_145, %ge3A_147 : vector<16xf32>
        %mul3A_149 = arith.constant 0.00999999977 : f32
        %mul3A_150 = vector.broadcast %mul3A_149 : f32 to vector<16xf32>
        %mul3A_151 = arith.mulf %mul3A_150, %add3A_145 : vector<16xf32>
        %select_n3A_152 = arith.select %ge3A_148, %add3A_145, %mul3A_151 : vector<16xi1>, vector<16xf32>
        %exp3A_153 = math.exp %select_n3A_152 : vector<16xf32>
        %mul3A_154 = arith.constant 16 : i32
        %mul3A_155 = arith.muli %add3A_130, %mul3A_154 : i32
        %swap3A_156 = arith.index_cast %mul3A_155 : i32 to index
        %swap3A_157 = tpu.vector_load %arg12[%swap3A_156] {strides = array<i32>} : memref<1024xf32, #tpu.memory_space<vmem>>, vector<16xf32>,
        tpu.vector_store %arg12[%swap3A_156], %exp3A_153 {strides = array<i32>} : memref<1024xf32, #tpu.memory_space<vmem>>, vector<16xf32>,
        %shift_right_logical3A_158 = arith.constant 7 : i32
        %shift_right_logical3A_159 = vector.broadcast %shift_right_logical3A_158 : i32 to vector<16xi32>
        %shift_right_logical3A_160 = arith.shrui %get3A_139, %shift_right_logical3A_159 : vector<16xi32>
        %and3A_161 = arith.constant 127 : i32
        %and3A_162 = vector.broadcast %and3A_161 : i32 to vector<16xi32>
        %and3A_163 = arith.andi %get3A_139, %and3A_162 : vector<16xi32>
        tpu.vector_store_idx %arg13[%shift_right_logical3A_160, %and3A_163], %exp3A_153 {add = true} : memref<79x128xf32, #tpu.memory_space<vmem>>[vector<16xi32>, vector<16xi32>], vector<16xf32>,
        %mul3A_164 = arith.constant 4 : i32
        %mul3A_165 = arith.muli %mul3A_164, %scan3A_58 : i32
        %add3A_166 = arith.constant 3 : i32
        %add3A_167 = arith.addi %mul3A_165, %add3A_166 : i32
        %div3A_168 = arith.constant 8 : i32
        %div3A_169 = arith.divsi %add3A_167, %div3A_168 : i32
        %rem3A_170 = arith.constant 8 : i32
        %rem3A_171 = arith.remsi %add3A_167, %rem3A_170 : i32
        %mul3A_172 = arith.constant 16 : i32
        %mul3A_173 = arith.muli %rem3A_171, %mul3A_172 : i32
        %get3A_174 = arith.index_cast %div3A_169 : i32 to index
        %get3A_175 = arith.index_cast %mul3A_173 : i32 to index
        %get3A_176 = tpu.vector_load %arg10[%get3A_174, %get3A_175] {strides = array<i32>} : memref<8x128xi32, #tpu.memory_space<vmem>>, vector<16xi32>,
        %get3A_177 = arith.index_cast %div3A_169 : i32 to index
        %get3A_178 = arith.index_cast %mul3A_173 : i32 to index
        %get3A_179 = tpu.vector_load %arg11[%get3A_177, %get3A_178] {strides = array<i32>} : memref<8x128xi32, #tpu.memory_space<vmem>>, vector<16xi32>,
        %gather3A_180 = tpu.vector_load_idx %arg8[%get3A_176] : memref<10112xf32, #tpu.memory_space<vmem>>[vector<16xi32>], vector<16xf32>,
        %gather3A_181 = tpu.vector_load_idx %arg9[%get3A_179] : memref<10112xf32, #tpu.memory_space<vmem>>[vector<16xi32>], vector<16xf32>,
        %add3A_182 = arith.addf %gather3A_180, %gather3A_181 : vector<16xf32>
        %ge3A_183 = arith.constant 0.000000e+00 : f32
        %ge3A_184 = vector.broadcast %ge3A_183 : f32 to vector<16xf32>
        %ge3A_185 = arith.cmpf oge, %add3A_182, %ge3A_184 : vector<16xf32>
        %mul3A_186 = arith.constant 0.00999999977 : f32
        %mul3A_187 = vector.broadcast %mul3A_186 : f32 to vector<16xf32>
        %mul3A_188 = arith.mulf %mul3A_187, %add3A_182 : vector<16xf32>
        %select_n3A_189 = arith.select %ge3A_185, %add3A_182, %mul3A_188 : vector<16xi1>, vector<16xf32>
        %exp3A_190 = math.exp %select_n3A_189 : vector<16xf32>
        %mul3A_191 = arith.constant 16 : i32
        %mul3A_192 = arith.muli %add3A_167, %mul3A_191 : i32
        %swap3A_193 = arith.index_cast %mul3A_192 : i32 to index
        %swap3A_194 = tpu.vector_load %arg12[%swap3A_193] {strides = array<i32>} : memref<1024xf32, #tpu.memory_space<vmem>>, vector<16xf32>,
        tpu.vector_store %arg12[%swap3A_193], %exp3A_190 {strides = array<i32>} : memref<1024xf32, #tpu.memory_space<vmem>>, vector<16xf32>,
        %shift_right_logical3A_195 = arith.constant 7 : i32
        %shift_right_logical3A_196 = vector.broadcast %shift_right_logical3A_195 : i32 to vector<16xi32>
        %shift_right_logical3A_197 = arith.shrui %get3A_176, %shift_right_logical3A_196 : vector<16xi32>
        %and3A_198 = arith.constant 127 : i32
        %and3A_199 = vector.broadcast %and3A_198 : i32 to vector<16xi32>
        %and3A_200 = arith.andi %get3A_176, %and3A_199 : vector<16xi32>
        tpu.vector_store_idx %arg13[%shift_right_logical3A_197, %and3A_200], %exp3A_190 {add = true} : memref<79x128xf32, #tpu.memory_space<vmem>>[vector<16xi32>, vector<16xi32>], vector<16xf32>,
      }
      %scan3A_56 = arith.constant 16 : i32
      %add3A_57 = arith.addi %select_n3A_21, %while3A_44 : i32
      "tpu.region"() ({
        %run_scoped3A = tpu.sem_alloc : memref<!tpu.dma_semaphore, #tpu.memory_space<semaphore_mem>>
        %dma_start3A = arith.constant 0 : i32
        %dma_start3A_58 = tpu.memref_slice %arg6[%add3A_57, %dma_start3A] : memref<320x1024xf32, #tpu.memory_space<hbm>> -> memref<1x1024xf32, #tpu.memory_space<hbm>>
        %dma_start3A_59 = tpu.memref_squeeze %dma_start3A_58 : memref<1x1024xf32, #tpu.memory_space<hbm>> -> memref<1024xf32, #tpu.memory_space<hbm>>
        %dma_start3A_60 = arith.constant 0 : i32
        %dma_start3A_61 = tpu.memref_slice %arg6[%add3A_57, %dma_start3A_60] : memref<320x1024xf32, #tpu.memory_space<hbm>> -> memref<1x1024xf32, #tpu.memory_space<hbm>>
        %dma_start3A_62 = tpu.memref_squeeze %dma_start3A_61 : memref<1x1024xf32, #tpu.memory_space<hbm>> -> memref<1024xf32, #tpu.memory_space<hbm>>
        tpu.enqueue_dma source(%arg12 : memref<1024xf32, #tpu.memory_space<vmem>>) target(%dma_start3A_62 : memref<1024xf32, #tpu.memory_space<hbm>>) target_semaphore(%run_scoped3A : memref<!tpu.dma_semaphore, #tpu.memory_space<semaphore_mem>>)
        %dma_wait3A = arith.constant 0 : i32
        %dma_wait3A_63 = tpu.memref_slice %arg6[%add3A_57, %dma_wait3A] : memref<320x1024xf32, #tpu.memory_space<hbm>> -> memref<1x1024xf32, #tpu.memory_space<hbm>>
        %dma_wait3A_64 = tpu.memref_squeeze %dma_wait3A_63 : memref<1x1024xf32, #tpu.memory_space<hbm>> -> memref<1024xf32, #tpu.memory_space<hbm>>
        %dma_wait3A_65 = arith.constant 0 : i32
        %dma_wait3A_66 = tpu.memref_slice %arg6[%add3A_57, %dma_wait3A_65] : memref<320x1024xf32, #tpu.memory_space<hbm>> -> memref<1x1024xf32, #tpu.memory_space<hbm>>
        %dma_wait3A_67 = tpu.memref_squeeze %dma_wait3A_66 : memref<1x1024xf32, #tpu.memory_space<hbm>> -> memref<1024xf32, #tpu.memory_space<hbm>>
        tpu.wait_dma2 semaphore(%run_scoped3A : memref<!tpu.dma_semaphore, #tpu.memory_space<semaphore_mem>>) src(%arg12 : memref<1024xf32, #tpu.memory_space<vmem>>) dst(%dma_wait3A_67 : memref<1024xf32, #tpu.memory_space<hbm>>)
        tpu.yield
      }) : () -> ()
    }
    %while3A_40 = arith.constant 1 : i32
    scf.for %while3A_44 = %while3A_38 to %while3A_34 step %while3A_40  : i32 {
      %mul3A_45 = arith.constant 8 : i32
      %mul3A_46 = arith.muli %while3A_44, %mul3A_45 : i32
      %add3A_47 = arith.addi %select_n3A, %mul3A_46 : i32
      "tpu.region"() ({
        %run_scoped3A = tpu.sem_alloc : memref<!tpu.dma_semaphore, #tpu.memory_space<semaphore_mem>>
        %dma_start3A = arith.constant 0 : i32
        %dma_start3A_58 = tpu.memref_slice %arg2[%add3A_47, %dma_start3A] : memref<2560x128xi32, #tpu.memory_space<hbm>> -> memref<8x128xi32, #tpu.memory_space<hbm>>
        %dma_start3A_59 = arith.constant 0 : i32
        %dma_start3A_60 = tpu.memref_slice %arg2[%add3A_47, %dma_start3A_59] : memref<2560x128xi32, #tpu.memory_space<hbm>> -> memref<8x128xi32, #tpu.memory_space<hbm>>
        tpu.enqueue_dma source(%dma_start3A_60 : memref<8x128xi32, #tpu.memory_space<hbm>>) target(%arg10 : memref<8x128xi32, #tpu.memory_space<vmem>>) target_semaphore(%run_scoped3A : memref<!tpu.dma_semaphore, #tpu.memory_space<semaphore_mem>>)
        %dma_wait3A = arith.constant 0 : i32
        %dma_wait3A_61 = tpu.memref_slice %arg2[%add3A_47, %dma_wait3A] : memref<2560x128xi32, #tpu.memory_space<hbm>> -> memref<8x128xi32, #tpu.memory_space<hbm>>
        %dma_wait3A_62 = arith.constant 0 : i32
        %dma_wait3A_63 = tpu.memref_slice %arg2[%add3A_47, %dma_wait3A_62] : memref<2560x128xi32, #tpu.memory_space<hbm>> -> memref<8x128xi32, #tpu.memory_space<hbm>>
        tpu.wait_dma2 semaphore(%run_scoped3A : memref<!tpu.dma_semaphore, #tpu.memory_space<semaphore_mem>>) src(%dma_wait3A_63 : memref<8x128xi32, #tpu.memory_space<hbm>>) dst(%arg10 : memref<8x128xi32, #tpu.memory_space<vmem>>)
        tpu.yield
      }) : () -> ()
      %mul3A_48 = arith.constant 8 : i32
      %mul3A_49 = arith.muli %while3A_44, %mul3A_48 : i32
      %add3A_50 = arith.addi %select_n3A, %mul3A_49 : i32
      "tpu.region"() ({
        %run_scoped3A = tpu.sem_alloc : memref<!tpu.dma_semaphore, #tpu.memory_space<semaphore_mem>>
        %dma_start3A = arith.constant 0 : i32
        %dma_start3A_58 = tpu.memref_slice %arg3[%add3A_50, %dma_start3A] : memref<2560x128xi32, #tpu.memory_space<hbm>> -> memref<8x128xi32, #tpu.memory_space<hbm>>
        %dma_start3A_59 = arith.constant 0 : i32
        %dma_start3A_60 = tpu.memref_slice %arg3[%add3A_50, %dma_start3A_59] : memref<2560x128xi32, #tpu.memory_space<hbm>> -> memref<8x128xi32, #tpu.memory_space<hbm>>
        tpu.enqueue_dma source(%dma_start3A_60 : memref<8x128xi32, #tpu.memory_space<hbm>>) target(%arg11 : memref<8x128xi32, #tpu.memory_space<vmem>>) target_semaphore(%run_scoped3A : memref<!tpu.dma_semaphore, #tpu.memory_space<semaphore_mem>>)
        %dma_wait3A = arith.constant 0 : i32
        %dma_wait3A_61 = tpu.memref_slice %arg3[%add3A_50, %dma_wait3A] : memref<2560x128xi32, #tpu.memory_space<hbm>> -> memref<8x128xi32, #tpu.memory_space<hbm>>
        %dma_wait3A_62 = arith.constant 0 : i32
        %dma_wait3A_63 = tpu.memref_slice %arg3[%add3A_50, %dma_wait3A_62] : memref<2560x128xi32, #tpu.memory_space<hbm>> -> memref<8x128xi32, #tpu.memory_space<hbm>>
        tpu.wait_dma2 semaphore(%run_scoped3A : memref<!tpu.dma_semaphore, #tpu.memory_space<semaphore_mem>>) src(%dma_wait3A_63 : memref<8x128xi32, #tpu.memory_space<hbm>>) dst(%arg11 : memref<8x128xi32, #tpu.memory_space<vmem>>)
        tpu.yield
      }) : () -> ()
      %scan3A_51 = arith.constant 0 : i32
      %scan3A_52 = arith.constant 0 : i32
      %scan3A_53 = arith.constant 16 : i32
      %scan3A_54 = arith.addi %scan3A_52, %scan3A_53 : i32
      %scan3A_55 = arith.constant 1 : i32
      scf.for %scan3A_58 = %scan3A_52 to %scan3A_54 step %scan3A_55  : i32 {
        %mul3A_59 = arith.constant 4 : i32
        %mul3A_60 = arith.muli %mul3A_59, %scan3A_58 : i32
        %add3A_61 = arith.constant 0 : i32
        %add3A_62 = arith.addi %mul3A_60, %add3A_61 : i32
        %div3A_63 = arith.constant 8 : i32
        %div3A_64 = arith.divsi %add3A_62, %div3A_63 : i32
        %rem3A_65 = arith.constant 8 : i32
        %rem3A_66 = arith.remsi %add3A_62, %rem3A_65 : i32
        %mul3A_67 = arith.constant 16 : i32
        %mul3A_68 = arith.muli %rem3A_66, %mul3A_67 : i32
        %get3A = arith.index_cast %div3A_64 : i32 to index
        %get3A_69 = arith.index_cast %mul3A_68 : i32 to index
        %get3A_70 = tpu.vector_load %arg10[%get3A, %get3A_69] {strides = array<i32>} : memref<8x128xi32, #tpu.memory_space<vmem>>, vector<16xi32>,
        %get3A_71 = arith.index_cast %div3A_64 : i32 to index
        %get3A_72 = arith.index_cast %mul3A_68 : i32 to index
        %get3A_73 = tpu.vector_load %arg11[%get3A_71, %get3A_72] {strides = array<i32>} : memref<8x128xi32, #tpu.memory_space<vmem>>, vector<16xi32>,
        %gather3A = tpu.vector_load_idx %arg8[%get3A_70] : memref<10112xf32, #tpu.memory_space<vmem>>[vector<16xi32>], vector<16xf32>,
        %gather3A_74 = tpu.vector_load_idx %arg9[%get3A_73] : memref<10112xf32, #tpu.memory_space<vmem>>[vector<16xi32>], vector<16xf32>,
        %add3A_75 = arith.addf %gather3A, %gather3A_74 : vector<16xf32>
        %ge3A = arith.constant 0.000000e+00 : f32
        %ge3A_76 = vector.broadcast %ge3A : f32 to vector<16xf32>
        %ge3A_77 = arith.cmpf oge, %add3A_75, %ge3A_76 : vector<16xf32>
        %mul3A_78 = arith.constant 0.00999999977 : f32
        %mul3A_79 = vector.broadcast %mul3A_78 : f32 to vector<16xf32>
        %mul3A_80 = arith.mulf %mul3A_79, %add3A_75 : vector<16xf32>
        %select_n3A_81 = arith.select %ge3A_77, %add3A_75, %mul3A_80 : vector<16xi1>, vector<16xf32>
        %exp3A = math.exp %select_n3A_81 : vector<16xf32>
        %mul3A_82 = arith.constant 16 : i32
        %mul3A_83 = arith.muli %add3A_62, %mul3A_82 : i32
        %swap3A = arith.index_cast %mul3A_83 : i32 to index
        %swap3A_84 = tpu.vector_load %arg12[%swap3A] {strides = array<i32>} : memref<1024xf32, #tpu.memory_space<vmem>>, vector<16xf32>,
        tpu.vector_store %arg12[%swap3A], %exp3A {strides = array<i32>} : memref<1024xf32, #tpu.memory_space<vmem>>, vector<16xf32>,
        %shift_right_logical3A = arith.constant 7 : i32
        %shift_right_logical3A_85 = vector.broadcast %shift_right_logical3A : i32 to vector<16xi32>
        %shift_right_logical3A_86 = arith.shrui %get3A_70, %shift_right_logical3A_85 : vector<16xi32>
        %and3A_87 = arith.constant 127 : i32
        %and3A_88 = vector.broadcast %and3A_87 : i32 to vector<16xi32>
        %and3A_89 = arith.andi %get3A_70, %and3A_88 : vector<16xi32>
        tpu.vector_store_idx %arg13[%shift_right_logical3A_86, %and3A_89], %exp3A {add = true} : memref<79x128xf32, #tpu.memory_space<vmem>>[vector<16xi32>, vector<16xi32>], vector<16xf32>,
        %mul3A_90 = arith.constant 4 : i32
        %mul3A_91 = arith.muli %mul3A_90, %scan3A_58 : i32
        %add3A_92 = arith.constant 1 : i32
        %add3A_93 = arith.addi %mul3A_91, %add3A_92 : i32
        %div3A_94 = arith.constant 8 : i32
        %div3A_95 = arith.divsi %add3A_93, %div3A_94 : i32
        %rem3A_96 = arith.constant 8 : i32
        %rem3A_97 = arith.remsi %add3A_93, %rem3A_96 : i32
        %mul3A_98 = arith.constant 16 : i32
        %mul3A_99 = arith.muli %rem3A_97, %mul3A_98 : i32
        %get3A_100 = arith.index_cast %div3A_95 : i32 to index
        %get3A_101 = arith.index_cast %mul3A_99 : i32 to index
        %get3A_102 = tpu.vector_load %arg10[%get3A_100, %get3A_101] {strides = array<i32>} : memref<8x128xi32, #tpu.memory_space<vmem>>, vector<16xi32>,
        %get3A_103 = arith.index_cast %div3A_95 : i32 to index
        %get3A_104 = arith.index_cast %mul3A_99 : i32 to index
        %get3A_105 = tpu.vector_load %arg11[%get3A_103, %get3A_104] {strides = array<i32>} : memref<8x128xi32, #tpu.memory_space<vmem>>, vector<16xi32>,
        %gather3A_106 = tpu.vector_load_idx %arg8[%get3A_102] : memref<10112xf32, #tpu.memory_space<vmem>>[vector<16xi32>], vector<16xf32>,
        %gather3A_107 = tpu.vector_load_idx %arg9[%get3A_105] : memref<10112xf32, #tpu.memory_space<vmem>>[vector<16xi32>], vector<16xf32>,
        %add3A_108 = arith.addf %gather3A_106, %gather3A_107 : vector<16xf32>
        %ge3A_109 = arith.constant 0.000000e+00 : f32
        %ge3A_110 = vector.broadcast %ge3A_109 : f32 to vector<16xf32>
        %ge3A_111 = arith.cmpf oge, %add3A_108, %ge3A_110 : vector<16xf32>
        %mul3A_112 = arith.constant 0.00999999977 : f32
        %mul3A_113 = vector.broadcast %mul3A_112 : f32 to vector<16xf32>
        %mul3A_114 = arith.mulf %mul3A_113, %add3A_108 : vector<16xf32>
        %select_n3A_115 = arith.select %ge3A_111, %add3A_108, %mul3A_114 : vector<16xi1>, vector<16xf32>
        %exp3A_116 = math.exp %select_n3A_115 : vector<16xf32>
        %mul3A_117 = arith.constant 16 : i32
        %mul3A_118 = arith.muli %add3A_93, %mul3A_117 : i32
        %swap3A_119 = arith.index_cast %mul3A_118 : i32 to index
        %swap3A_120 = tpu.vector_load %arg12[%swap3A_119] {strides = array<i32>} : memref<1024xf32, #tpu.memory_space<vmem>>, vector<16xf32>,
        tpu.vector_store %arg12[%swap3A_119], %exp3A_116 {strides = array<i32>} : memref<1024xf32, #tpu.memory_space<vmem>>, vector<16xf32>,
        %shift_right_logical3A_121 = arith.constant 7 : i32
        %shift_right_logical3A_122 = vector.broadcast %shift_right_logical3A_121 : i32 to vector<16xi32>
        %shift_right_logical3A_123 = arith.shrui %get3A_102, %shift_right_logical3A_122 : vector<16xi32>
        %and3A_124 = arith.constant 127 : i32
        %and3A_125 = vector.broadcast %and3A_124 : i32 to vector<16xi32>
        %and3A_126 = arith.andi %get3A_102, %and3A_125 : vector<16xi32>
        tpu.vector_store_idx %arg13[%shift_right_logical3A_123, %and3A_126], %exp3A_116 {add = true} : memref<79x128xf32, #tpu.memory_space<vmem>>[vector<16xi32>, vector<16xi32>], vector<16xf32>,
        %mul3A_127 = arith.constant 4 : i32
        %mul3A_128 = arith.muli %mul3A_127, %scan3A_58 : i32
        %add3A_129 = arith.constant 2 : i32
        %add3A_130 = arith.addi %mul3A_128, %add3A_129 : i32
        %div3A_131 = arith.constant 8 : i32
        %div3A_132 = arith.divsi %add3A_130, %div3A_131 : i32
        %rem3A_133 = arith.constant 8 : i32
        %rem3A_134 = arith.remsi %add3A_130, %rem3A_133 : i32
        %mul3A_135 = arith.constant 16 : i32
        %mul3A_136 = arith.muli %rem3A_134, %mul3A_135 : i32
        %get3A_137 = arith.index_cast %div3A_132 : i32 to index
        %get3A_138 = arith.index_cast %mul3A_136 : i32 to index
        %get3A_139 = tpu.vector_load %arg10[%get3A_137, %get3A_138] {strides = array<i32>} : memref<8x128xi32, #tpu.memory_space<vmem>>, vector<16xi32>,
        %get3A_140 = arith.index_cast %div3A_132 : i32 to index
        %get3A_141 = arith.index_cast %mul3A_136 : i32 to index
        %get3A_142 = tpu.vector_load %arg11[%get3A_140, %get3A_141] {strides = array<i32>} : memref<8x128xi32, #tpu.memory_space<vmem>>, vector<16xi32>,
        %gather3A_143 = tpu.vector_load_idx %arg8[%get3A_139] : memref<10112xf32, #tpu.memory_space<vmem>>[vector<16xi32>], vector<16xf32>,
        %gather3A_144 = tpu.vector_load_idx %arg9[%get3A_142] : memref<10112xf32, #tpu.memory_space<vmem>>[vector<16xi32>], vector<16xf32>,
        %add3A_145 = arith.addf %gather3A_143, %gather3A_144 : vector<16xf32>
        %ge3A_146 = arith.constant 0.000000e+00 : f32
        %ge3A_147 = vector.broadcast %ge3A_146 : f32 to vector<16xf32>
        %ge3A_148 = arith.cmpf oge, %add3A_145, %ge3A_147 : vector<16xf32>
        %mul3A_149 = arith.constant 0.00999999977 : f32
        %mul3A_150 = vector.broadcast %mul3A_149 : f32 to vector<16xf32>
        %mul3A_151 = arith.mulf %mul3A_150, %add3A_145 : vector<16xf32>
        %select_n3A_152 = arith.select %ge3A_148, %add3A_145, %mul3A_151 : vector<16xi1>, vector<16xf32>
        %exp3A_153 = math.exp %select_n3A_152 : vector<16xf32>
        %mul3A_154 = arith.constant 16 : i32
        %mul3A_155 = arith.muli %add3A_130, %mul3A_154 : i32
        %swap3A_156 = arith.index_cast %mul3A_155 : i32 to index
        %swap3A_157 = tpu.vector_load %arg12[%swap3A_156] {strides = array<i32>} : memref<1024xf32, #tpu.memory_space<vmem>>, vector<16xf32>,
        tpu.vector_store %arg12[%swap3A_156], %exp3A_153 {strides = array<i32>} : memref<1024xf32, #tpu.memory_space<vmem>>, vector<16xf32>,
        %shift_right_logical3A_158 = arith.constant 7 : i32
        %shift_right_logical3A_159 = vector.broadcast %shift_right_logical3A_158 : i32 to vector<16xi32>
        %shift_right_logical3A_160 = arith.shrui %get3A_139, %shift_right_logical3A_159 : vector<16xi32>
        %and3A_161 = arith.constant 127 : i32
        %and3A_162 = vector.broadcast %and3A_161 : i32 to vector<16xi32>
        %and3A_163 = arith.andi %get3A_139, %and3A_162 : vector<16xi32>
        tpu.vector_store_idx %arg13[%shift_right_logical3A_160, %and3A_163], %exp3A_153 {add = true} : memref<79x128xf32, #tpu.memory_space<vmem>>[vector<16xi32>, vector<16xi32>], vector<16xf32>,
        %mul3A_164 = arith.constant 4 : i32
        %mul3A_165 = arith.muli %mul3A_164, %scan3A_58 : i32
        %add3A_166 = arith.constant 3 : i32
        %add3A_167 = arith.addi %mul3A_165, %add3A_166 : i32
        %div3A_168 = arith.constant 8 : i32
        %div3A_169 = arith.divsi %add3A_167, %div3A_168 : i32
        %rem3A_170 = arith.constant 8 : i32
        %rem3A_171 = arith.remsi %add3A_167, %rem3A_170 : i32
        %mul3A_172 = arith.constant 16 : i32
        %mul3A_173 = arith.muli %rem3A_171, %mul3A_172 : i32
        %get3A_174 = arith.index_cast %div3A_169 : i32 to index
        %get3A_175 = arith.index_cast %mul3A_173 : i32 to index
        %get3A_176 = tpu.vector_load %arg10[%get3A_174, %get3A_175] {strides = array<i32>} : memref<8x128xi32, #tpu.memory_space<vmem>>, vector<16xi32>,
        %get3A_177 = arith.index_cast %div3A_169 : i32 to index
        %get3A_178 = arith.index_cast %mul3A_173 : i32 to index
        %get3A_179 = tpu.vector_load %arg11[%get3A_177, %get3A_178] {strides = array<i32>} : memref<8x128xi32, #tpu.memory_space<vmem>>, vector<16xi32>,
        %gather3A_180 = tpu.vector_load_idx %arg8[%get3A_176] : memref<10112xf32, #tpu.memory_space<vmem>>[vector<16xi32>], vector<16xf32>,
        %gather3A_181 = tpu.vector_load_idx %arg9[%get3A_179] : memref<10112xf32, #tpu.memory_space<vmem>>[vector<16xi32>], vector<16xf32>,
        %add3A_182 = arith.addf %gather3A_180, %gather3A_181 : vector<16xf32>
        %ge3A_183 = arith.constant 0.000000e+00 : f32
        %ge3A_184 = vector.broadcast %ge3A_183 : f32 to vector<16xf32>
        %ge3A_185 = arith.cmpf oge, %add3A_182, %ge3A_184 : vector<16xf32>
        %mul3A_186 = arith.constant 0.00999999977 : f32
        %mul3A_187 = vector.broadcast %mul3A_186 : f32 to vector<16xf32>
        %mul3A_188 = arith.mulf %mul3A_187, %add3A_182 : vector<16xf32>
        %select_n3A_189 = arith.select %ge3A_185, %add3A_182, %mul3A_188 : vector<16xi1>, vector<16xf32>
        %exp3A_190 = math.exp %select_n3A_189 : vector<16xf32>
        %mul3A_191 = arith.constant 16 : i32
        %mul3A_192 = arith.muli %add3A_167, %mul3A_191 : i32
        %swap3A_193 = arith.index_cast %mul3A_192 : i32 to index
        %swap3A_194 = tpu.vector_load %arg12[%swap3A_193] {strides = array<i32>} : memref<1024xf32, #tpu.memory_space<vmem>>, vector<16xf32>,
        tpu.vector_store %arg12[%swap3A_193], %exp3A_190 {strides = array<i32>} : memref<1024xf32, #tpu.memory_space<vmem>>, vector<16xf32>,
        %shift_right_logical3A_195 = arith.constant 7 : i32
        %shift_right_logical3A_196 = vector.broadcast %shift_right_logical3A_195 : i32 to vector<16xi32>
        %shift_right_logical3A_197 = arith.shrui %get3A_176, %shift_right_logical3A_196 : vector<16xi32>
        %and3A_198 = arith.constant 127 : i32
        %and3A_199 = vector.broadcast %and3A_198 : i32 to vector<16xi32>
        %and3A_200 = arith.andi %get3A_176, %and3A_199 : vector<16xi32>
        tpu.vector_store_idx %arg13[%shift_right_logical3A_197, %and3A_200], %exp3A_190 {add = true} : memref<79x128xf32, #tpu.memory_space<vmem>>[vector<16xi32>, vector<16xi32>], vector<16xf32>,
      }
      %scan3A_56 = arith.constant 16 : i32
      %add3A_57 = arith.addi %select_n3A_21, %while3A_44 : i32
      "tpu.region"() ({
        %run_scoped3A = tpu.sem_alloc : memref<!tpu.dma_semaphore, #tpu.memory_space<semaphore_mem>>
        %dma_start3A = arith.constant 0 : i32
        %dma_start3A_58 = tpu.memref_slice %arg6[%add3A_57, %dma_start3A] : memref<320x1024xf32, #tpu.memory_space<hbm>> -> memref<1x1024xf32, #tpu.memory_space<hbm>>
        %dma_start3A_59 = tpu.memref_squeeze %dma_start3A_58 : memref<1x1024xf32, #tpu.memory_space<hbm>> -> memref<1024xf32, #tpu.memory_space<hbm>>
        %dma_start3A_60 = arith.constant 0 : i32
        %dma_start3A_61 = tpu.memref_slice %arg6[%add3A_57, %dma_start3A_60] : memref<320x1024xf32, #tpu.memory_space<hbm>> -> memref<1x1024xf32, #tpu.memory_space<hbm>>
        %dma_start3A_62 = tpu.memref_squeeze %dma_start3A_61 : memref<1x1024xf32, #tpu.memory_space<hbm>> -> memref<1024xf32, #tpu.memory_space<hbm>>
        tpu.enqueue_dma source(%arg12 : memref<1024xf32, #tpu.memory_space<vmem>>) target(%dma_start3A_62 : memref<1024xf32, #tpu.memory_space<hbm>>) target_semaphore(%run_scoped3A : memref<!tpu.dma_semaphore, #tpu.memory_space<semaphore_mem>>)
        %dma_wait3A = arith.constant 0 : i32
        %dma_wait3A_63 = tpu.memref_slice %arg6[%add3A_57, %dma_wait3A] : memref<320x1024xf32, #tpu.memory_space<hbm>> -> memref<1x1024xf32, #tpu.memory_space<hbm>>
        %dma_wait3A_64 = tpu.memref_squeeze %dma_wait3A_63 : memref<1x1024xf32, #tpu.memory_space<hbm>> -> memref<1024xf32, #tpu.memory_space<hbm>>
        %dma_wait3A_65 = arith.constant 0 : i32
        %dma_wait3A_66 = tpu.memref_slice %arg6[%add3A_57, %dma_wait3A_65] : memref<320x1024xf32, #tpu.memory_space<hbm>> -> memref<1x1024xf32, #tpu.memory_space<hbm>>
        %dma_wait3A_67 = tpu.memref_squeeze %dma_wait3A_66 : memref<1x1024xf32, #tpu.memory_space<hbm>> -> memref<1024xf32, #tpu.memory_space<hbm>>
        tpu.wait_dma2 semaphore(%run_scoped3A : memref<!tpu.dma_semaphore, #tpu.memory_space<semaphore_mem>>) src(%arg12 : memref<1024xf32, #tpu.memory_space<vmem>>) dst(%dma_wait3A_67 : memref<1024xf32, #tpu.memory_space<hbm>>)
        tpu.yield
      }) : () -> ()
    }
    %mul3A_41 = arith.constant 16 : i32
    %mul3A_42 = arith.muli %arg0, %mul3A_41 : i32
    %add3A_43 = arith.addi %mul3A_42, %arg1 : i32
    "tpu.region"() ({
      %run_scoped3A = tpu.sem_alloc : memref<!tpu.dma_semaphore, #tpu.memory_space<semaphore_mem>>
      %dma_start3A = arith.constant 0 : i32
      %dma_start3A_44 = arith.constant 0 : i32
      %dma_start3A_45 = tpu.memref_slice %arg7[%add3A_43, %dma_start3A, %dma_start3A_44] : memref<32x79x128xf32, #tpu.memory_space<hbm>> -> memref<1x79x128xf32, #tpu.memory_space<hbm>>
      %dma_start3A_46 = tpu.memref_squeeze %dma_start3A_45 : memref<1x79x128xf32, #tpu.memory_space<hbm>> -> memref<79x128xf32, #tpu.memory_space<hbm>>
      %dma_start3A_47 = arith.constant 0 : i32
      %dma_start3A_48 = arith.constant 0 : i32
      %dma_start3A_49 = tpu.memref_slice %arg7[%add3A_43, %dma_start3A_47, %dma_start3A_48] : memref<32x79x128xf32, #tpu.memory_space<hbm>> -> memref<1x79x128xf32, #tpu.memory_space<hbm>>
      %dma_start3A_50 = tpu.memref_squeeze %dma_start3A_49 : memref<1x79x128xf32, #tpu.memory_space<hbm>> -> memref<79x128xf32, #tpu.memory_space<hbm>>
      tpu.enqueue_dma source(%arg13 : memref<79x128xf32, #tpu.memory_space<vmem>>) target(%dma_start3A_50 : memref<79x128xf32, #tpu.memory_space<hbm>>) target_semaphore(%run_scoped3A : memref<!tpu.dma_semaphore, #tpu.memory_space<semaphore_mem>>)
      %dma_wait3A = arith.constant 0 : i32
      %dma_wait3A_51 = arith.constant 0 : i32
      %dma_wait3A_52 = tpu.memref_slice %arg7[%add3A_43, %dma_wait3A, %dma_wait3A_51] : memref<32x79x128xf32, #tpu.memory_space<hbm>> -> memref<1x79x128xf32, #tpu.memory_space<hbm>>
      %dma_wait3A_53 = tpu.memref_squeeze %dma_wait3A_52 : memref<1x79x128xf32, #tpu.memory_space<hbm>> -> memref<79x128xf32, #tpu.memory_space<hbm>>
      %dma_wait3A_54 = arith.constant 0 : i32
      %dma_wait3A_55 = arith.constant 0 : i32
      %dma_wait3A_56 = tpu.memref_slice %arg7[%add3A_43, %dma_wait3A_54, %dma_wait3A_55] : memref<32x79x128xf32, #tpu.memory_space<hbm>> -> memref<1x79x128xf32, #tpu.memory_space<hbm>>
      %dma_wait3A_57 = tpu.memref_squeeze %dma_wait3A_56 : memref<1x79x128xf32, #tpu.memory_space<hbm>> -> memref<79x128xf32, #tpu.memory_space<hbm>>
      tpu.wait_dma2 semaphore(%run_scoped3A : memref<!tpu.dma_semaphore, #tpu.memory_space<semaphore_mem>>) src(%arg13 : memref<79x128xf32, #tpu.memory_space<vmem>>) dst(%dma_wait3A_57 : memref<79x128xf32, #tpu.memory_space<hbm>>)
      tpu.yield
    }) : () -> ()
    return
  }
}

module attributes {stable_mosaic.version = 14 : i64} {
  func.func @_prep_body(%arg0: i32, %arg1: memref<2000x128xf32, #tpu.memory_space<vmem>>, %arg2: memref<128x128xf32, #tpu.memory_space<vmem>>, %arg3: memref<1x128xf32, #tpu.memory_space<vmem>>, %arg4: memref<128x2xf32, #tpu.memory_space<vmem>>, %arg5: memref<1x2xf32, #tpu.memory_space<vmem>>, %arg6: memref<2000x128xf32, #tpu.memory_space<vmem>>, %arg7: memref<2000x2xf32, #tpu.memory_space<vmem>>) attributes {dimension_semantics = [#tpu.dimension_semantics<arbitrary>], iteration_bounds = array<i64: 5>, scalar_prefetch = 0 : i64, scratch_operands = 0 : i64, tpu.core_type = #tpu.core_type<tc>, window_params = [{transform_indices = @transform_0, window_bounds = array<i64: 2000, 128>}, {pipeline_mode = #tpu.pipeline_mode<synchronous>, transform_indices = @transform_1, window_bounds = array<i64: 128, 128>}, {pipeline_mode = #tpu.pipeline_mode<synchronous>, transform_indices = @transform_2, window_bounds = array<i64: 1, 128>}, {pipeline_mode = #tpu.pipeline_mode<synchronous>, transform_indices = @transform_3, window_bounds = array<i64: 128, 2>}, {pipeline_mode = #tpu.pipeline_mode<synchronous>, transform_indices = @transform_4, window_bounds = array<i64: 1, 2>}, {transform_indices = @transform_5, window_bounds = array<i64: 2000, 128>}, {transform_indices = @transform_6, window_bounds = array<i64: 2000, 2>}]} {
    %get3A = arith.constant 0 : index
    %get3A_0 = arith.constant 0 : index
    %get3A_1 = vector.load %arg1[%get3A, %get3A_0] : memref<2000x128xf32, #tpu.memory_space<vmem>>, vector<2000x128xf32>
    %get3A_2 = arith.constant 0 : index
    %get3A_3 = arith.constant 0 : index
    %get3A_4 = vector.load %arg2[%get3A_2, %get3A_3] : memref<128x128xf32, #tpu.memory_space<vmem>>, vector<128x128xf32>
    %dot_general3A = arith.constant dense<0.000000e+00> : vector<2000x128xf32>
    %dot_general3A_5 = tpu.matmul %get3A_1, %get3A_4, %dot_general3A {dimension_numbers = #tpu.dot_dimension_numbers<[1], [0], [0], [1], [0, 0, 1, 1], [], []>, transpose_lhs_hint = false} : vector<2000x128xf32>, vector<128x128xf32>, vector<2000x128xf32> -> vector<2000x128xf32>
    %get3A_6 = arith.constant 0 : index
    %get3A_7 = arith.constant 0 : index
    %get3A_8 = vector.load %arg3[%get3A_6, %get3A_7] : memref<1x128xf32, #tpu.memory_space<vmem>>, vector<1x128xf32>
    %add3A = vector.broadcast %get3A_8 : vector<1x128xf32> to vector<2000x128xf32>
    %add3A_9 = arith.addf %dot_general3A_5, %add3A : vector<2000x128xf32>
    %swap3A = arith.constant 0 : index
    %swap3A_10 = arith.constant 0 : index
    %swap3A_11 = vector.load %arg6[%swap3A, %swap3A_10] : memref<2000x128xf32, #tpu.memory_space<vmem>>, vector<2000x128xf32>
    tpu.vector_store %arg6[%swap3A, %swap3A_10], %add3A_9 {strides = array<i32>} : memref<2000x128xf32, #tpu.memory_space<vmem>>, vector<2000x128xf32>,
    %get3A_12 = arith.constant 0 : index
    %get3A_13 = arith.constant 0 : index
    %get3A_14 = vector.load %arg4[%get3A_12, %get3A_13] : memref<128x2xf32, #tpu.memory_space<vmem>>, vector<128x2xf32>
    %dot_general3A_15 = arith.constant dense<0.000000e+00> : vector<2000x2xf32>
    %dot_general3A_16 = tpu.matmul %add3A_9, %get3A_14, %dot_general3A_15 {dimension_numbers = #tpu.dot_dimension_numbers<[1], [0], [0], [1], [0, 0, 1, 1], [], []>, transpose_lhs_hint = false} : vector<2000x128xf32>, vector<128x2xf32>, vector<2000x2xf32> -> vector<2000x2xf32>
    %get3A_17 = arith.constant 0 : index
    %get3A_18 = arith.constant 0 : index
    %get3A_19 = vector.load %arg5[%get3A_17, %get3A_18] : memref<1x2xf32, #tpu.memory_space<vmem>>, vector<1x2xf32>
    %add3A_20 = vector.broadcast %get3A_19 : vector<1x2xf32> to vector<2000x2xf32>
    %add3A_21 = arith.addf %dot_general3A_16, %add3A_20 : vector<2000x2xf32>
    %swap3A_22 = arith.constant 0 : index
    %swap3A_23 = arith.constant 0 : index
    %swap3A_24 = vector.load %arg7[%swap3A_22, %swap3A_23] : memref<2000x2xf32, #tpu.memory_space<vmem>>, vector<2000x2xf32>
    tpu.vector_store %arg7[%swap3A_22, %swap3A_23], %add3A_21 {strides = array<i32>} : memref<2000x2xf32, #tpu.memory_space<vmem>>, vector<2000x2xf32>,
    return
  }
  func.func @transform_0(%arg0: i32) -> (i32, i32) {
    %c0_i32 = arith.constant 0 : i32
    %c0_i32_0 = arith.constant 0 : i32
    return %arg0, %c0_i32 : i32, i32
  }
  func.func @transform_1(%arg0: i32) -> (i32, i32) {
    %c0_i32 = arith.constant 0 : i32
    %c0_i32_0 = arith.constant 0 : i32
    %c0_i32_1 = arith.constant 0 : i32
    return %c0_i32, %c0_i32_0 : i32, i32
  }
  func.func @transform_2(%arg0: i32) -> (i32, i32) {
    %c0_i32 = arith.constant 0 : i32
    %c0_i32_0 = arith.constant 0 : i32
    %c0_i32_1 = arith.constant 0 : i32
    return %c0_i32, %c0_i32_0 : i32, i32
  }
  func.func @transform_3(%arg0: i32) -> (i32, i32) {
    %c0_i32 = arith.constant 0 : i32
    %c0_i32_0 = arith.constant 0 : i32
    %c0_i32_1 = arith.constant 0 : i32
    return %c0_i32, %c0_i32_0 : i32, i32
  }
  func.func @transform_4(%arg0: i32) -> (i32, i32) {
    %c0_i32 = arith.constant 0 : i32
    %c0_i32_0 = arith.constant 0 : i32
    %c0_i32_1 = arith.constant 0 : i32
    return %c0_i32, %c0_i32_0 : i32, i32
  }
  func.func @transform_5(%arg0: i32) -> (i32, i32) {
    %c0_i32 = arith.constant 0 : i32
    %c0_i32_0 = arith.constant 0 : i32
    return %arg0, %c0_i32 : i32, i32
  }
  func.func @transform_6(%arg0: i32) -> (i32, i32) {
    %c0_i32 = arith.constant 0 : i32
    %c0_i32_0 = arith.constant 0 : i32
    return %arg0, %c0_i32 : i32, i32
  }
}

module attributes {stable_mosaic.version = 14 : i64} {
  func.func @_finish_body(%arg0: i32, %arg1: memref<2x2000x128xf32, #tpu.memory_space<vmem>>, %arg2: memref<32x10112xf32, #tpu.memory_space<vmem>>, %arg3: memref<2000x128xf32, #tpu.memory_space<vmem>>, %arg4: memref<10112x1xf32, #tpu.memory_space<vmem>>) attributes {dimension_semantics = [#tpu.dimension_semantics<arbitrary>], iteration_bounds = array<i64: 5>, scalar_prefetch = 0 : i64, scratch_operands = 1 : i64, tpu.core_type = #tpu.core_type<tc>, window_params = [{transform_indices = @transform_0, window_bounds = array<i64: 2, 2000, 128>}, {pipeline_mode = #tpu.pipeline_mode<synchronous>, transform_indices = @transform_1, window_bounds = array<i64: 32, 10112>}, {transform_indices = @transform_2, window_bounds = array<i64: 2000, 128>}]} {
    %eq3A = arith.constant 0 : i32
    %eq3A_0 = arith.cmpi eq, %arg0, %eq3A : i32
    %convert_element_type3A = arith.extui %eq3A_0 : i1 to i32
    %cond3A = arith.constant 0 : i32
    %cond3A_1 = arith.cmpi ne, %convert_element_type3A, %cond3A : i32
    scf.if %cond3A_1 {
      %get3A_23 = arith.constant 0 : index
      %get3A_24 = arith.constant 0 : index
      %get3A_25 = vector.load %arg2[%get3A_23, %get3A_24] : memref<32x10112xf32, #tpu.memory_space<vmem>>, vector<32x10112xf32>
      %reduce_sum3A = arith.constant dense<0.000000e+00> : vector<10112xf32>
      %reduce_sum3A_26 = vector.multi_reduction <add>, %get3A_25, %reduce_sum3A [0] : vector<32x10112xf32> to vector<10112xf32>
      %reshape3A = vector.shape_cast %reduce_sum3A_26 : vector<10112xf32> to vector<10112x1xf32>
      %swap3A_27 = arith.constant 0 : index
      %swap3A_28 = arith.constant 0 : index
      %swap3A_29 = vector.load %arg4[%swap3A_27, %swap3A_28] : memref<10112x1xf32, #tpu.memory_space<vmem>>, vector<10112x1xf32>
      tpu.vector_store %arg4[%swap3A_27, %swap3A_28], %reshape3A {strides = array<i32>} : memref<10112x1xf32, #tpu.memory_space<vmem>>, vector<10112x1xf32>,
    } else {
    }
    %get3A = arith.constant 0 : index
    %get3A_2 = arith.constant 0 : index
    %get3A_3 = arith.constant 0 : index
    %get3A_4 = vector.load %arg1[%get3A, %get3A_2, %get3A_3] : memref<2x2000x128xf32, #tpu.memory_space<vmem>>, vector<1x2000x128xf32>
    %get3A_5 = vector.shape_cast %get3A_4 : vector<1x2000x128xf32> to vector<2000x128xf32>
    %get3A_6 = arith.constant 1 : index
    %get3A_7 = arith.constant 0 : index
    %get3A_8 = arith.constant 0 : index
    %get3A_9 = vector.load %arg1[%get3A_6, %get3A_7, %get3A_8] : memref<2x2000x128xf32, #tpu.memory_space<vmem>>, vector<1x2000x128xf32>
    %get3A_10 = vector.shape_cast %get3A_9 : vector<1x2000x128xf32> to vector<2000x128xf32>
    %add3A = arith.addf %get3A_5, %get3A_10 : vector<2000x128xf32>
    %mul3A = arith.constant 2000 : i32
    %mul3A_11 = arith.muli %arg0, %mul3A : i32
    %get3A_12 = arith.index_cast %mul3A_11 : i32 to index
    %get3A_13 = arith.constant 0 : index
    %get3A_14 = vector.load %arg4[%get3A_12, %get3A_13] : memref<10112x1xf32, #tpu.memory_space<vmem>>, vector<2000x1xf32>
    %get3A_15 = vector.shape_cast %get3A_14 : vector<2000x1xf32> to vector<2000xf32>
    %eq3A_16 = arith.constant 0.000000e+00 : f32
    %eq3A_17 = vector.broadcast %eq3A_16 : f32 to vector<2000xf32>
    %eq3A_18 = arith.cmpf oeq, %get3A_15, %eq3A_17 : vector<2000xf32>
    %jit3A = arith.constant 1.000000e+00 : f32
    %broadcast_in_dim3A = vector.broadcast %jit3A : f32 to vector<2000xf32>
    %select_n3A = arith.select %eq3A_18, %broadcast_in_dim3A, %get3A_15 : vector<2000xi1>, vector<2000xf32>
    %broadcast_in_dim3A_19 = vector.shape_cast %select_n3A : vector<2000xf32> to vector<2000x1xf32>
    %div3A = vector.broadcast %broadcast_in_dim3A_19 : vector<2000x1xf32> to vector<2000x128xf32>
    %div3A_20 = arith.divf %add3A, %div3A : vector<2000x128xf32>
    %swap3A = arith.constant 0 : index
    %swap3A_21 = arith.constant 0 : index
    %swap3A_22 = vector.load %arg3[%swap3A, %swap3A_21] : memref<2000x128xf32, #tpu.memory_space<vmem>>, vector<2000x128xf32>
    tpu.vector_store %arg3[%swap3A, %swap3A_21], %div3A_20 {strides = array<i32>} : memref<2000x128xf32, #tpu.memory_space<vmem>>, vector<2000x128xf32>,
    return
  }
  func.func @transform_0(%arg0: i32) -> (i32, i32, i32) {
    %c0_i32 = arith.constant 0 : i32
    %c0_i32_0 = arith.constant 0 : i32
    %c0_i32_1 = arith.constant 0 : i32
    return %c0_i32, %arg0, %c0_i32_0 : i32, i32, i32
  }
  func.func @transform_1(%arg0: i32) -> (i32, i32) {
    %c0_i32 = arith.constant 0 : i32
    %c0_i32_0 = arith.constant 0 : i32
    %c0_i32_1 = arith.constant 0 : i32
    return %c0_i32, %c0_i32_0 : i32, i32
  }
  func.func @transform_2(%arg0: i32) -> (i32, i32) {
    %c0_i32 = arith.constant 0 : i32
    %c0_i32_0 = arith.constant 0 : i32
    return %arg0, %c0_i32 : i32, i32
  }
}

</mosaic_0001>

<sc_bundles>
// kernel: kernel.6.cloned.1.call-start
scs
__scs_entry_jumppad:
0x0: {  	(pc) =	sbr.rel $0x88, $3  }
0x1: {  	(tag) =	ssettag $0x0;
	lr =	simm.s32 $0x1  }
0x2: {  	[smem:$0x3F99] =	sst lr;
	_ =	strace $0xD0000000  }
0x3: {  	_ = 	snop  }
0x4: {  	_ = 	snop  }
0x5: {  	_ = 	snop  }
0x6: {  	_ = 	snop  }
0x7: {  	_ = 	snop  }
__scs_overlays_trampoline_lowered:
0x8: {  	[smem:$0x3FA8] =	sst s0  }
0x9: {  	[smem:$0x3FA9] =	sst s1  }
0xa: {  	[smem:$0x3FAA] =	sst s2  }
0xb: {  	[smem:$0x3FAB] =	sst s3  }
0xc: {  	[smem:$0x3FAC] =	sst s4  }
0xd: {  	[smem:$0x3FAD] =	sst s5  }
0xe: {  	[smem:$0x3FAE] =	sst s6  }
0xf: {  	[smem:$0x3FAF] =	sst s7  }
0x10: {  	[smem:$0x3FB0] =	sst s8  }
0x11: {  	[smem:$0x3FB1] =	sst s9;
	s0 =	simm.s32 @!p0 $0x0  }
0x12: {  	s1 =	sld [smem:$0x3F97];
	s0 =	simm.s32 @p0 $0x1  }
0x13: {  	[smem:$0x3FB2] =	sst s0;
	s0 =	simm.s32 @!p1 $0x0  }
0x14: {  	s2 =	sld [smem:$0x3F96];
	s0 =	simm.s32 @p1 $0x1  }
0x15: {  	[smem:$0x3FB3] =	sst s0;
	s0 =	simm.s32 @!p2 $0x0  }
0x16: {  	s3 =	sld [smem:$0x3FDB];
	s0 =	simm.s32 @p2 $0x1  }
0x17: {  	s4 =	simm.s32 $0x1BF5;
	[smem:$0x3FB5] =	sst s0  }
0x18: {  	s0 =	sld [smem:$0x3F98];
	_ =	swait.ge [sflag:s4], $0x0  }
0x19: {  	s7 =	sld [smem:$0x3F99]  }
0x1a: {  	s8 =	sadd.s32 $0xFFFFE003, lr  }
0x1b: {  	s9 =	sadd.s32 $0xFFFFFEF7, lr;
	s5 =	simm.s32 $0xFFFFFFFF;
	p2 =	slt.u32 s8, $0xFFFFF086  }
0x1c: {  	p1 =	slt.u32 s9, $0xF7A;
	s5 =	simm.s32 @!p2 $0x0  }
0x1d: {  	s5 =	simm.s32 @p1 $0x1;
	p0 =	seq.s32 s7, s2  }
0x1e: {  	s7 =	smul.u32 @!p0 $0xF7A, s2;
	p2 =	seq.s32 @!p0 s5, $0x0  }
0x1f: {  	s9 =	smul.u32 $0xF7A, s1;
	s8 =	simm.s32 @!p0 $0x1BF5;
	p2 =	por !p2, p0  }
0x20: {  	[sflag:s8] =	ssyncset.s32 @!p0 $0xFFFFF086;
	s6 =	sadd.s32 @!p0 s3, s7;
	s7 =	simm.s32 @!p0 $0x108  }
0x21: {  	s3 =	sadd.s32 s3, s9;
	s6 =	sadd.s32 @!p0 $0x88, s6;
	s7 =	simm.s32 @p2 $0x1082  }
0x22: {  	[simem:s7], [sflag:s8] =	dma.local @!p0 [hbm:s6], $0xF7A  }
0x23: {  	s9 =	sor.u32 $0xD0000000, s2;
	s6 =	simm.s32 $0x108;
	_ =	swait.ge @!p0 [sflag:s8], $0x0  }
0x24: {  	s3 =	sadd.s32 $0x88, s3;
	s6 =	simm.s32 @!p1 $0x1082;
	[sflag:s4] =	ssyncset.s32 $0xFFFFF086  }
0x25: {  	[simem:s6], [sflag:s4] =	dma.local [hbm:s3], $0xF7A  }
0x26: {  	[smem:$0x3F99] =	sst s1;
	(tag) =	ssettag s2;
	_ =	strace s9  }
0x27: {  	s1 =	sld [smem:$0x3FA9]  }
0x28: {  	s2 =	sld [smem:$0x3FAA]  }
0x29: {  	s4 =	sld [smem:$0x3FAC]  }
0x2a: {  	p0 =	seq.s32 s5, $0x0;
	s5 =	sld [smem:$0x3FAD]  }
0x2b: {  	s6 =	sld [smem:$0x3FAE]  }
0x2c: {  	s7 =	sld [smem:$0x3FAF]  }
0x2d: {  	s3 =	simm.s32 $0x108;
	s8 =	sld [smem:$0x3FB0]  }
0x2e: {  	s3 =	simm.s32 @!p0 $0x1082;
	s9 =	sld [smem:$0x3FB1]  }
0x2f: {  	lr =	sadd.s32 s0, s3;
	s0 =	sld [smem:$0x3FA8]  }
0x30: {  	s3 =	sld [smem:$0x3FAB]  }
0x31: {  	[smem:$0x3FB4] =	sst s10  }
0x32: {  	s10 =	sld [smem:$0x3FB2];
	_ =	sdelay $0x3  }
0x33: {  	p0 =	seq.s32 s10, $0x1;
	s10 =	sld [smem:$0x3FB4];
	_ =	sdelay $0x3  }
0x34: {  	[smem:$0x3FB4] =	sst s10  }
0x35: {  	s10 =	sld [smem:$0x3FB3];
	_ =	sdelay $0x3  }
0x36: {  	p1 =	seq.s32 s10, $0x1;
	s10 =	sld [smem:$0x3FB4];
	_ =	sdelay $0x3  }
0x37: {  	[smem:$0x3FB4] =	sst s10  }
0x38: {  	s10 =	sld [smem:$0x3FB5]  }
0x39: {  	_ = 	snop;
	(pc) =	sbr.ind lr, $3  }
0x3a: {  	_ = 	snop  }
0x3b: {  	_ = 	snop  }
0x3c: {  	p2 =	seq.s32 s10, $0x1;
	s10 =	sld [smem:$0x3FB4]  }
0x3d: {  	_ =	shalt  }
0x3e: {  	_ =	shalt  }
0x3f: {  	_ =	shalt  }
0x40: {  	_ =	shalt  }
0x41: {  	_ =	shalt  }
0x42: {  	_ =	shalt  }
0x43: {  	_ =	shalt  }
0x44: {  	_ =	shalt  }
0x45: {  	_ =	shalt  }
0x46: {  	_ =	shalt  }
0x47: {  	_ =	shalt  }
0x48: {  	_ =	shalt  }
0x49: {  	_ =	shalt  }
0x4a: {  	_ =	shalt  }
0x4b: {  	_ =	shalt  }
0x4c: {  	_ =	shalt  }
0x4d: {  	_ =	shalt  }
0x4e: {  	_ =	shalt  }
0x4f: {  	_ =	shalt  }
0x50: {  	_ =	shalt  }
0x51: {  	_ =	shalt  }
0x52: {  	_ =	shalt  }
0x53: {  	_ =	shalt  }
0x54: {  	_ =	shalt  }
0x55: {  	_ =	shalt  }
0x56: {  	_ =	shalt  }
0x57: {  	_ =	shalt  }
0x58: {  	_ =	shalt  }
0x59: {  	_ =	shalt  }
0x5a: {  	_ =	shalt  }
0x5b: {  	_ =	shalt  }
0x5c: {  	_ =	shalt  }
0x5d: {  	_ =	shalt  }
0x5e: {  	_ =	shalt  }
0x5f: {  	_ =	shalt  }
0x60: {  	_ =	shalt  }
0x61: {  	_ =	shalt  }
0x62: {  	_ =	shalt  }
0x63: {  	_ =	shalt  }
0x64: {  	_ =	shalt  }
0x65: {  	_ =	shalt  }
0x66: {  	_ =	shalt  }
0x67: {  	_ =	shalt  }
0x68: {  	_ =	shalt  }
0x69: {  	_ =	shalt  }
0x6a: {  	_ =	shalt  }
0x6b: {  	_ =	shalt  }
0x6c: {  	_ =	shalt  }
0x6d: {  	_ =	shalt  }
0x6e: {  	_ =	shalt  }
0x6f: {  	_ =	shalt  }
0x70: {  	_ =	shalt  }
0x71: {  	_ =	shalt  }
0x72: {  	_ =	shalt  }
0x73: {  	_ =	shalt  }
0x74: {  	_ =	shalt  }
0x75: {  	_ =	shalt  }
0x76: {  	_ =	shalt  }
0x77: {  	_ =	shalt  }
0x78: {  	_ =	shalt  }
0x79: {  	_ =	shalt  }
0x7a: {  	_ =	shalt  }
0x7b: {  	_ =	shalt  }
0x7c: {  	_ =	shalt  }
0x7d: {  	_ =	shalt  }
0x7e: {  	_ =	shalt  }
0x7f: {  	_ =	shalt  }
0x80: {  	_ =	shalt  }
0x81: {  	_ =	shalt  }
0x82: {  	_ =	shalt  }
0x83: {  	_ =	shalt  }
0x84: {  	_ =	shalt  }
0x85: {  	_ =	shalt  }
0x86: {  	_ =	shalt  }
0x87: {  	_ =	shalt  }
.Lfunc_end0:
.L_simem_size_0:
called_computation_lowered:
.L_overlay_start_0:
0x88: {  	s2 =	sld [smem:$0x3FD9]  }
0x89: {  	s3 =	sld [smem:$0x3FFE];
	_ =	sdelay $0x1  }
0x8a: {  	s1 =	srdreg.scid  }
0x8b: {  	s0 =	sand.u32 $0x1, s1  }
0x8c: {  	s16 =	sshll.u32 s0, $0xA;
	s2 =	sadd.s32 s3, s2  }
0x8d: {  	s2 =	sadd.s32 s2, s16  }
0x8e: {  	[smem:$0x3FC0] =	sst s2  }
0x8f: {  	_ = 	snop  }
0x90: {  	(tm) =	ssettm $0x1  }
0x91: {  	s17 =	sld [smem:$0x3FFB];
	_ =	sdelay $0x3  }
0x92: {  	_ =	strace s17  }
0x93: {  	s2 =	sld [smem:$0x3FFC];
	_ =	sdelay $0x3  }
0x94: {  	_ =	strace s2  }
0x95: {  	s2 =	sld [smem:$0x3FFD];
	_ =	sdelay $0x3  }
0x96: {  	_ =	strace s2  }
0x97: {  	_ =	strace $0x8FFFFFFF  }
0x98: {  	s18 =	sld [smem:$0x3FDB];
	_ =	sdelay $0x1  }
0x99: {  	s19 =	simm.s32 $_scs_section_size  }
0x9a: {  	s4 =	simm.s32 $_size__tile_overlayer_lowered;
	s5 =	simm.s32 $_tile_overlayer_lowered  }
0x9b: {  	s22 =	simm.s32 $0x1BFF;
	s21 =	sshll.u32 s5, $0x1;
	s2 =	sadd.s32 s19, s18  }
0x9c: {  	s6 =	simm.s32 $0x0;
	s20 =	sshll.u32 s4, $0x1;
	s4 =	sadd.s32 s21, s2  }
0x9d: {  	[timem:s6], [sflag:s22] =	dma.local [hbm:s4], s20  }
0x9e: {  	_ =	swait.ge [sflag:s22], s20  }
0x9f: {  	s3 =	ssub.s32 $0x0, s20;
	[sflag:s22] =	ssyncset.done $0x0  }
0xa0: {  	[sflag:s22] =	ssyncadd.s32 s3;
	_ =	sdelay $0x1  }
0xa1: {  	s23 =	simm.s32 $0x1B8B  }
0xa2: {  	_ =	swait.ge [sflag:s23], $0x1  }
0xa3: {  	[sflag:s23] =	ssyncset.done $0x0  }
0xa4: {  	s25 =	simm.s32 $0x1B8E;
	s24 =	sld [smem:$0x3FFE];
	[sflag:s23] =	ssyncadd.s32 $0xFFFFFFFF  }
0xa5: {  	s26 =	simm.s32 $execute0_lowered;
	[smem:$0x3FD2] =	sst s25  }
0xa6: {  	s4 =	sshll.u32 s26, $0x1;
	_ =	strace $0x80000046;
	[dreg:$0x1] =	wrdreg $0xFFFFFFFF  }
0xa7: {  	s28 =	simm.s32 $_size_execute0_lowered;
	s2 =	sadd.s32 s2, s4;
	[dreg:$0x0] =	wrdreg $0x0  }
0xa8: {  	s4 =	sshll.u32 s28, $0x1;
	[dreg:$0x2] =	wrdreg s2  }
0xa9: {  	[dreg:$0x3] =	wrdreg s4  }
0xaa: {  	[dreg:$0x4] =	wrdreg $0xC0  }
0xab: {  	_ =	task [dreg:s6], $0x5FFFF  }
0xac: {  	[dreg:$0x1] =	wrdreg $0xFFFFFFFF  }
0xad: {  	[dreg:$0x0] =	wrdreg $0x60  }
0xae: {  	[dreg:$0x2] =	wrdreg s24  }
0xaf: {  	[dreg:$0x3] =	wrdreg $0x9  }
0xb0: {  	_ =	task.clear_ibuf [dreg:s6], $0x4FFFF;
	_ =	strace $0x90000046  }
0xb1: {  	s29 =	simm.s32 $0x9;
	_ =	strace $0x80000048  }
0xb2: {  	_ =	swait.ge [sflag:s29], $0x1  }
0xb3: {  	[sflag:s29] =	ssyncadd.s32 $0xFFFFFFFF  }
0xb4: {  	_ =	strace $0x90000048  }
0xb5: {  	_ =	sfence  }
0xb6: {  	s30 =	sld [smem:$0x0];
	_ =	sdelay $0x2  }
0xb7: {  	s31 =	sshll.u32 s1, $0xD;
	s1 =	sshrl.u32 s1, $0x2  }
0xb8: {  	s3 =	sand.u32 $0x4000, s31;
	s1 =	sadd.s32 s1, s30  }
0xb9: {  	s0 =	sor.u32 s3, s0;
	s1 =	sshll.u32 s1, $0x11  }
0xba: {  	s0 =	sor.u32 s1, s0  }
0xbb: {  	s0 =	sadd.s32 $0x8F2B, s0  }
0xbc: {  	[sflag:s0] =	ssyncadd.remote.s32 $0x1  }
0xbd: {  	_ =	sfence.sel $0xFFFF  }
0xbe: {  	[dreg:$0x0] =	wrdreg $0xFFFFFFFF;
	(pc) =	sbr.abs _section_cstart, $3  }
0xbf: {  	[dreg:$0x1] =	wrdreg $0xFFFFFFFF  }
0xc0: {  	_ =	task.clear_ibuf [dreg:s6], $0x2FFFF;
	_ =	strace $0x9FFFFFFF  }
0xc1: {  	(tm) =	ssettm $0x7FFFFFFF  }
tec
execute0_lowered:
.L_overlay_start_1:
0x0: {  	(tag) =	ssettag $0x1  }
0x1: {  	s8 =	rddreg [dreg:$0x0]  }
0x2: {  	s0 =	rddreg [dreg:$0x1];
	s1 =	simm.s32 $0x0;
	s2 =	srdreg.scid  }
0x3: {  	s14 =	simm.s32 $0x80;
	s15 =	simm.s32 $0x400;
	s16 =	simm.s32 $0x5700  }
0x4: {  	s17 =	simm.s32 $0x0;
	[smem:$0x7FF] =	sst s1;
	s7 =	sand.u32 $0x1, s2  }
0x5: {  	s3 =	sadd.s32 $0x1600, s8;
	s2 =	stileid.u32;
	s4 =	sadd.s32 $0xB600, s8  }
0x6: {  	s6 =	sadd.s32 $0xA00, s8;
	_ =	strace $0x80000047;
	s5 =	sshll.u32 s7, $0x4  }
0x7: {  	s10 =	smul.u32 $0x50, s2;
	s11 =	ssub.s32 $0x2, s7;
	p0 =	seq.s32 s7, $0x0  }
0x8: {  	s7 =	sadd.s32 $0x1F600, s8;
	s9 =	sor.u32 s2, s5;
	s5 =	sadd.s32 $0x1000, s8  }
0x9: {  	s13 =	sshrl.u32 s11, $0x1;
	s9 =	smul.u32 $0x500, s9;
	s12 =	sadd.s32 $0x500, s10  }
0xa: {  	s31 =	ssub.s32 s11, s13;
	s11 =	simm.s32 $0x1;
	s13 =	simm.s32 $0x5B00  }
0xb: {  	s12 =	smov.u32 @p0 s10;
	s10 =	smax.u32 s31, $0x1;
	s9 =	sadd.s32 s9, s8  }
0xc: {  	v0 =	vimm.f32 $0.0e+00;
	s8 =	sshrl.u32 s12, $0x3;
	s12 =	simm.s32 $0x2780;
	s9 =	sadd.s32 $0x15600, s9  }
.LBB2_1:
0xd: {  	[tilespmem:s1], [sflag:$0x1] =	stream.linear.gather [hbm4b:s5+s1], $0x2780, $0x38;
	[tilespmem:$0x8300] =	vst v63  }
0xe: {  	_ =	swait.ge [sflag:s11], $0x2780  }
0xf: {  	[sflag:s11] =	ssyncset.done $0x0  }
0x10: {  	[sflag:s11] =	ssyncadd.s32 $0xFFFFD880  }
0x11: {  	[tilespmem:s12], [sflag:$0x1] =	stream.linear.gather [hbm4b:s6+s1], $0x2780, $0x38;
	[tilespmem:$0x8300] =	vst v63  }
0x12: {  	_ =	swait.ge [sflag:s11], $0x2780  }
0x13: {  	[sflag:s11] =	ssyncset.done $0x0  }
0x14: {  	s19 =	simm.s32 $0x0;
	s18 =	simm.s32 $0x200;
	[sflag:s11] =	ssyncadd.s32 $0xFFFFD880  }
.LBB2_2:
0x15: {  	p0 =	sne.s32 s18, $0x9C00;
	[tilespmem:s19+$0x5B70] =	vst v0  }
0x16: {  	[tilespmem:s19+$0x5B00] =	vst v0  }
0x17: {  	[tilespmem:s19+$0x5B10] =	vst v0  }
.Ltmp0:
0x18: {  	[tilespmem:s19+$0x5B20] =	vst v0;
	(pc) =	sbr.rel @p0 .LBB2_2-.Ltmp0, $4  }
0x19: {  	[tilespmem:s19+$0x5B30] =	vst v0  }
0x1a: {  	[tilespmem:s19+$0x5B40] =	vst v0  }
0x1b: {  	[tilespmem:s19+$0x5B50] =	vst v0  }
0x1c: {  	[tilespmem:s19+$0x5B60] =	vst v0;
	s19 =	sshra.s32 s18, $0x2;
	s18 =	sadd.s32 $0x200, s18  }
0x1d: {  	[tilespmem:s19+$0x5B70] =	vst v0  }
0x1e: {  	[tilespmem:s19+$0x5B00] =	vst v0  }
0x1f: {  	[tilespmem:s19+$0x5B10] =	vst v0  }
0x20: {  	[tilespmem:s19+$0x5B20] =	vst v0  }
0x21: {  	[tilespmem:s19+$0x5B30] =	vst v0  }
0x22: {  	[tilespmem:s19+$0x5B40] =	vst v0  }
0x23: {  	[tilespmem:s19+$0x5B50] =	vst v0  }
0x24: {  	s18 =	simm.s32 $0x0;
	[tilespmem:s19+$0x5B60] =	vst v0;
	s19 =	simm.s32 $0x0  }
.LBB2_4:
0x25: {  	s21 =	sadd.s32 s8, s19  }
0x26: {  	s20 =	sshll.u32 s21, $0x7  }
0x27: {  	s22 =	simm.s32 $0x4F00;
	s23 =	sadd.s32 s3, s20  }
0x28: {  	[tilespmem:s22], [sflag:$0x1] =	stream.linear.gather [hbm4b:s23+s18], $0x400, $0x38;
	[tilespmem:$0x8300] =	vst v63  }
0x29: {  	_ =	swait.ge [sflag:s11], $0x400  }
0x2a: {  	[sflag:s11] =	ssyncset.done $0x0  }
0x2b: {  	s24 =	sadd.s32 s4, s20;
	s23 =	simm.s32 $0x5300;
	[sflag:s11] =	ssyncadd.s32 $0xFFFFFC00  }
0x2c: {  	[tilespmem:s23], [sflag:$0x1] =	stream.linear.gather [hbm4b:s24+s18], $0x400, $0x38;
	[tilespmem:$0x8300] =	vst v63  }
0x2d: {  	_ =	swait.ge [sflag:s11], $0x400  }
0x2e: {  	[sflag:s11] =	ssyncset.done $0x0  }
0x2f: {  	s25 =	simm.s32 $0x0;
	s24 =	simm.s32 $0x5720;
	[sflag:s11] =	ssyncadd.s32 $0xFFFFFC00  }
.LBB2_5:
0x30: {  	v1 =	vld [tilespmem:s22+$0x0]  }
0x31: {  	v2 =	vld [tilespmem:s23+$0x0];
	_ =	sdelay $0x6  }
0x32: {  	v3 =	vld.idx.msk [tilespmem:v1+s1+$0x0], $0xffff  }
0x33: {  	v2 =	vld.idx.msk [tilespmem:v2+s12+$0x0], $0xffff;
	_ =	sdelay $0x4  }
0x34: {  	v2 =	vadd.f32 v2, v3;
	_ =	sdelay $0x1  }
0x35: {  	v3 =	vmul.f32 $9.999999770e-03, v2  }
0x36: {  	vm0 =	vge.f32 v2, $0.0e+00  }
0x37: {  	v2 =	vsel vm0, v2, v3  }
0x38: {  	v2 =	vmul.f32 $1.442695020e+00, v2;
	_ =	sdelay $0x1  }
0x39: {  	(erf) = vpow2.f32 v2;
	_ =	sdelay $0x8  }
0x3a: {  	s26 =	sadd.s32 $0x10, s25;
	v2 =	vpop (erf)  }
0x3b: {  	s28 =	sand.u32 $0x380, s25;
	s26 =	sand.u32 $0x50, s26;
	[tilespmem:s24+$0xFFFFFFE0] =	vst v2  }
0x3c: {  	s26 =	sor.u32 s28, s26;
	[tilespmem:v1+s13+$0x0] =	vst.idx.add.f32.msk $0xffff, v2  }
0x3d: {  	v1 =	vld [tilespmem:s26+$0x4F00]  }
0x3e: {  	v2 =	vld [tilespmem:s26+$0x5300];
	_ =	sdelay $0x6  }
0x3f: {  	v3 =	vld.idx.msk [tilespmem:v1+s1+$0x0], $0xffff  }
0x40: {  	v2 =	vld.idx.msk [tilespmem:v2+s12+$0x0], $0xffff;
	_ =	sdelay $0x4  }
0x41: {  	v2 =	vadd.f32 v2, v3;
	_ =	sdelay $0x1  }
0x42: {  	v3 =	vmul.f32 $9.999999770e-03, v2  }
0x43: {  	vm13 =	vge.f32 v2, $0.0e+00  }
0x44: {  	v2 =	vsel vm13, v2, v3  }
0x45: {  	v2 =	vmul.f32 $1.442695020e+00, v2;
	_ =	sdelay $0x1  }
0x46: {  	(erf) = vpow2.f32 v2;
	_ =	sdelay $0x8  }
0x47: {  	s30 =	sadd.s32 $0x20, s25;
	v2 =	vpop (erf)  }
0x48: {  	s26 =	sand.u32 $0x60, s30;
	[tilespmem:s24+$0xFFFFFFF0] =	vst v2  }
0x49: {  	s26 =	sor.u32 s28, s26;
	[tilespmem:v1+s13+$0x0] =	vst.idx.add.f32.msk $0xffff, v2  }
0x4a: {  	v1 =	vld [tilespmem:s26+$0x4F00]  }
0x4b: {  	v2 =	vld [tilespmem:s26+$0x5300];
	_ =	sdelay $0x6  }
0x4c: {  	v3 =	vld.idx.msk [tilespmem:v1+s1+$0x0], $0xffff  }
0x4d: {  	v2 =	vld.idx.msk [tilespmem:v2+s12+$0x0], $0xffff;
	_ =	sdelay $0x4  }
0x4e: {  	v2 =	vadd.f32 v2, v3;
	_ =	sdelay $0x1  }
0x4f: {  	v3 =	vmul.f32 $9.999999770e-03, v2  }
0x50: {  	vm14 =	vge.f32 v2, $0.0e+00  }
0x51: {  	v2 =	vsel vm14, v2, v3  }
0x52: {  	v2 =	vmul.f32 $1.442695020e+00, v2;
	_ =	sdelay $0x1  }
0x53: {  	(erf) = vpow2.f32 v2;
	_ =	sdelay $0x8  }
0x54: {  	s31 =	sadd.s32 $0x30, s25;
	v2 =	vpop (erf)  }
0x55: {  	s26 =	sand.u32 $0x70, s31;
	[tilespmem:s24+$0x0] =	vst v2  }
0x56: {  	s26 =	sor.u32 s28, s26;
	[tilespmem:v1+s13+$0x0] =	vst.idx.add.f32.msk $0xffff, v2  }
0x57: {  	v1 =	vld [tilespmem:s26+$0x4F00]  }
0x58: {  	v2 =	vld [tilespmem:s26+$0x5300];
	_ =	sdelay $0x6  }
0x59: {  	v3 =	vld.idx.msk [tilespmem:v1+s1+$0x0], $0xffff  }
0x5a: {  	v2 =	vld.idx.msk [tilespmem:v2+s12+$0x0], $0xffff;
	_ =	sdelay $0x4  }
0x5b: {  	v2 =	vadd.f32 v2, v3;
	_ =	sdelay $0x1  }
0x5c: {  	v3 =	vmul.f32 $9.999999770e-03, v2  }
0x5d: {  	vm15 =	vge.f32 v2, $0.0e+00  }
0x5e: {  	v2 =	vsel vm15, v2, v3  }
0x5f: {  	v2 =	vmul.f32 $1.442695020e+00, v2;
	_ =	sdelay $0x1  }
0x60: {  	(erf) = vpow2.f32 v2;
	_ =	sdelay $0x5  }
0x61: {  	p0 =	sne.s32 s25, $0x3C0  }
.Ltmp1:
0x62: {  	_ = 	snop;
	(pc) =	sbr.rel @p0 .LBB2_5-.Ltmp1, $4  }
0x63: {  	_ = 	snop  }
0x64: {  	v2 =	vpop (erf)  }
0x65: {  	s23 =	sadd.s32 $0x40, s23;
	[tilespmem:s24+$0x10] =	vst v2  }
0x66: {  	s22 =	sadd.s32 $0x40, s22;
	s25 =	sadd.s32 $0x40, s25;
	s24 =	sadd.s32 $0x40, s24;
	[tilespmem:v1+s13+$0x0] =	vst.idx.add.f32.msk $0xffff, v2  }
0x67: {  	s21 =	sshll.u32 s21, $0x4  }
0x68: {  	s19 =	sadd.s32 $0x1, s19;
	s21 =	sand.u32 $0x70, s21  }
0x69: {  	s20 =	sand.u32 $0xFFFFC00, s20;
	p0 =	sne.s32 s19, $0xA;
	s21 =	sadd.s32 s7, s21  }
.Ltmp2:
0x6a: {  	s20 =	sadd.s32 s20, s21;
	(pc) =	sbr.rel @p0 .LBB2_4-.Ltmp2, $4  }
0x6b: {  	[hbm4b:s20+s14] =	stream.strided.scatter [tilespmem:s16], [sflag:$0x1], $0x400, s15, s14, $0x38;
	[tilespmem:$0x8300] =	vst v63  }
0x6c: {  	_ =	swait.ge [sflag:s11], $0x400  }
0x6d: {  	[sflag:s11] =	ssyncset.done $0x0  }
0x6e: {  	[sflag:s11] =	ssyncadd.s32 $0xFFFFFC00  }
0x6f: {  	s17 =	sadd.s32 $0x1, s17  }
0x70: {  	p0 =	sne.s32 s17, s10  }
.Ltmp3:
0x71: {  	_ = 	snop;
	(pc) =	sbr.rel @p0 .LBB2_1-.Ltmp3, $4  }
0x72: {  	[hbm4b:s9+s1] =	stream.linear.scatter [tilespmem:s13], [sflag:$0x1], $0x2780, $0x38;
	[tilespmem:$0x8300] =	vst v63  }
0x73: {  	_ =	swait.ge [sflag:s11], $0x2780  }
0x74: {  	[sflag:s11] =	ssyncset.done $0x0  }
0x75: {  	[sflag:s11] =	ssyncadd.s32 $0xFFFFD880  }
0x76: {  	_ =	sfence.sel $0x180000  }
0x77: {  	[bflag:$0x0] =	sbarrier.arrive $0xFFFF  }
0x78: {  	p0 =	sne.s32 s2, $0x0;
	_ =	strace $0x90000047  }
0x79: {  	s0 =	sadd.s32 @!p0 $0x100000, s0;
	[bflag:$0x2] =	sbarrier.arrive $0xFFFF  }
0x7a: {  	[sflag:s0] =	ssyncadd.tile.s32 @!p0 $0x1;
	_ =	shalt  }
.Lfunc_end2:
_tile_overlayer_lowered:
.L_overlay_start_2:
0x7b: {  	(tag) =	ssettag $0x2  }
0x7c: {  	s0 =	rddreg [dreg:$0x0];
	s2 =	stileid.u32  }
0x7d: {  	s1 =	rddreg [dreg:$0x1];
	p0 =	sne.s32 s2, $0x0  }
0x7e: {  	s3 =	rddreg [dreg:$0x2];
	[bflag:$0x3] =	sbarrier.arrive $0xFFFF;
	s2 =	simm.s32 @!p0 $0x1C01  }
0x7f: {  	[timem:s3], [sflag:s2] =	dma.local @!p0 [hbm:s0], s1  }
0x80: {  	s0 =	simm.s32 @!p0 $0x1  }
0x81: {  	_ =	swait.ge @!p0 [sflag:s0], s1  }
0x82: {  	s1 =	ssub.s32 @!p0 $0x0, s1;
	[sflag:s0] =	ssyncset.done @!p0 $0x0  }
0x83: {  	[sflag:s0] =	ssyncadd.s32 @!p0 s1  }
0x84: {  	[bflag:$0x3] =	sbarrier.arrive $0xFFFF  }
0x85: {  	_ =	shalt  }

// kernel: kernel.9.cloned.1.call-start
scs
__scs_entry_jumppad:
0x0: {  	(pc) =	sbr.rel $0x88, $3  }
0x1: {  	(tag) =	ssettag $0x0;
	lr =	simm.s32 $0x1  }
0x2: {  	[smem:$0x3F99] =	sst lr;
	_ =	strace $0xD0000000  }
0x3: {  	_ = 	snop  }
0x4: {  	_ = 	snop  }
0x5: {  	_ = 	snop  }
0x6: {  	_ = 	snop  }
0x7: {  	_ = 	snop  }
__scs_overlays_trampoline_lowered:
0x8: {  	[smem:$0x3FA8] =	sst s0  }
0x9: {  	[smem:$0x3FA9] =	sst s1  }
0xa: {  	[smem:$0x3FAA] =	sst s2  }
0xb: {  	[smem:$0x3FAB] =	sst s3  }
0xc: {  	[smem:$0x3FAC] =	sst s4  }
0xd: {  	[smem:$0x3FAD] =	sst s5  }
0xe: {  	[smem:$0x3FAE] =	sst s6  }
0xf: {  	[smem:$0x3FAF] =	sst s7  }
0x10: {  	[smem:$0x3FB0] =	sst s8  }
0x11: {  	[smem:$0x3FB1] =	sst s9;
	s0 =	simm.s32 @!p0 $0x0  }
0x12: {  	s1 =	sld [smem:$0x3F97];
	s0 =	simm.s32 @p0 $0x1  }
0x13: {  	[smem:$0x3FB2] =	sst s0;
	s0 =	simm.s32 @!p1 $0x0  }
0x14: {  	s2 =	sld [smem:$0x3F96];
	s0 =	simm.s32 @p1 $0x1  }
0x15: {  	[smem:$0x3FB3] =	sst s0;
	s0 =	simm.s32 @!p2 $0x0  }
0x16: {  	s3 =	sld [smem:$0x3FDB];
	s0 =	simm.s32 @p2 $0x1  }
0x17: {  	s4 =	simm.s32 $0x1BF5;
	[smem:$0x3FB5] =	sst s0  }
0x18: {  	s0 =	sld [smem:$0x3F98];
	_ =	swait.ge [sflag:s4], $0x0  }
0x19: {  	s7 =	sld [smem:$0x3F99]  }
0x1a: {  	s8 =	sadd.s32 $0xFFFFE003, lr  }
0x1b: {  	s9 =	sadd.s32 $0xFFFFFEF7, lr;
	s5 =	simm.s32 $0xFFFFFFFF;
	p2 =	slt.u32 s8, $0xFFFFF086  }
0x1c: {  	p1 =	slt.u32 s9, $0xF7A;
	s5 =	simm.s32 @!p2 $0x0  }
0x1d: {  	s5 =	simm.s32 @p1 $0x1;
	p0 =	seq.s32 s7, s2  }
0x1e: {  	s7 =	smul.u32 @!p0 $0xF7A, s2;
	p2 =	seq.s32 @!p0 s5, $0x0  }
0x1f: {  	s9 =	smul.u32 $0xF7A, s1;
	s8 =	simm.s32 @!p0 $0x1BF5;
	p2 =	por !p2, p0  }
0x20: {  	[sflag:s8] =	ssyncset.s32 @!p0 $0xFFFFF086;
	s6 =	sadd.s32 @!p0 s3, s7;
	s7 =	simm.s32 @!p0 $0x108  }
0x21: {  	s3 =	sadd.s32 s3, s9;
	s6 =	sadd.s32 @!p0 $0x88, s6;
	s7 =	simm.s32 @p2 $0x1082  }
0x22: {  	[simem:s7], [sflag:s8] =	dma.local @!p0 [hbm:s6], $0xF7A  }
0x23: {  	s9 =	sor.u32 $0xD0000000, s2;
	s6 =	simm.s32 $0x108;
	_ =	swait.ge @!p0 [sflag:s8], $0x0  }
0x24: {  	s3 =	sadd.s32 $0x88, s3;
	s6 =	simm.s32 @!p1 $0x1082;
	[sflag:s4] =	ssyncset.s32 $0xFFFFF086  }
0x25: {  	[simem:s6], [sflag:s4] =	dma.local [hbm:s3], $0xF7A  }
0x26: {  	[smem:$0x3F99] =	sst s1;
	(tag) =	ssettag s2;
	_ =	strace s9  }
0x27: {  	s1 =	sld [smem:$0x3FA9]  }
0x28: {  	s2 =	sld [smem:$0x3FAA]  }
0x29: {  	s4 =	sld [smem:$0x3FAC]  }
0x2a: {  	p0 =	seq.s32 s5, $0x0;
	s5 =	sld [smem:$0x3FAD]  }
0x2b: {  	s6 =	sld [smem:$0x3FAE]  }
0x2c: {  	s7 =	sld [smem:$0x3FAF]  }
0x2d: {  	s3 =	simm.s32 $0x108;
	s8 =	sld [smem:$0x3FB0]  }
0x2e: {  	s3 =	simm.s32 @!p0 $0x1082;
	s9 =	sld [smem:$0x3FB1]  }
0x2f: {  	lr =	sadd.s32 s0, s3;
	s0 =	sld [smem:$0x3FA8]  }
0x30: {  	s3 =	sld [smem:$0x3FAB]  }
0x31: {  	[smem:$0x3FB4] =	sst s10  }
0x32: {  	s10 =	sld [smem:$0x3FB2];
	_ =	sdelay $0x3  }
0x33: {  	p0 =	seq.s32 s10, $0x1;
	s10 =	sld [smem:$0x3FB4];
	_ =	sdelay $0x3  }
0x34: {  	[smem:$0x3FB4] =	sst s10  }
0x35: {  	s10 =	sld [smem:$0x3FB3];
	_ =	sdelay $0x3  }
0x36: {  	p1 =	seq.s32 s10, $0x1;
	s10 =	sld [smem:$0x3FB4];
	_ =	sdelay $0x3  }
0x37: {  	[smem:$0x3FB4] =	sst s10  }
0x38: {  	s10 =	sld [smem:$0x3FB5]  }
0x39: {  	_ = 	snop;
	(pc) =	sbr.ind lr, $3  }
0x3a: {  	_ = 	snop  }
0x3b: {  	_ = 	snop  }
0x3c: {  	p2 =	seq.s32 s10, $0x1;
	s10 =	sld [smem:$0x3FB4]  }
0x3d: {  	_ =	shalt  }
0x3e: {  	_ =	shalt  }
0x3f: {  	_ =	shalt  }
0x40: {  	_ =	shalt  }
0x41: {  	_ =	shalt  }
0x42: {  	_ =	shalt  }
0x43: {  	_ =	shalt  }
0x44: {  	_ =	shalt  }
0x45: {  	_ =	shalt  }
0x46: {  	_ =	shalt  }
0x47: {  	_ =	shalt  }
0x48: {  	_ =	shalt  }
0x49: {  	_ =	shalt  }
0x4a: {  	_ =	shalt  }
0x4b: {  	_ =	shalt  }
0x4c: {  	_ =	shalt  }
0x4d: {  	_ =	shalt  }
0x4e: {  	_ =	shalt  }
0x4f: {  	_ =	shalt  }
0x50: {  	_ =	shalt  }
0x51: {  	_ =	shalt  }
0x52: {  	_ =	shalt  }
0x53: {  	_ =	shalt  }
0x54: {  	_ =	shalt  }
0x55: {  	_ =	shalt  }
0x56: {  	_ =	shalt  }
0x57: {  	_ =	shalt  }
0x58: {  	_ =	shalt  }
0x59: {  	_ =	shalt  }
0x5a: {  	_ =	shalt  }
0x5b: {  	_ =	shalt  }
0x5c: {  	_ =	shalt  }
0x5d: {  	_ =	shalt  }
0x5e: {  	_ =	shalt  }
0x5f: {  	_ =	shalt  }
0x60: {  	_ =	shalt  }
0x61: {  	_ =	shalt  }
0x62: {  	_ =	shalt  }
0x63: {  	_ =	shalt  }
0x64: {  	_ =	shalt  }
0x65: {  	_ =	shalt  }
0x66: {  	_ =	shalt  }
0x67: {  	_ =	shalt  }
0x68: {  	_ =	shalt  }
0x69: {  	_ =	shalt  }
0x6a: {  	_ =	shalt  }
0x6b: {  	_ =	shalt  }
0x6c: {  	_ =	shalt  }
0x6d: {  	_ =	shalt  }
0x6e: {  	_ =	shalt  }
0x6f: {  	_ =	shalt  }
0x70: {  	_ =	shalt  }
0x71: {  	_ =	shalt  }
0x72: {  	_ =	shalt  }
0x73: {  	_ =	shalt  }
0x74: {  	_ =	shalt  }
0x75: {  	_ =	shalt  }
0x76: {  	_ =	shalt  }
0x77: {  	_ =	shalt  }
0x78: {  	_ =	shalt  }
0x79: {  	_ =	shalt  }
0x7a: {  	_ =	shalt  }
0x7b: {  	_ =	shalt  }
0x7c: {  	_ =	shalt  }
0x7d: {  	_ =	shalt  }
0x7e: {  	_ =	shalt  }
0x7f: {  	_ =	shalt  }
0x80: {  	_ =	shalt  }
0x81: {  	_ =	shalt  }
0x82: {  	_ =	shalt  }
0x83: {  	_ =	shalt  }
0x84: {  	_ =	shalt  }
0x85: {  	_ =	shalt  }
0x86: {  	_ =	shalt  }
0x87: {  	_ =	shalt  }
.Lfunc_end0:
.L_simem_size_0:
called_computation.1_lowered:
.L_overlay_start_0:
0x88: {  	s2 =	sld [smem:$0x3FD9]  }
0x89: {  	s3 =	sld [smem:$0x3FFE];
	_ =	sdelay $0x1  }
0x8a: {  	s1 =	srdreg.scid  }
0x8b: {  	s0 =	sand.u32 $0x1, s1  }
0x8c: {  	s17 =	sshll.u32 s0, $0xA;
	s2 =	sadd.s32 s3, s2  }
0x8d: {  	s2 =	sadd.s32 s2, s17  }
0x8e: {  	[smem:$0x3FC0] =	sst s2  }
0x8f: {  	_ = 	snop  }
0x90: {  	s2 =	sld [smem:$0x3FD0];
	(tm) =	ssettm $0x1  }
0x91: {  	s18 =	sld [smem:$0x3FFB];
	_ =	sdelay $0x3  }
0x92: {  	_ =	strace s18  }
0x93: {  	s3 =	sld [smem:$0x3FFC];
	_ =	sdelay $0x3  }
0x94: {  	_ =	strace s3  }
0x95: {  	s3 =	sld [smem:$0x3FFD];
	_ =	sdelay $0x3  }
0x96: {  	_ =	strace s3  }
0x97: {  	_ =	strace $0x8FFFFFFF  }
0x98: {  	s19 =	sld [smem:$0x3FDB];
	_ =	sdelay $0x1  }
0x99: {  	s4 =	simm.s32 $_scs_section_size  }
0x9a: {  	s5 =	simm.s32 $_size__tile_overlayer_lowered;
	s6 =	simm.s32 $_tile_overlayer_lowered  }
0x9b: {  	s22 =	simm.s32 $0x1BFF;
	s21 =	sshll.u32 s6, $0x1;
	s3 =	sadd.s32 s4, s19  }
0x9c: {  	s7 =	simm.s32 $0x0;
	s20 =	sshll.u32 s5, $0x1;
	s5 =	sadd.s32 s21, s3  }
0x9d: {  	[timem:s7], [sflag:s22] =	dma.local [hbm:s5], s20  }
0x9e: {  	_ =	swait.ge [sflag:s22], s20  }
0x9f: {  	s4 =	ssub.s32 $0x0, s20;
	[sflag:s22] =	ssyncset.done $0x0  }
0xa0: {  	[sflag:s22] =	ssyncadd.s32 s4;
	_ =	sdelay $0x1  }
0xa1: {  	s23 =	simm.s32 $0x1B8B  }
0xa2: {  	_ =	swait.ge [sflag:s23], $0x1  }
0xa3: {  	[sflag:s23] =	ssyncset.done $0x0  }
0xa4: {  	s25 =	simm.s32 $0x1B8E;
	s24 =	sld [smem:$0x3FFE];
	[sflag:s23] =	ssyncadd.s32 $0xFFFFFFFF  }
0xa5: {  	s26 =	simm.s32 $execute0_lowered;
	[smem:$0x3FD2] =	sst s25  }
0xa6: {  	s5 =	sshll.u32 s26, $0x1;
	_ =	strace $0x80000049;
	[dreg:$0x1] =	wrdreg $0xFFFFFFFF  }
0xa7: {  	s28 =	simm.s32 $_size_execute0_lowered;
	s3 =	sadd.s32 s3, s5;
	[dreg:$0x0] =	wrdreg $0x0  }
0xa8: {  	s5 =	sshll.u32 s28, $0x1;
	[dreg:$0x2] =	wrdreg s3  }
0xa9: {  	[dreg:$0x3] =	wrdreg s5  }
0xaa: {  	[dreg:$0x4] =	wrdreg $0xC0  }
0xab: {  	_ =	task [dreg:s7], $0x5FFFF  }
0xac: {  	[dreg:$0x1] =	wrdreg $0xFFFFFFFF  }
0xad: {  	[dreg:$0x0] =	wrdreg $0x60  }
0xae: {  	[dreg:$0x2] =	wrdreg s24  }
0xaf: {  	[dreg:$0x3] =	wrdreg s2  }
0xb0: {  	[dreg:$0x4] =	wrdreg $0x8C000  }
0xb1: {  	[dreg:$0x5] =	wrdreg $0x9  }
0xb2: {  	_ =	task.clear_ibuf [dreg:s7], $0x6FFFF;
	_ =	strace $0x90000049  }
0xb3: {  	s29 =	simm.s32 $0x9;
	_ =	strace $0x8000004B  }
0xb4: {  	_ =	swait.ge [sflag:s29], $0x1  }
0xb5: {  	[sflag:s29] =	ssyncadd.s32 $0xFFFFFFFF  }
0xb6: {  	_ =	strace $0x9000004B  }
0xb7: {  	_ =	sfence  }
0xb8: {  	s30 =	sld [smem:$0x0];
	_ =	sdelay $0x2  }
0xb9: {  	s31 =	sshll.u32 s1, $0xD;
	s1 =	sshrl.u32 s1, $0x2  }
0xba: {  	s3 =	sand.u32 $0x4000, s31;
	s1 =	sadd.s32 s1, s30  }
0xbb: {  	s0 =	sor.u32 s3, s0;
	s1 =	sshll.u32 s1, $0x11  }
0xbc: {  	s0 =	sor.u32 s1, s0  }
0xbd: {  	s0 =	sadd.s32 $0x8F2B, s0  }
0xbe: {  	[sflag:s0] =	ssyncadd.remote.s32 $0x1  }
0xbf: {  	_ =	sfence.sel $0xFFFF  }
0xc0: {  	[dreg:$0x0] =	wrdreg $0xFFFFFFFF;
	(pc) =	sbr.abs _section_cstart, $3  }
0xc1: {  	[dreg:$0x1] =	wrdreg $0xFFFFFFFF  }
0xc2: {  	_ =	task.clear_ibuf [dreg:s7], $0x2FFFF;
	_ =	strace $0x9FFFFFFF  }
0xc3: {  	(tm) =	ssettm $0x7FFFFFFF  }
tec
execute0_lowered:
.L_overlay_start_1:
0x0: {  	(tag) =	ssettag $0x1  }
0x1: {  	s0 =	rddreg [dreg:$0x0]  }
0x2: {  	s1 =	rddreg [dreg:$0x1]  }
0x3: {  	s2 =	rddreg [dreg:$0x2];
	s3 =	srdreg.scid;
	s4 =	simm.s32 $0x0  }
0x4: {  	s26 =	stileid.u32;
	s16 =	simm.s32 $0xC00;
	s17 =	simm.s32 $0x3  }
0x5: {  	s18 =	simm.s32 $0x400;
	s19 =	simm.s32 $0x80;
	s20 =	simm.s32 $0x800  }
0x6: {  	s21 =	simm.s32 $0x1;
	s22 =	simm.s32 $0x4C00;
	s23 =	simm.s32 $0x2  }
0x7: {  	s8 =	sand.u32 $0x1, s3;
	[smem:$0x7FF] =	sst s4;
	s9 =	smul.u32 $0x13C00, s26  }
0x8: {  	s5 =	sadd.s32 $0x1600, s0;
	s6 =	sadd.s32 $0xB600, s0;
	s12 =	smul.u32 $0x4F000, s26  }
0x9: {  	s7 =	smul.u32 $0x13C000, s8;
	_ =	strace $0x8000004A;
	s11 =	ssub.s32 $0x2, s8  }
0xa: {  	p0 =	seq.s32 s8, $0x0;
	s28 =	sshrl.u32 s11, $0x1;
	s29 =	sshrl.u32 s12, $0x2  }
0xb: {  	s7 =	sadd.s32 s9, s7;
	s9 =	smul.u32 $0x50, s26;
	s15 =	ssub.s32 s11, s28  }
0xc: {  	s8 =	sadd.s32 s29, s2;
	s10 =	sshrl.u32 s7, $0x3;
	s7 =	sadd.s32 $0x1F600, s0  }
0xd: {  	s30 =	sadd.s32 $0x4000, s8;
	s31 =	sadd.s32 $0x8000, s8;
	s12 =	sadd.s32 $0xC000, s8  }
0xe: {  	s15 =	smax.u32 s15, $0x1;
	s13 =	sadd.s32 $0x500, s9;
	[dreg:$0x4] =	wrdreg s30  }
0xf: {  	s0 =	sadd.s32 s10, s0;
	[dreg:$0x5] =	wrdreg s31;
	s13 =	smov.u32 @p0 s9  }
0x10: {  	v0 =	vimm.f32 $0.0e+00;
	s14 =	sadd.s32 $0x29600, s0;
	s9 =	sshrl.u32 s13, $0x3;
	s13 =	sadd.s32 $0x10000, s8  }
.LBB2_1:
0x11: {  	s0 =	simm.s32 $0x0;
	s24 =	simm.s32 $0x200  }
.LBB2_2:
0x12: {  	p0 =	sne.s32 s24, $0xFE00;
	[tilespmem:s0+$0xC70] =	vst v0  }
0x13: {  	[tilespmem:s0+$0xC00] =	vst v0  }
0x14: {  	[tilespmem:s0+$0xC10] =	vst v0  }
.Ltmp0:
0x15: {  	[tilespmem:s0+$0xC20] =	vst v0;
	(pc) =	sbr.rel @p0 .LBB2_2-.Ltmp0, $4  }
0x16: {  	[tilespmem:s0+$0xC30] =	vst v0  }
0x17: {  	[tilespmem:s0+$0xC40] =	vst v0  }
0x18: {  	[tilespmem:s0+$0xC50] =	vst v0  }
0x19: {  	[tilespmem:s0+$0xC60] =	vst v0;
	s0 =	sshra.s32 s24, $0x2;
	s24 =	sadd.s32 $0x200, s24  }
0x1a: {  	[tilespmem:s0+$0xC70] =	vst v0  }
0x1b: {  	[tilespmem:s0+$0xC00] =	vst v0  }
0x1c: {  	[tilespmem:s0+$0xC10] =	vst v0  }
0x1d: {  	[tilespmem:s0+$0xC20] =	vst v0  }
0x1e: {  	[tilespmem:s0+$0xC30] =	vst v0  }
0x1f: {  	[tilespmem:s0+$0xC40] =	vst v0  }
0x20: {  	[tilespmem:s0+$0xC50] =	vst v0  }
0x21: {  	[tilespmem:s0+$0xC60] =	vst v0  }
0x22: {  	[spmem:s8] =	stream.linear.scatter [tilespmem:s16], [sflag:$0x3], $0x4000, $0x38;
	[tilespmem:$0x1C800] =	vst v63  }
0x23: {  	_ =	swait.ge [sflag:s17], $0x4000  }
0x24: {  	[sflag:s17] =	ssyncset.done $0x0  }
0x25: {  	s30 =	rddreg [dreg:$0x4];
	[sflag:s17] =	ssyncadd.s32 $0xFFFFC000  }
0x26: {  	[spmem:s30] =	stream.linear.scatter [tilespmem:s16], [sflag:$0x3], $0x4000, $0x38;
	[tilespmem:$0x1C800] =	vst v63  }
0x27: {  	_ =	swait.ge [sflag:s17], $0x4000  }
0x28: {  	[sflag:s17] =	ssyncset.done $0x0  }
0x29: {  	s31 =	rddreg [dreg:$0x5];
	[sflag:s17] =	ssyncadd.s32 $0xFFFFC000  }
0x2a: {  	[spmem:s31] =	stream.linear.scatter [tilespmem:s16], [sflag:$0x3], $0x4000, $0x38;
	[tilespmem:$0x1C800] =	vst v63  }
0x2b: {  	_ =	swait.ge [sflag:s17], $0x4000  }
0x2c: {  	[sflag:s17] =	ssyncset.done $0x0  }
0x2d: {  	[sflag:s17] =	ssyncadd.s32 $0xFFFFC000  }
0x2e: {  	[spmem:s12] =	stream.linear.scatter [tilespmem:s16], [sflag:$0x3], $0x4000, $0x38;
	[tilespmem:$0x1C800] =	vst v63  }
0x2f: {  	_ =	swait.ge [sflag:s17], $0x4000  }
0x30: {  	[sflag:s17] =	ssyncset.done $0x0  }
0x31: {  	[sflag:s17] =	ssyncadd.s32 $0xFFFFC000  }
0x32: {  	[spmem:s13] =	stream.linear.scatter [tilespmem:s16], [sflag:$0x3], $0x3C00, $0x38;
	[tilespmem:$0x1C800] =	vst v63  }
0x33: {  	_ =	swait.ge [sflag:s17], $0x3C00  }
0x34: {  	[sflag:s17] =	ssyncset.done $0x0  }
0x35: {  	[sflag:s17] =	ssyncadd.s32 $0xFFFFC400  }
0x36: {  	s24 =	simm.s32 $0x0;
	s25 =	simm.s32 $0x0;
	[bflag:$0x0] =	sbarrier.arrive $0xFFFF  }
.LBB2_4:
0x37: {  	s0 =	sadd.s32 s9, s25  }
0x38: {  	s26 =	sshll.u32 s0, $0x7  }
0x39: {  	s28 =	sadd.s32 s5, s26  }
0x3a: {  	[tilespmem:s24], [sflag:$0x3] =	stream.linear.gather [hbm4b:s28+s24], $0x400, $0x38;
	[tilespmem:$0x1C800] =	vst v63  }
0x3b: {  	_ =	swait.ge [sflag:s17], $0x400  }
0x3c: {  	[sflag:s17] =	ssyncset.done $0x0  }
0x3d: {  	s0 =	sshll.u32 s0, $0x4;
	s28 =	sadd.s32 s6, s26;
	[sflag:s17] =	ssyncadd.s32 $0xFFFFFC00  }
0x3e: {  	[tilespmem:s18], [sflag:$0x3] =	stream.linear.gather [hbm4b:s28+s24], $0x400, $0x38;
	[tilespmem:$0x1C800] =	vst v63  }
0x3f: {  	s0 =	sand.u32 $0x70, s0;
	_ =	swait.ge [sflag:s17], $0x400  }
0x40: {  	s26 =	sand.u32 $0xFFFFC00, s26;
	s0 =	sadd.s32 s7, s0;
	[sflag:s17] =	ssyncset.done $0x0  }
0x41: {  	s0 =	sadd.s32 s26, s0;
	[sflag:s17] =	ssyncadd.s32 $0xFFFFFC00  }
0x42: {  	[tilespmem:s20], [sflag:$0x3] =	stream.strided.gather [hbm4b:s0+s19], $0x400, s18, s19, $0x38;
	[tilespmem:$0x1C800] =	vst v63  }
0x43: {  	_ =	swait.ge [sflag:s17], $0x400  }
0x44: {  	[sflag:s17] =	ssyncset.done $0x0  }
0x45: {  	s26 =	simm.s32 $0x0;
	s28 =	simm.s32 $0x0;
	[sflag:s17] =	ssyncadd.s32 $0xFFFFFC00  }
0x46: {  	[tilespmem:s16], [sflag:$0x1] =	stream.indirect.gather [hbm4b:s1+s19], $0x80, s18, s19, $0xb8;
	[tilespmem:$0x1C800] =	vst v63  }
.LBB2_5:
0x47: {  	s29 =	sadd.s32 $0xFFFFFFFC, s26  }
0x48: {  	_ =	swait.ge [sflag:s21], $0x4000;
	s10 =	sadd.s32 $0x4, s29  }
0x49: {  	s11 =	sshll.u32 s28, $0x8;
	s0 =	sadd.s32 $0x6, s29;
	[sflag:s21] =	ssyncset.done $0x0;
	v2 =	vmov s10  }
0x4a: {  	s30 =	sadd.s32 $0x480, s11;
	v1 =	vmov s0;
	[sflag:s21] =	ssyncadd.s32 $0xFFFFC000;
	v2 =	vand.u32 $0xFFFFFFFC, v2  }
0x4b: {  	v1 =	vand.u32 $0xFFFFFFFE, v1;
	[tilespmem:s22], [sflag:$0x2] =	stream.indirect.gather [hbm4b:s1+s19], $0x80, s30, s19, $0xb8;
	v2 =	vbroadcast v2, $0x0;
	[tilespmem:$0x1C800] =	vst v63  }
0x4c: {  	s30 =	simm.s32 $0xD00;
	v1 =	vbroadcast v1, $0x0  }
0x4d: {  	v3 =	vld [tilespmem:s30+$0x70]  }
0x4e: {  	v5 =	vld [tilespmem:s30+$0xFFFFFF00]  }
0x4f: {  	s31 =	sadd.s32 $0x5, s29;
	v6 =	vld [tilespmem:s30+$0xFFFFFF10]  }
0x50: {  	v4 =	vmov s31;
	v7 =	vld [tilespmem:s30+$0xFFFFFF20]  }
0x51: {  	v4 =	vand.u32 $0xFFFFFFFD, v4;
	v2 =	vld.idx.msk [tilespmem:v2+s20+$0x0], $0xffff  }
0x52: {  	v4 =	vbroadcast v4, $0x0;
	v1 =	vld.idx.msk [tilespmem:v1+s20+$0x0], $0xffff  }
0x53: {  	v8 =	vld [tilespmem:s30+$0xFFFFFF30]  }
0x54: {  	v9 =	vld [tilespmem:s30+$0xFFFFFF40]  }
0x55: {  	v10 =	vld [tilespmem:s30+$0xFFFFFF50]  }
0x56: {  	v11 =	vld [tilespmem:s30+$0xFFFFFF60];
	v5 =	vmul.f32 v5, v2  }
0x57: {  	v13 =	vld [tilespmem:s30+$0xFFFFFFD0];
	v3 =	vmul.f32 v3, v1  }
0x58: {  	v4 =	vld.idx.msk [tilespmem:v4+s20+$0x0], $0xffff;
	[tilespmem:s30+$0xFFFFFF00] =	vst v5;
	v5 =	vmul.f32 v6, v2  }
0x59: {  	v6 =	vld [tilespmem:s30+$0xFFFFFF70];
	[tilespmem:s30+$0x70] =	vst v3;
	v3 =	vmul.f32 v7, v2  }
0x5a: {  	s29 =	sadd.s32 $0x7, s29;
	v7 =	vld [tilespmem:s30+$0xFFFFFF80];
	[tilespmem:s30+$0xFFFFFF10] =	vst v5;
	v5 =	vmul.f32 v8, v2  }
0x5b: {  	v12 =	vmov s29;
	v8 =	vld [tilespmem:s30+$0xFFFFFF90];
	[tilespmem:s30+$0xFFFFFF20] =	vst v3;
	v3 =	vmul.f32 v9, v2  }
0x5c: {  	v9 =	vld [tilespmem:s30+$0xFFFFFFA0];
	[tilespmem:s30+$0xFFFFFF30] =	vst v5;
	v5 =	vmul.f32 v10, v2  }
0x5d: {  	v10 =	vld [tilespmem:s30+$0xFFFFFFB0];
	[tilespmem:s30+$0xFFFFFF40] =	vst v3;
	v3 =	vmul.f32 v11, v2  }
0x5e: {  	v11 =	vld [tilespmem:s30+$0xFFFFFFC0];
	v6 =	vmul.f32 v6, v2;
	[tilespmem:s30+$0xFFFFFF50] =	vst v5  }
0x5f: {  	v14 =	vld [tilespmem:s30+$0xFFFFFFE0];
	v5 =	vmul.f32 v7, v4;
	[tilespmem:s30+$0xFFFFFF60] =	vst v3  }
0x60: {  	v2 =	vld.idx.msk [tilespmem:v12+s20+$0x0], $0xffff;
	v3 =	vmul.f32 v8, v4;
	[tilespmem:s30+$0xFFFFFF70] =	vst v6  }
0x61: {  	v8 =	vld [tilespmem:s30+$0xFFFFFFF0];
	[tilespmem:s30+$0xFFFFFF80] =	vst v5;
	v5 =	vmul.f32 v9, v4  }
0x62: {  	v7 =	vld [tilespmem:s30+$0x0];
	[tilespmem:s30+$0xFFFFFF90] =	vst v3;
	v3 =	vmul.f32 v10, v4  }
0x63: {  	v6 =	vld [tilespmem:s30+$0x10];
	v9 =	vmul.f32 v11, v4;
	[tilespmem:s30+$0xFFFFFFA0] =	vst v5  }
0x64: {  	v10 =	vmul.f32 v13, v4;
	v5 =	vld [tilespmem:s30+$0x20];
	[tilespmem:s30+$0xFFFFFFB0] =	vst v3  }
0x65: {  	[tilespmem:s30+$0xFFFFFFC0] =	vst v9;
	v3 =	vld [tilespmem:s30+$0x30];
	v9 =	vmul.f32 v14, v4  }
0x66: {  	s29 =	sor.u32 $0x80, s11;
	s0 =	simm.s32 $0x0;
	s31 =	simm.s32 $0xD00;
	[tilespmem:s30+$0xFFFFFFD0] =	vst v10;
	v8 =	vmul.f32 v8, v4;
	v4 =	vld [tilespmem:s30+$0x40]  }
.LBB2_6:
0x67: {  	s3 =	sadd.s32 s0, s26;
	s0 =	sadd.s32 $0x4, s0;
	[tilespmem:s30+$0xFFFFFFE0] =	vst v9;
	v7 =	vmul.f32 v7, v1;
	v9 =	vld [tilespmem:s30+$0x50]  }
0x68: {  	s10 =	sadd.s32 $0x4, s3;
	s11 =	sadd.s32 $0x6, s3;
	p0 =	slt.u32 s0, $0x7C;
	[tilespmem:s30+$0xFFFFFFF0] =	vst v8;
	v6 =	vmul.f32 v6, v1;
	v8 =	vld [tilespmem:s30+$0x60]  }
0x69: {  	v10 =	vmov s10;
	s10 =	sadd.s32 $0x5, s3;
	v11 =	vmov s11;
	s3 =	sadd.s32 $0x7, s3;
	[tilespmem:s30+$0x0] =	vst v7;
	v5 =	vmul.f32 v5, v1;
	v7 =	vld [tilespmem:s30+$0x80]  }
0x6a: {  	v10 =	vand.u32 $0xFFFFFFFC, v10;
	v12 =	vmov s10;
	v11 =	vand.u32 $0xFFFFFFFE, v11;
	[tilespmem:s30+$0x10] =	vst v6;
	v6 =	vld [tilespmem:s30+$0x90]  }
0x6b: {  	v10 =	vbroadcast v10, $0x0;
	v12 =	vand.u32 $0xFFFFFFFD, v12;
	v11 =	vbroadcast v11, $0x0;
	[tilespmem:s30+$0x20] =	vst v5;
	v5 =	vld [tilespmem:s30+$0xA0]  }
0x6c: {  	v13 =	vmov s3;
	v3 =	vmul.f32 v3, v1;
	v12 =	vbroadcast v12, $0x0;
	v14 =	vld [tilespmem:s30+$0xB0]  }
0x6d: {  	v4 =	vmul.f32 v4, v1;
	v9 =	vmul.f32 v9, v1;
	v15 =	vld [tilespmem:s30+$0xC0]  }
0x6e: {  	[tilespmem:s30+$0x30] =	vst v3;
	v3 =	vmul.f32 v8, v1;
	v7 =	vmul.f32 v7, v2;
	v8 =	vld [tilespmem:s30+$0xD0]  }
0x6f: {  	[tilespmem:s30+$0x40] =	vst v4;
	v4 =	vmul.f32 v6, v2;
	v6 =	vld [tilespmem:s30+$0xE0]  }
0x70: {  	[tilespmem:s30+$0x50] =	vst v9;
	v5 =	vmul.f32 v5, v2;
	v9 =	vld [tilespmem:s30+$0xF0]  }
0x71: {  	s30 =	sadd.s32 $0x200, s30;
	v1 =	vld.idx.msk [tilespmem:v11+s20+$0x0], $0xffff;
	[tilespmem:s31+$0x60] =	vst v3;
	v3 =	vmul.f32 v14, v2  }
0x72: {  	v11 =	vld [tilespmem:s30+$0x70];
	[tilespmem:s31+$0x80] =	vst v7;
	v7 =	vmul.f32 v15, v2  }
0x73: {  	v10 =	vld.idx.msk [tilespmem:v10+s20+$0x0], $0xffff;
	[tilespmem:s31+$0x90] =	vst v4;
	v4 =	vmul.f32 v8, v2  }
0x74: {  	v8 =	vld.idx.msk [tilespmem:v12+s20+$0x0], $0xffff;
	[tilespmem:s31+$0xA0] =	vst v5;
	v5 =	vmul.f32 v6, v2  }
0x75: {  	[tilespmem:s31+$0xB0] =	vst v3;
	v3 =	vmul.f32 v9, v2;
	v2 =	vld.idx.msk [tilespmem:v13+s20+$0x0], $0xffff  }
0x76: {  	v6 =	vld [tilespmem:s30+$0xFFFFFF00];
	[tilespmem:s31+$0xC0] =	vst v7  }
0x77: {  	v7 =	vld [tilespmem:s30+$0xFFFFFF10];
	v9 =	vmul.f32 v11, v1;
	[tilespmem:s31+$0xD0] =	vst v4  }
0x78: {  	v4 =	vld [tilespmem:s30+$0xFFFFFF20];
	[tilespmem:s31+$0xE0] =	vst v5  }
0x79: {  	v5 =	vld [tilespmem:s30+$0xFFFFFF30];
	[tilespmem:s30+$0x70] =	vst v9  }
0x7a: {  	v9 =	vld [tilespmem:s30+$0xFFFFFF40];
	[tilespmem:s31+$0xF0] =	vst v3;
	s31 =	smov.u32 s30  }
0x7b: {  	v3 =	vmul.f32 v6, v10;
	v6 =	vld [tilespmem:s30+$0xFFFFFF50]  }
0x7c: {  	v7 =	vmul.f32 v7, v10;
	v11 =	vld [tilespmem:s30+$0xFFFFFF60]  }
0x7d: {  	[tilespmem:s30+$0xFFFFFF00] =	vst v3;
	v3 =	vmul.f32 v4, v10;
	v4 =	vld [tilespmem:s30+$0xFFFFFF70]  }
0x7e: {  	[tilespmem:s30+$0xFFFFFF10] =	vst v7;
	v5 =	vmul.f32 v5, v10;
	v7 =	vld [tilespmem:s30+$0xFFFFFF80]  }
0x7f: {  	[tilespmem:s30+$0xFFFFFF20] =	vst v3;
	v3 =	vmul.f32 v9, v10;
	v9 =	vld [tilespmem:s30+$0xFFFFFF90]  }
0x80: {  	[tilespmem:s30+$0xFFFFFF30] =	vst v5;
	v5 =	vmul.f32 v6, v10;
	v6 =	vld [tilespmem:s30+$0xFFFFFFA0]  }
0x81: {  	[tilespmem:s30+$0xFFFFFF40] =	vst v3;
	v3 =	vmul.f32 v11, v10;
	v11 =	vld [tilespmem:s30+$0xFFFFFFB0]  }
0x82: {  	[tilespmem:s30+$0xFFFFFF50] =	vst v5;
	v4 =	vmul.f32 v4, v10;
	v5 =	vld [tilespmem:s30+$0xFFFFFFC0]  }
0x83: {  	[tilespmem:s30+$0xFFFFFF60] =	vst v3;
	v3 =	vmul.f32 v7, v8;
	v10 =	vld [tilespmem:s30+$0xFFFFFFD0]  }
0x84: {  	[tilespmem:s30+$0xFFFFFF70] =	vst v4;
	v4 =	vmul.f32 v9, v8;
	v9 =	vld [tilespmem:s30+$0xFFFFFFE0]  }
0x85: {  	[tilespmem:s30+$0xFFFFFF80] =	vst v3;
	v3 =	vmul.f32 v6, v8;
	v12 =	vld [tilespmem:s30+$0xFFFFFFF0]  }
.Ltmp1:
0x86: {  	[tilespmem:s30+$0xFFFFFF90] =	vst v4;
	v4 =	vmul.f32 v11, v8;
	v7 =	vld [tilespmem:s30+$0x0];
	(pc) =	sbr.rel @p0 .LBB2_6-.Ltmp1, $4  }
0x87: {  	[tilespmem:s30+$0xFFFFFFA0] =	vst v3;
	v3 =	vmul.f32 v5, v8;
	v6 =	vld [tilespmem:s30+$0x10]  }
0x88: {  	[tilespmem:s30+$0xFFFFFFB0] =	vst v4;
	v4 =	vmul.f32 v10, v8;
	v5 =	vld [tilespmem:s30+$0x20]  }
0x89: {  	[tilespmem:s30+$0xFFFFFFC0] =	vst v3;
	v9 =	vmul.f32 v9, v8;
	v3 =	vld [tilespmem:s30+$0x30]  }
0x8a: {  	[tilespmem:s30+$0xFFFFFFD0] =	vst v4;
	v8 =	vmul.f32 v12, v8;
	v4 =	vld [tilespmem:s30+$0x40]  }
0x8b: {  	v10 =	vld [tilespmem:s30+$0x50];
	[tilespmem:s30+$0xFFFFFFE0] =	vst v9;
	v7 =	vmul.f32 v7, v1  }
0x8c: {  	v9 =	vld [tilespmem:s30+$0x60];
	[tilespmem:s30+$0xFFFFFFF0] =	vst v8;
	v6 =	vmul.f32 v6, v1  }
0x8d: {  	v8 =	vld [tilespmem:s30+$0x80];
	[tilespmem:s30+$0x0] =	vst v7;
	v5 =	vmul.f32 v5, v1  }
0x8e: {  	v7 =	vld [tilespmem:s30+$0x90];
	[tilespmem:s30+$0x10] =	vst v6;
	v3 =	vmul.f32 v3, v1  }
0x8f: {  	v6 =	vld [tilespmem:s30+$0xA0];
	[tilespmem:s30+$0x20] =	vst v5;
	v4 =	vmul.f32 v4, v1  }
0x90: {  	v5 =	vld [tilespmem:s30+$0xB0];
	v10 =	vmul.f32 v10, v1;
	[tilespmem:s30+$0x30] =	vst v3  }
0x91: {  	v11 =	vld [tilespmem:s30+$0xC0];
	v1 =	vmul.f32 v9, v1;
	[tilespmem:s30+$0x40] =	vst v4  }
0x92: {  	v3 =	vld [tilespmem:s30+$0xD0];
	v4 =	vmul.f32 v8, v2;
	[tilespmem:s30+$0x50] =	vst v10  }
0x93: {  	v8 =	vld [tilespmem:s30+$0xE0];
	v7 =	vmul.f32 v7, v2;
	[tilespmem:s31+$0x60] =	vst v1  }
0x94: {  	v9 =	vld [tilespmem:s30+$0xF0];
	v1 =	vmul.f32 v6, v2;
	[tilespmem:s31+$0x80] =	vst v4  }
0x95: {  	v4 =	vmul.f32 v5, v2;
	[tilespmem:s31+$0x90] =	vst v7  }
0x96: {  	v5 =	vmul.f32 v11, v2;
	[tilespmem:s31+$0xA0] =	vst v1  }
0x97: {  	v1 =	vmul.f32 v3, v2;
	[tilespmem:s31+$0xB0] =	vst v4  }
0x98: {  	v3 =	vmul.f32 v8, v2;
	[tilespmem:s31+$0xC0] =	vst v5  }
0x99: {  	v2 =	vmul.f32 v9, v2;
	[tilespmem:s31+$0xD0] =	vst v1  }
0x9a: {  	s0 =	sshll.u32 s28, $0xA;
	[tilespmem:s31+$0xE0] =	vst v3  }
0x9b: {  	s3 =	sshrl.u32 s0, $0x2;
	[tilespmem:s31+$0xF0] =	vst v2  }
0x9c: {  	[spmem:s2] =	stream.indirect.scatter.add.f32 [tilespmem:s16], [sflag:$0x3], $0x80, s3, s19, $0xb8;
	[tilespmem:$0x1C800] =	vst v63  }
0x9d: {  	_ =	swait.ge [sflag:s17], $0x4000  }
0x9e: {  	s3 =	sadd.s32 $0xFFFFFFFC, s26;
	[sflag:s17] =	ssyncset.done $0x0  }
0x9f: {  	p0 =	seq.s32 s28, $0x3;
	s11 =	sadd.s32 $0x84, s3;
	[sflag:s17] =	ssyncadd.s32 $0xFFFFC000  }
0xa0: {  	s0 =	sshrl.u32 @!p0 s0, $0x2;
	s10 =	sadd.s32 $0x86, s3;
	v2 =	vmov s11;
	_ =	swait.ge [sflag:s23], $0x4000  }
0xa1: {  	s0 =	sadd.s32 @!p0 $0x500, s0;
	s30 =	simm.s32 $0x4D00;
	v1 =	vmov s10;
	v2 =	vand.u32 $0xFFFFFFFC, v2;
	[sflag:s23] =	ssyncset.done $0x0  }
0xa2: {  	s10 =	simm.s32 @!p0 $0x80;
	s11 =	simm.s32 @!p0 $0xC00;
	v1 =	vand.u32 $0xFFFFFFFE, v1;
	v2 =	vbroadcast v2, $0x0;
	[sflag:s23] =	ssyncadd.s32 $0xFFFFC000  }
0xa3: {  	v1 =	vbroadcast v1, $0x0;
	[tilespmem:s11], [sflag:$0x1] =	stream.indirect.gather @!p0 [hbm4b:s1+s10], $0x80, s0, s10, $0xb8;
	[tilespmem:$0x1C800] =	vst v63  }
0xa4: {  	v3 =	vld [tilespmem:s30+$0x70]  }
0xa5: {  	v5 =	vld [tilespmem:s30+$0xFFFFFF00]  }
0xa6: {  	s10 =	sadd.s32 $0x85, s3;
	v6 =	vld [tilespmem:s30+$0xFFFFFF10]  }
0xa7: {  	v4 =	vmov s10;
	v7 =	vld [tilespmem:s30+$0xFFFFFF20]  }
0xa8: {  	v4 =	vand.u32 $0xFFFFFFFD, v4;
	v2 =	vld.idx.msk [tilespmem:v2+s20+$0x0], $0xffff  }
0xa9: {  	v1 =	vld.idx.msk [tilespmem:v1+s20+$0x0], $0xffff;
	v4 =	vbroadcast v4, $0x0  }
0xaa: {  	v8 =	vld [tilespmem:s30+$0xFFFFFF30]  }
0xab: {  	v9 =	vld [tilespmem:s30+$0xFFFFFF40]  }
0xac: {  	v10 =	vld [tilespmem:s30+$0xFFFFFF50]  }
0xad: {  	v11 =	vld [tilespmem:s30+$0xFFFFFF60];
	v5 =	vmul.f32 v5, v2  }
0xae: {  	v13 =	vld [tilespmem:s30+$0xFFFFFFD0];
	v3 =	vmul.f32 v3, v1  }
0xaf: {  	v4 =	vld.idx.msk [tilespmem:v4+s20+$0x0], $0xffff;
	[tilespmem:s30+$0xFFFFFF00] =	vst v5;
	v5 =	vmul.f32 v6, v2  }
0xb0: {  	v6 =	vld [tilespmem:s30+$0xFFFFFF70];
	[tilespmem:s30+$0x70] =	vst v3;
	v3 =	vmul.f32 v7, v2  }
0xb1: {  	s11 =	sadd.s32 $0x87, s3;
	v7 =	vld [tilespmem:s30+$0xFFFFFF80];
	[tilespmem:s30+$0xFFFFFF10] =	vst v5;
	v5 =	vmul.f32 v8, v2  }
0xb2: {  	v12 =	vmov s11;
	v8 =	vld [tilespmem:s30+$0xFFFFFF90];
	[tilespmem:s30+$0xFFFFFF20] =	vst v3;
	v3 =	vmul.f32 v9, v2  }
0xb3: {  	v9 =	vld [tilespmem:s30+$0xFFFFFFA0];
	[tilespmem:s30+$0xFFFFFF30] =	vst v5;
	v5 =	vmul.f32 v10, v2  }
0xb4: {  	v10 =	vld [tilespmem:s30+$0xFFFFFFB0];
	[tilespmem:s30+$0xFFFFFF40] =	vst v3;
	v3 =	vmul.f32 v11, v2  }
0xb5: {  	v11 =	vld [tilespmem:s30+$0xFFFFFFC0];
	v6 =	vmul.f32 v6, v2;
	[tilespmem:s30+$0xFFFFFF50] =	vst v5  }
0xb6: {  	v14 =	vld [tilespmem:s30+$0xFFFFFFE0];
	v5 =	vmul.f32 v7, v4;
	[tilespmem:s30+$0xFFFFFF60] =	vst v3  }
0xb7: {  	v2 =	vld.idx.msk [tilespmem:v12+s20+$0x0], $0xffff;
	v3 =	vmul.f32 v8, v4;
	[tilespmem:s30+$0xFFFFFF70] =	vst v6  }
0xb8: {  	v8 =	vld [tilespmem:s30+$0xFFFFFFF0];
	[tilespmem:s30+$0xFFFFFF80] =	vst v5;
	v5 =	vmul.f32 v9, v4  }
0xb9: {  	v7 =	vld [tilespmem:s30+$0x0];
	[tilespmem:s30+$0xFFFFFF90] =	vst v3;
	v3 =	vmul.f32 v10, v4  }
0xba: {  	v6 =	vld [tilespmem:s30+$0x10];
	v9 =	vmul.f32 v11, v4;
	[tilespmem:s30+$0xFFFFFFA0] =	vst v5  }
0xbb: {  	v10 =	vmul.f32 v13, v4;
	v5 =	vld [tilespmem:s30+$0x20];
	[tilespmem:s30+$0xFFFFFFB0] =	vst v3  }
0xbc: {  	[tilespmem:s30+$0xFFFFFFC0] =	vst v9;
	v3 =	vld [tilespmem:s30+$0x30];
	v9 =	vmul.f32 v14, v4  }
0xbd: {  	s31 =	simm.s32 $0x4D00;
	s0 =	simm.s32 $0x0;
	[tilespmem:s30+$0xFFFFFFD0] =	vst v10;
	v8 =	vmul.f32 v8, v4;
	v4 =	vld [tilespmem:s30+$0x40]  }
.LBB2_8:
0xbe: {  	s3 =	sadd.s32 s0, s26;
	s0 =	sadd.s32 $0x4, s0;
	[tilespmem:s30+$0xFFFFFFE0] =	vst v9;
	v7 =	vmul.f32 v7, v1;
	v9 =	vld [tilespmem:s30+$0x50]  }
0xbf: {  	s10 =	sadd.s32 $0x84, s3;
	s11 =	sadd.s32 $0x86, s3;
	p0 =	slt.u32 s0, $0x7C;
	[tilespmem:s30+$0xFFFFFFF0] =	vst v8;
	v6 =	vmul.f32 v6, v1;
	v8 =	vld [tilespmem:s30+$0x60]  }
0xc0: {  	v10 =	vmov s10;
	s10 =	sadd.s32 $0x85, s3;
	v11 =	vmov s11;
	s3 =	sadd.s32 $0x87, s3;
	[tilespmem:s30+$0x0] =	vst v7;
	v5 =	vmul.f32 v5, v1;
	v7 =	vld [tilespmem:s30+$0x80]  }
0xc1: {  	v10 =	vand.u32 $0xFFFFFFFC, v10;
	v12 =	vmov s10;
	v11 =	vand.u32 $0xFFFFFFFE, v11;
	[tilespmem:s30+$0x10] =	vst v6;
	v6 =	vld [tilespmem:s30+$0x90]  }
0xc2: {  	v10 =	vbroadcast v10, $0x0;
	v12 =	vand.u32 $0xFFFFFFFD, v12;
	v11 =	vbroadcast v11, $0x0;
	[tilespmem:s30+$0x20] =	vst v5;
	v5 =	vld [tilespmem:s30+$0xA0]  }
0xc3: {  	v13 =	vmov s3;
	v3 =	vmul.f32 v3, v1;
	v12 =	vbroadcast v12, $0x0;
	v14 =	vld [tilespmem:s30+$0xB0]  }
0xc4: {  	v4 =	vmul.f32 v4, v1;
	v9 =	vmul.f32 v9, v1;
	v15 =	vld [tilespmem:s30+$0xC0]  }
0xc5: {  	[tilespmem:s30+$0x30] =	vst v3;
	v3 =	vmul.f32 v8, v1;
	v7 =	vmul.f32 v7, v2;
	v8 =	vld [tilespmem:s30+$0xD0]  }
0xc6: {  	[tilespmem:s30+$0x40] =	vst v4;
	v4 =	vmul.f32 v6, v2;
	v6 =	vld [tilespmem:s30+$0xE0]  }
0xc7: {  	[tilespmem:s30+$0x50] =	vst v9;
	v5 =	vmul.f32 v5, v2;
	v9 =	vld [tilespmem:s30+$0xF0]  }
0xc8: {  	s30 =	sadd.s32 $0x200, s30;
	v1 =	vld.idx.msk [tilespmem:v11+s20+$0x0], $0xffff;
	[tilespmem:s31+$0x60] =	vst v3;
	v3 =	vmul.f32 v14, v2  }
0xc9: {  	v11 =	vld [tilespmem:s30+$0x70];
	[tilespmem:s31+$0x80] =	vst v7;
	v7 =	vmul.f32 v15, v2  }
0xca: {  	v10 =	vld.idx.msk [tilespmem:v10+s20+$0x0], $0xffff;
	[tilespmem:s31+$0x90] =	vst v4;
	v4 =	vmul.f32 v8, v2  }
0xcb: {  	v8 =	vld.idx.msk [tilespmem:v12+s20+$0x0], $0xffff;
	[tilespmem:s31+$0xA0] =	vst v5;
	v5 =	vmul.f32 v6, v2  }
0xcc: {  	[tilespmem:s31+$0xB0] =	vst v3;
	v3 =	vmul.f32 v9, v2;
	v2 =	vld.idx.msk [tilespmem:v13+s20+$0x0], $0xffff  }
0xcd: {  	v6 =	vld [tilespmem:s30+$0xFFFFFF00];
	[tilespmem:s31+$0xC0] =	vst v7  }
0xce: {  	v7 =	vld [tilespmem:s30+$0xFFFFFF10];
	v9 =	vmul.f32 v11, v1;
	[tilespmem:s31+$0xD0] =	vst v4  }
0xcf: {  	v4 =	vld [tilespmem:s30+$0xFFFFFF20];
	[tilespmem:s31+$0xE0] =	vst v5  }
0xd0: {  	v5 =	vld [tilespmem:s30+$0xFFFFFF30];
	[tilespmem:s30+$0x70] =	vst v9  }
0xd1: {  	v9 =	vld [tilespmem:s30+$0xFFFFFF40];
	[tilespmem:s31+$0xF0] =	vst v3;
	s31 =	smov.u32 s30  }
0xd2: {  	v3 =	vmul.f32 v6, v10;
	v6 =	vld [tilespmem:s30+$0xFFFFFF50]  }
0xd3: {  	v7 =	vmul.f32 v7, v10;
	v11 =	vld [tilespmem:s30+$0xFFFFFF60]  }
0xd4: {  	[tilespmem:s30+$0xFFFFFF00] =	vst v3;
	v3 =	vmul.f32 v4, v10;
	v4 =	vld [tilespmem:s30+$0xFFFFFF70]  }
0xd5: {  	[tilespmem:s30+$0xFFFFFF10] =	vst v7;
	v5 =	vmul.f32 v5, v10;
	v7 =	vld [tilespmem:s30+$0xFFFFFF80]  }
0xd6: {  	[tilespmem:s30+$0xFFFFFF20] =	vst v3;
	v3 =	vmul.f32 v9, v10;
	v9 =	vld [tilespmem:s30+$0xFFFFFF90]  }
0xd7: {  	[tilespmem:s30+$0xFFFFFF30] =	vst v5;
	v5 =	vmul.f32 v6, v10;
	v6 =	vld [tilespmem:s30+$0xFFFFFFA0]  }
0xd8: {  	[tilespmem:s30+$0xFFFFFF40] =	vst v3;
	v3 =	vmul.f32 v11, v10;
	v11 =	vld [tilespmem:s30+$0xFFFFFFB0]  }
0xd9: {  	[tilespmem:s30+$0xFFFFFF50] =	vst v5;
	v4 =	vmul.f32 v4, v10;
	v5 =	vld [tilespmem:s30+$0xFFFFFFC0]  }
0xda: {  	[tilespmem:s30+$0xFFFFFF60] =	vst v3;
	v3 =	vmul.f32 v7, v8;
	v10 =	vld [tilespmem:s30+$0xFFFFFFD0]  }
0xdb: {  	[tilespmem:s30+$0xFFFFFF70] =	vst v4;
	v4 =	vmul.f32 v9, v8;
	v9 =	vld [tilespmem:s30+$0xFFFFFFE0]  }
0xdc: {  	[tilespmem:s30+$0xFFFFFF80] =	vst v3;
	v3 =	vmul.f32 v6, v8;
	v12 =	vld [tilespmem:s30+$0xFFFFFFF0]  }
.Ltmp2:
0xdd: {  	[tilespmem:s30+$0xFFFFFF90] =	vst v4;
	v4 =	vmul.f32 v11, v8;
	v7 =	vld [tilespmem:s30+$0x0];
	(pc) =	sbr.rel @p0 .LBB2_8-.Ltmp2, $4  }
0xde: {  	[tilespmem:s30+$0xFFFFFFA0] =	vst v3;
	v3 =	vmul.f32 v5, v8;
	v6 =	vld [tilespmem:s30+$0x10]  }
0xdf: {  	[tilespmem:s30+$0xFFFFFFB0] =	vst v4;
	v4 =	vmul.f32 v10, v8;
	v5 =	vld [tilespmem:s30+$0x20]  }
0xe0: {  	[tilespmem:s30+$0xFFFFFFC0] =	vst v3;
	v9 =	vmul.f32 v9, v8;
	v3 =	vld [tilespmem:s30+$0x30]  }
0xe1: {  	[tilespmem:s30+$0xFFFFFFD0] =	vst v4;
	v8 =	vmul.f32 v12, v8;
	v4 =	vld [tilespmem:s30+$0x40]  }
0xe2: {  	v10 =	vld [tilespmem:s30+$0x50]  }
0xe3: {  	[tilespmem:s30+$0xFFFFFFE0] =	vst v9;
	v7 =	vmul.f32 v7, v1;
	v54 =	vld [tilespmem:s30+$0x60]  }
0xe4: {  	v55 =	vld [tilespmem:s30+$0x80];
	[tilespmem:s30+$0xFFFFFFF0] =	vst v8;
	v6 =	vmul.f32 v6, v1  }
0xe5: {  	v56 =	vld [tilespmem:s30+$0x90];
	[tilespmem:s30+$0x0] =	vst v7;
	v5 =	vmul.f32 v5, v1  }
0xe6: {  	v57 =	vld [tilespmem:s30+$0xA0];
	[tilespmem:s30+$0x10] =	vst v6;
	v3 =	vmul.f32 v3, v1  }
0xe7: {  	v58 =	vld [tilespmem:s30+$0xB0];
	[tilespmem:s30+$0x20] =	vst v5;
	v4 =	vmul.f32 v4, v1  }
0xe8: {  	v11 =	vld [tilespmem:s30+$0xC0];
	v10 =	vmul.f32 v10, v1;
	[tilespmem:s30+$0x30] =	vst v3  }
0xe9: {  	v60 =	vld [tilespmem:s30+$0xE0];
	v59 =	vmul.f32 v55, v2;
	[tilespmem:s30+$0x40] =	vst v4  }
0xea: {  	v3 =	vld [tilespmem:s30+$0xD0];
	v7 =	vmul.f32 v56, v2;
	[tilespmem:s30+$0x50] =	vst v10  }
0xeb: {  	v61 =	vld [tilespmem:s30+$0xF0];
	v1 =	vmul.f32 v54, v1;
	[tilespmem:s31+$0x80] =	vst v59  }
0xec: {  	v62 =	vmul.f32 v58, v2;
	[tilespmem:s31+$0x90] =	vst v7  }
0xed: {  	[tilespmem:s31+$0x60] =	vst v1;
	v1 =	vmul.f32 v57, v2  }
0xee: {  	v63 =	vmul.f32 v11, v2;
	[tilespmem:s31+$0xB0] =	vst v62  }
0xef: {  	[tilespmem:s31+$0xA0] =	vst v1;
	v1 =	vmul.f32 v3, v2  }
0xf0: {  	[tilespmem:s31+$0xC0] =	vst v63;
	v3 =	vmul.f32 v60, v2  }
0xf1: {  	s28 =	sadd.s32 $0x1, s28;
	v2 =	vmul.f32 v61, v2;
	[tilespmem:s31+$0xD0] =	vst v1  }
0xf2: {  	p0 =	sne.s32 s28, $0x4;
	[tilespmem:s31+$0xE0] =	vst v3  }
.Ltmp3:
0xf3: {  	[tilespmem:s31+$0xF0] =	vst v2;
	(pc) =	sbr.rel @p0 .LBB2_5-.Ltmp3, $4  }
0xf4: {  	[spmem:s2] =	stream.indirect.scatter.add.f32 [tilespmem:s22], [sflag:$0x3], $0x80, s29, s19, $0xb8;
	[tilespmem:$0x1C800] =	vst v63  }
0xf5: {  	_ =	swait.ge [sflag:s17], $0x4000  }
0xf6: {  	[sflag:s17] =	ssyncset.done $0x0  }
0xf7: {  	s26 =	sadd.s32 $0x100, s26;
	[sflag:s17] =	ssyncadd.s32 $0xFFFFC000  }
0xf8: {  	s25 =	sadd.s32 $0x1, s25  }
0xf9: {  	p0 =	sne.s32 s25, $0xA  }
.Ltmp4:
0xfa: {  	_ = 	snop;
	(pc) =	sbr.rel @p0 .LBB2_4-.Ltmp4, $1  }
0xfb: {  	_ =	sdelay $0x3  }
0xfc: {  	s0 =	stileid.u32;
	s4 =	sadd.s32 $0x1, s4  }
0xfd: {  	[bflag:$0x0] =	sbarrier.arrive $0xFFFF;
	s0 =	sshll.u32 s0, $0x6;
	p0 =	sne.s32 s4, s15  }
.Ltmp5:
0xfe: {  	s3 =	sshrl.u32 s8, $0x3;
	s0 =	sor.u32 $0x1C03, s0;
	(pc) =	sbr.rel @p0 .LBB2_1-.Ltmp5, $4  }
0xff: {  	[hbm:s14], [sflag:s0] =	dma.local [spmem:s3], $0x2780  }
0x100: {  	_ =	swait.ge [sflag:s17], $0x2780  }
0x101: {  	[sflag:s17] =	ssyncset.done $0x0  }
0x102: {  	[sflag:s17] =	ssyncadd.s32 $0xFFFFD880  }
0x103: {  	_ =	sfence.sel $0x180000  }
0x104: {  	[bflag:$0x0] =	sbarrier.arrive $0xFFFF  }
0x105: {  	_ =	strace $0x9000004A  }
0x106: {  	s0 =	stileid.u32;
	[bflag:$0x2] =	sbarrier.arrive $0xFFFF  }
0x107: {  	p0 =	sne.s32 s0, $0x0;
	s0 =	rddreg [dreg:$0x3]  }
0x108: {  	s0 =	sadd.s32 @!p0 $0x100000, s0  }
0x109: {  	[sflag:s0] =	ssyncadd.tile.s32 @!p0 $0x1;
	_ =	shalt  }
.Lfunc_end2:
_tile_overlayer_lowered:
.L_overlay_start_2:
0x10a: {  	(tag) =	ssettag $0x2  }
0x10b: {  	s0 =	rddreg [dreg:$0x0];
	s2 =	stileid.u32  }
0x10c: {  	s1 =	rddreg [dreg:$0x1];
	p0 =	sne.s32 s2, $0x0  }
0x10d: {  	s3 =	rddreg [dreg:$0x2];
	[bflag:$0x3] =	sbarrier.arrive $0xFFFF;
	s2 =	simm.s32 @!p0 $0x1C03  }
0x10e: {  	[timem:s3], [sflag:s2] =	dma.local @!p0 [hbm:s0], s1  }
0x10f: {  	s0 =	simm.s32 @!p0 $0x3  }
0x110: {  	_ =	swait.ge @!p0 [sflag:s0], s1  }
0x111: {  	s1 =	ssub.s32 @!p0 $0x0, s1;
	[sflag:s0] =	ssyncset.done @!p0 $0x0  }
0x112: {  	[sflag:s0] =	ssyncadd.s32 @!p0 s1  }
0x113: {  	[bflag:$0x3] =	sbarrier.arrive $0xFFFF  }
0x114: {  	_ =	shalt  }

</sc_bundles>
